<compile_context>
chip_gen: v7x
topology: tpu7x:2x2x1
jax: 0.10.2.dev20260603
libtpu: 0.0.44.dev20260713+nightly
codegen_flags: <defaults>
</compile_context>

<pallas_src>
import functools

import jax
import jax.numpy as jnp
from jax import lax
from jax.experimental import pallas as pl
from jax.experimental.pallas import tpu as pltpu
from jax.experimental.pallas import tpu_sc as plsc

_N = 10000
_E = 320000
_H = 128
_OUT = 40
_POOL = 4

_NC = 2
_NS = 16
_NW = _NC * _NS
_CH = 128
_CPT = 80
_CPH = 40
_NCH = _NW * _CPT
_EP = _NCH * _CH
_NP = 10240
_ROWS_PER_TILE = _NP // _NS
_NPAD = _NP - _N

_BR = 1024
_G = _NP // _BR
_BC = _BR // _POOL


def _sc_mesh():
    return plsc.VectorSubcoreMesh(core_axis_name="c", subcore_axis_name="s")



def _deg_partials(dst2d, ones_rows, zero_rows):

    @functools.partial(
        pl.kernel,
        mesh=_sc_mesh(),
        out_type=jax.ShapeDtypeStruct((_NC, _NP, _H), jnp.float32),
        scratch_types=[
            pltpu.VMEM_SHARED((_NP, _H), jnp.float32),
            pltpu.VMEM((_CPT, _CH), jnp.int32),
            pltpu.VMEM((_CH, _H), jnp.float32),
            pltpu.SemaphoreType.DMA,
        ],
    )
    def k(dst_hbm, ones_hbm, z_hbm, out_hbm, acc, dst_v, ones_v, sem):
        c = lax.axis_index("c")
        s = lax.axis_index("s")
        w = s * _NC + c
        row0 = s * _ROWS_PER_TILE
        ch0 = w * _CPT
        pltpu.sync_copy(z_hbm, acc.at[pl.ds(row0, _ROWS_PER_TILE)])
        pltpu.sync_copy(dst_hbm.at[pl.ds(ch0, _CPT)], dst_v)
        pltpu.sync_copy(ones_hbm, ones_v)
        plsc.subcore_barrier()

        def body(j, carry):
            pltpu.async_copy(ones_v, acc.at[dst_v.at[j]], sem, add=True)

            @pl.when(j >= 4)
            def _():
                pltpu.make_async_copy(ones_v, acc.at[dst_v.at[j - 4]],
                                      sem).wait()

            return carry

        lax.fori_loop(0, _CPT, body, 0)
        for t in range(4):
            pltpu.make_async_copy(ones_v, acc.at[dst_v.at[_CPT - 4 + t]],
                                  sem).wait()
        plsc.subcore_barrier()
        pltpu.sync_copy(acc.at[pl.ds(row0, _ROWS_PER_TILE)],
                        out_hbm.at[c, pl.ds(row0, _ROWS_PER_TILE)])

    return k(dst2d, ones_rows, zero_rows)


def _agg_partials(hn, src2d, dst2d, zero_rows):

    @functools.partial(
        pl.kernel,
        mesh=_sc_mesh(),
        out_type=jax.ShapeDtypeStruct((_NC, _NP, _H), jnp.float32),
        scratch_types=[
            pltpu.VMEM_SHARED((_NP, _H), jnp.float32),
            pltpu.VMEM((_CPH, _CH), jnp.int32),
            pltpu.VMEM((_CPH, _CH), jnp.int32),
            pltpu.VMEM((_CH, _H), jnp.float32),
            pltpu.VMEM((_CH, _H), jnp.float32),
            pltpu.SemaphoreType.DMA,
            pltpu.SemaphoreType.DMA,
        ],
    )
    def k(hn_hbm, src_hbm, dst_hbm, z_hbm, out_hbm, acc, src_v, dst_v,
          rows0, rows1, sem0, sem1):
        c = lax.axis_index("c")
        s = lax.axis_index("s")
        w = s * _NC + c
        row0 = s * _ROWS_PER_TILE

        rows = (rows0, rows1)
        sems = (sem0, sem1)

        def gath(j, b):
            return pltpu.make_async_copy(hn_hbm.at[src_v.at[j]], rows[b],
                                         sems[b])

        for ph in range(2):
            ch0 = w * _CPT + ph * _CPH
            pltpu.sync_copy(src_hbm.at[pl.ds(ch0, _CPH)], src_v)
            pltpu.sync_copy(dst_hbm.at[pl.ds(ch0, _CPH)], dst_v)

            gath(0, 0).start()
            gath(1, 1).start()

            if ph == 0:
                pltpu.sync_copy(z_hbm, acc.at[pl.ds(row0, _ROWS_PER_TILE)])
                plsc.subcore_barrier()

            def body(i, carry):
                for b in range(2):
                    j = 2 * i + b
                    gath(j, b).wait()
                    pltpu.sync_copy(rows[b], acc.at[dst_v.at[j]], add=True)

                    @pl.when(j + 2 < _CPH)
                    def _():
                        gath(j + 2, b).start()

                return carry

            lax.fori_loop(0, _CPH // 2, body, 0)
        plsc.subcore_barrier()
        pltpu.sync_copy(acc.at[pl.ds(row0, _ROWS_PER_TILE)],
                        out_hbm.at[c, pl.ds(row0, _ROWS_PER_TILE)])

    return k(hn, src2d, dst2d, zero_rows)



def _row_spec(d):
    return pl.BlockSpec((_BR, d), lambda i: (i, 0))


def _plane_spec(d, c):
    return pl.BlockSpec((1, _BR, d), lambda i, _c=c: (_c, i, 0))


def _full_spec(shape):
    nd = len(shape)
    return pl.BlockSpec(shape, lambda i: (0,) * nd)


def _tc_call(body, out_shapes, row_args, full_args):
    in_specs = []
    arrs = []
    for a in row_args:
        if isinstance(a, tuple):
            arr, plane = a
            in_specs.append(_plane_spec(arr.shape[2], plane))
            arrs.append(arr)
        else:
            in_specs.append(_row_spec(a.shape[1]))
            arrs.append(a)
    row_args = arrs
    in_specs += [_full_spec(a.shape) for a in full_args]
    out_specs = [_row_spec(s[1]) for s in out_shapes]
    out_shape = [jax.ShapeDtypeStruct(s, jnp.float32) for s in out_shapes]
    single = len(out_shapes) == 1
    res = pl.pallas_call(
        body,
        grid=(_G,),
        in_specs=in_specs,
        out_specs=out_specs[0] if single else out_specs,
        out_shape=out_shape[0] if single else out_shape,
        compiler_params=pltpu.CompilerParams(
            dimension_semantics=("arbitrary",)),
    )(*row_args, *full_args)
    return res


def _nrm(d0, d1):
    return lax.rsqrt(d0[0, :, 0:1] + d1[0, :, 0:1] + 1.0)


def _psum(p0, p1):
    return p0[0] + p1[0]


def _mm(a, b):
    return jnp.dot(a, b, preferred_element_type=jnp.float32)


def _t1_body(x, d0, d1, W1, b1, W2, b2, h0_o, hn_o):
    nrm = _nrm(d0[...], d1[...])
    t = jnp.maximum(_mm(x[...], W1[...]) + b1[...], 0.0)
    h0 = _mm(t, W2[...]) + b2[...]
    h0_o[...] = h0
    hn_o[...] = h0 * nrm


def _t2_body(p0, p1, d0, d1, W, b, hn_o):
    nrm = _nrm(d0[...], d1[...])
    agg = _psum(p0[...], p1[...]) * nrm
    h = jnp.maximum(_mm(agg, W[...]) + b[...], 0.0)
    hn_o[...] = h * nrm


def _t3_body(p0, p1, d0, d1, h0, Wg2, bg2, ws, Wdp, bdp, Wdq, bdq, P, PT,
             hn_o):
    nrm = _nrm(d0[...], d1[...])
    agg = _psum(p0[...], p1[...]) * nrm
    hg = jnp.maximum(_mm(agg, Wg2[...]) + bg2[...], 0.0)
    sc = _mm(hg, ws[...])
    ns = 1.0 / (1.0 + jnp.exp(-sc))
    hd = jnp.maximum(_mm(hg, Wdp[...]) + bdp[...], 0.0)
    hp_pre = _mm(P[...], hd)
    ps = _mm(P[...], ns) * 0.25
    hp = jnp.maximum(_mm(hp_pre, Wdq[...]) + bdq[...], 0.0) * ps
    hu = _mm(PT[...], hp) + h0[...]
    hn_o[...] = hu * nrm


def _t5_body(p0, p1, d0, d1, W, b, Wp1, bp1, Wp2, bp2, out_o):
    nrm = _nrm(d0[...], d1[...])
    agg = _psum(p0[...], p1[...]) * nrm
    h = jnp.maximum(_mm(agg, W[...]) + b[...], 0.0)
    t = jnp.maximum(_mm(h, Wp1[...]) + bp1[...], 0.0)
    out_o[...] = _mm(t, Wp2[...]) + bp2[...]



def kernel(x, edge_index, W1, b1, W2, b2, Wg1, bg1, Wg2, bg2, w_score,
           Wdp, bdp, Wdq, bdq, Wp1, bp1, Wp2, bp2):
    src = edge_index[0].astype(jnp.int32)
    dst = edge_index[1].astype(jnp.int32)

    pad = _N + (jnp.arange(_EP - _E, dtype=jnp.int32) % _NPAD)
    src2d = jnp.concatenate([src, pad]).reshape(_NCH, _CH)
    dst2d = jnp.concatenate([dst, pad]).reshape(_NCH, _CH)

    ones_rows = jnp.ones((_CH, _H), jnp.float32)
    zero128 = jnp.zeros((_ROWS_PER_TILE, _H), jnp.float32)

    rows = jnp.arange(_BC)[:, None]
    cols = jnp.arange(_BR)[None, :]
    P = (cols // _POOL == rows).astype(jnp.float32)
    PT = P.T

    b1r = b1.reshape(1, _H)
    b2r = b2.reshape(1, _H)
    bg1r = bg1.reshape(1, _H)
    bg2r = bg2.reshape(1, _H)
    bdpr = bdp.reshape(1, _H)
    bdqr = bdq.reshape(1, _H)
    bp1r = bp1.reshape(1, _H)
    bp2r = bp2.reshape(1, _OUT)
    wsr = w_score.reshape(_H, 1)

    degp = _deg_partials(dst2d, ones_rows, zero128)
    degs = degp[:, :, :8]
    dd = [(degs, 0), (degs, 1)]

    h0, hn0 = _tc_call(_t1_body, [(_NP, _H), (_NP, _H)],
                       [x] + dd, [W1, b1r, W2, b2r])

    p = _agg_partials(hn0, src2d, dst2d, zero128)
    hn1 = _tc_call(_t2_body, [(_NP, _H)],
                   [(p, 0), (p, 1)] + dd, [Wg1, bg1r])

    p = _agg_partials(hn1, src2d, dst2d, zero128)
    hnu = _tc_call(_t3_body, [(_NP, _H)],
                   [(p, 0), (p, 1)] + dd + [h0],
                   [Wg2, bg2r, wsr, Wdp, bdpr, Wdq, bdqr, P, PT])

    p = _agg_partials(hnu, src2d, dst2d, zero128)
    hnu1 = _tc_call(_t2_body, [(_NP, _H)],
                    [(p, 0), (p, 1)] + dd, [Wg1, bg1r])

    p = _agg_partials(hnu1, src2d, dst2d, zero128)
    out = _tc_call(_t5_body, [(_N, _OUT)],
                   [(p, 0), (p, 1)] + dd, [Wg2, bg2r, Wp1, bp1r, Wp2, bp2r])
    return out

# --- scband reference (transcript-rebuilt; emitter-appended) ---
"""Pipeline reference for scband-gpnn-55216099557610 (READ-ONLY COPY).

The authoritative reference and input builder live on the scoring server;
editing this copy changes nothing except your own understanding.
"""

import jax, jax.numpy as jnp
import numpy as np

N = 10000
E = 320000
D_IN = 128
H = 128
OUT = 40
POOL = 4
C = N // POOL


def setup_inputs(seed: int = 0) -> dict:
    key = jax.random.key(seed)
    ks = jax.random.split(key, 24)
    s = 1.0 / np.sqrt(H)
    inp = {}
    inp['x'] = jax.random.normal(ks[0], (N, D_IN), dtype=jnp.float32)
    inp['edge_index'] = jax.random.randint(ks[1], (2, E), 0, N)
    inp['W1'] = jax.random.normal(ks[2], (D_IN, H), dtype=jnp.float32) * s
    inp['b1'] = jnp.zeros((H,), jnp.float32)
    inp['W2'] = jax.random.normal(ks[3], (H, H), dtype=jnp.float32) * s
    inp['b2'] = jnp.zeros((H,), jnp.float32)
    inp['Wg1'] = jax.random.normal(ks[4], (H, H), dtype=jnp.float32) * s
    inp['bg1'] = jnp.zeros((H,), jnp.float32)
    inp['Wg2'] = jax.random.normal(ks[5], (H, H), dtype=jnp.float32) * s
    inp['bg2'] = jnp.zeros((H,), jnp.float32)
    inp['w_score'] = jax.random.normal(ks[6], (H,), dtype=jnp.float32) * s
    inp['Wdp'] = jax.random.normal(ks[7], (H, H), dtype=jnp.float32) * s
    inp['bdp'] = jnp.zeros((H,), jnp.float32)
    inp['Wdq'] = jax.random.normal(ks[8], (H, H), dtype=jnp.float32) * s
    inp['bdq'] = jnp.zeros((H,), jnp.float32)
    inp['Wp1'] = jax.random.normal(ks[9], (H, H), dtype=jnp.float32) * s
    inp['bp1'] = jnp.zeros((H,), jnp.float32)
    inp['Wp2'] = jax.random.normal(ks[10], (H, OUT), dtype=jnp.float32) * s
    inp['bp2'] = jnp.zeros((OUT,), jnp.float32)
    return inp


def _mlp2(h, Wa, ba, Wb, bb):
    h = jax.nn.relu(h @ Wa + ba)
    return h @ Wb + bb


def _gcn(h, src, dst, W, b):
    deg = jnp.zeros((N,), jnp.float32).at[dst].add(1.0) + 1.0
    nrm = jax.lax.rsqrt(deg)
    coef = (nrm[src] * nrm[dst])[:, None]
    agg = jnp.zeros((N, h.shape[1]), jnp.float32).at[dst].add(h[src] * coef)
    return jax.nn.relu(agg @ W + b)


def reference(x, edge_index, W1, b1, W2, b2, Wg1, bg1, Wg2, bg2, w_score, Wdp, bdp, Wdq, bdq, Wp1, bp1, Wp2, bp2):
    src = edge_index[0]
    dst = edge_index[1]
    # input_trans MLP
    h0 = _mlp2(x, W1, b1, W2, b2)
    # gnn1 (2 GCN layers); gnn2 shares gnn1 output (layer_gnn2='share')
    hg = _gcn(h0, src, dst, Wg1, bg1)
    hg = _gcn(hg, src, dst, Wg2, bg2)
    # parsing net: per-node scores + single-level cluster assignment s
    node_score = jax.nn.sigmoid(hg @ w_score)
    cluster = jnp.arange(N) // POOL
    ones = jnp.ones((N,), jnp.float32)
    counts = jnp.zeros((C,), jnp.float32).at[cluster].add(ones)
    pooled_score = jnp.zeros((C,), jnp.float32).at[cluster].add(node_score) / counts
    # deepsets_pre -> s.T @ h (scatter-add pooling) -> deepsets_post
    hd = jax.nn.relu(hg @ Wdp + bdp)
    hp = jnp.zeros((C, H), jnp.float32).at[cluster].add(hd)
    hp = jax.nn.relu(hp @ Wdq + bdq)
    hp = hp * pooled_score[:, None] * counts[:, None]
    # task_node unpooling: h = h * (1/link_counts); h = s @ h; h = h + h_init; gnn3 (shared)
    hp = hp / counts[:, None]
    hu = hp[cluster]
    hu = hu + h0
    hu = _gcn(hu, src, dst, Wg1, bg1)
    hu = _gcn(hu, src, dst, Wg2, bg2)
    # predictor MLP
    out = _mlp2(hu, Wp1, bp1, Wp2, bp2)
    return out

if __name__ == "__main__":
    import jax
    _d = setup_inputs()
    print(jax.jit(kernel)(*tuple(_d.values())))

</pallas_src>

<mosaic_0001>
#map = affine_map<(d0, d1) -> (0, 0)>
#map1 = affine_map<(d0, d1) -> (0, 0, 0)>
module attributes {stable_mosaic.version = 14 : i64} {
  func.func @k(%arg0: i32, %arg1: i32, %arg2: memref<10240x128xf32, #tpu.memory_space<hbm>>, %arg3: memref<2560x128xi32, #tpu.memory_space<hbm>>, %arg4: memref<2560x128xi32, #tpu.memory_space<hbm>>, %arg5: memref<640x128xf32, #tpu.memory_space<hbm>>, %arg6: memref<2x10240x128xf32, #tpu.memory_space<hbm>>, %arg7: memref<10240x128xf32, #tpu.memory_space<vmem_shared>>, %arg8: memref<40x128xi32, #tpu.memory_space<vmem>>, %arg9: memref<40x128xi32, #tpu.memory_space<vmem>>, %arg10: memref<128x128xf32, #tpu.memory_space<vmem>>, %arg11: memref<128x128xf32, #tpu.memory_space<vmem>>, %arg12: memref<!tpu.dma_semaphore, #tpu.memory_space<semaphore_mem>>, %arg13: memref<!tpu.dma_semaphore, #tpu.memory_space<semaphore_mem>>) attributes {dimension_semantics = [#tpu.dimension_semantics<core_parallel>, #tpu.dimension_semantics<subcore_parallel>], iteration_bounds = array<i64: 2, 16>, scalar_prefetch = 0 : i64, scratch_operands = 7 : i64, tpu.core_type = #tpu.core_type<sc_vector_subcore>, window_params = [{transform_indices = #map}, {transform_indices = #map}, {transform_indices = #map}, {transform_indices = #map}, {transform_indices = #map1}]} {
    %mul3A = arith.constant 2 : i32
    %mul3A_0 = arith.muli %arg1, %mul3A : i32
    %add3A = arith.addi %mul3A_0, %arg0 : i32
    %mul3A_1 = arith.constant 640 : i32
    %mul3A_2 = arith.muli %arg1, %mul3A_1 : i32
    %mul3A_3 = arith.constant 80 : i32
    %mul3A_4 = arith.muli %add3A, %mul3A_3 : i32
    %add3A_5 = arith.constant 0 : i32
    %add3A_6 = arith.addi %mul3A_4, %add3A_5 : i32
    "tpu.region"() ({
      %run_scoped3A = tpu.sem_alloc : memref<!tpu.dma_semaphore, #tpu.memory_space<semaphore_mem>>
      %dma_start3A_50 = arith.constant 0 : i32
      %dma_start3A_51 = tpu.memref_slice %arg3[%add3A_6, %dma_start3A_50] : memref<2560x128xi32, #tpu.memory_space<hbm>> -> memref<40x128xi32, #tpu.memory_space<hbm>>
      %dma_start3A_52 = arith.constant 0 : i32
      %dma_start3A_53 = tpu.memref_slice %arg3[%add3A_6, %dma_start3A_52] : memref<2560x128xi32, #tpu.memory_space<hbm>> -> memref<40x128xi32, #tpu.memory_space<hbm>>
      tpu.enqueue_dma source(%dma_start3A_53 : memref<40x128xi32, #tpu.memory_space<hbm>>) target(%arg8 : memref<40x128xi32, #tpu.memory_space<vmem>>) target_semaphore(%run_scoped3A : memref<!tpu.dma_semaphore, #tpu.memory_space<semaphore_mem>>)
      %dma_wait3A = arith.constant 0 : i32
      %dma_wait3A_54 = tpu.memref_slice %arg3[%add3A_6, %dma_wait3A] : memref<2560x128xi32, #tpu.memory_space<hbm>> -> memref<40x128xi32, #tpu.memory_space<hbm>>
      %dma_wait3A_55 = arith.constant 0 : i32
      %dma_wait3A_56 = tpu.memref_slice %arg3[%add3A_6, %dma_wait3A_55] : memref<2560x128xi32, #tpu.memory_space<hbm>> -> memref<40x128xi32, #tpu.memory_space<hbm>>
      tpu.wait_dma2 semaphore(%run_scoped3A : memref<!tpu.dma_semaphore, #tpu.memory_space<semaphore_mem>>) src(%dma_wait3A_56 : memref<40x128xi32, #tpu.memory_space<hbm>>) dst(%arg8 : memref<40x128xi32, #tpu.memory_space<vmem>>)
      tpu.yield
    }) : () -> ()
    "tpu.region"() ({
      %run_scoped3A = tpu.sem_alloc : memref<!tpu.dma_semaphore, #tpu.memory_space<semaphore_mem>>
      %dma_start3A_50 = arith.constant 0 : i32
      %dma_start3A_51 = tpu.memref_slice %arg4[%add3A_6, %dma_start3A_50] : memref<2560x128xi32, #tpu.memory_space<hbm>> -> memref<40x128xi32, #tpu.memory_space<hbm>>
      %dma_start3A_52 = arith.constant 0 : i32
      %dma_start3A_53 = tpu.memref_slice %arg4[%add3A_6, %dma_start3A_52] : memref<2560x128xi32, #tpu.memory_space<hbm>> -> memref<40x128xi32, #tpu.memory_space<hbm>>
      tpu.enqueue_dma source(%dma_start3A_53 : memref<40x128xi32, #tpu.memory_space<hbm>>) target(%arg9 : memref<40x128xi32, #tpu.memory_space<vmem>>) target_semaphore(%run_scoped3A : memref<!tpu.dma_semaphore, #tpu.memory_space<semaphore_mem>>)
      %dma_wait3A = arith.constant 0 : i32
      %dma_wait3A_54 = tpu.memref_slice %arg4[%add3A_6, %dma_wait3A] : memref<2560x128xi32, #tpu.memory_space<hbm>> -> memref<40x128xi32, #tpu.memory_space<hbm>>
      %dma_wait3A_55 = arith.constant 0 : i32
      %dma_wait3A_56 = tpu.memref_slice %arg4[%add3A_6, %dma_wait3A_55] : memref<2560x128xi32, #tpu.memory_space<hbm>> -> memref<40x128xi32, #tpu.memory_space<hbm>>
      tpu.wait_dma2 semaphore(%run_scoped3A : memref<!tpu.dma_semaphore, #tpu.memory_space<semaphore_mem>>) src(%dma_wait3A_56 : memref<40x128xi32, #tpu.memory_space<hbm>>) dst(%arg9 : memref<40x128xi32, #tpu.memory_space<vmem>>)
      tpu.yield
    }) : () -> ()
    %dma_start3A = arith.constant 0 : i32
    %dma_start3A_7 = arith.constant 0 : i32
    %dma_start3A_8 = tpu.memref_slice %arg8[%dma_start3A, %dma_start3A_7] : memref<40x128xi32, #tpu.memory_space<vmem>> -> memref<1x128xi32, #tpu.memory_space<vmem>>
    %dma_start3A_9 = tpu.memref_squeeze %dma_start3A_8 : memref<1x128xi32, #tpu.memory_space<vmem>> -> memref<128xi32, #tpu.memory_space<vmem>>
    %dma_start3A_10 = arith.constant 0 : i32
    %dma_start3A_11 = arith.constant 0 : i32
    %dma_start3A_12 = tpu.memref_slice %arg2[%dma_start3A_10, %dma_start3A_11] : memref<10240x128xf32, #tpu.memory_space<hbm>> -> memref<10240x128xf32, #tpu.memory_space<hbm>>
    tpu.enqueue_indirect_dma source(%dma_start3A_12 : memref<10240x128xf32, #tpu.memory_space<hbm>>) target(%arg10 : memref<128x128xf32, #tpu.memory_space<vmem>>) offsets(%dma_start3A_9 : memref<128xi32, #tpu.memory_space<vmem>>) semaphore(%arg12 : memref<!tpu.dma_semaphore, #tpu.memory_space<semaphore_mem>>)
    %dma_start3A_13 = arith.constant 1 : i32
    %dma_start3A_14 = arith.constant 0 : i32
    %dma_start3A_15 = tpu.memref_slice %arg8[%dma_start3A_13, %dma_start3A_14] : memref<40x128xi32, #tpu.memory_space<vmem>> -> memref<1x128xi32, #tpu.memory_space<vmem>>
    %dma_start3A_16 = tpu.memref_squeeze %dma_start3A_15 : memref<1x128xi32, #tpu.memory_space<vmem>> -> memref<128xi32, #tpu.memory_space<vmem>>
    %dma_start3A_17 = arith.constant 0 : i32
    %dma_start3A_18 = arith.constant 0 : i32
    %dma_start3A_19 = tpu.memref_slice %arg2[%dma_start3A_17, %dma_start3A_18] : memref<10240x128xf32, #tpu.memory_space<hbm>> -> memref<10240x128xf32, #tpu.memory_space<hbm>>
    tpu.enqueue_indirect_dma source(%dma_start3A_19 : memref<10240x128xf32, #tpu.memory_space<hbm>>) target(%arg11 : memref<128x128xf32, #tpu.memory_space<vmem>>) offsets(%dma_start3A_16 : memref<128xi32, #tpu.memory_space<vmem>>) semaphore(%arg13 : memref<!tpu.dma_semaphore, #tpu.memory_space<semaphore_mem>>)
    "tpu.region"() ({
      %run_scoped3A = tpu.sem_alloc : memref<!tpu.dma_semaphore, #tpu.memory_space<semaphore_mem>>
      %dma_start3A_50 = arith.constant 0 : i32
      %dma_start3A_51 = tpu.memref_slice %arg7[%mul3A_2, %dma_start3A_50] : memref<10240x128xf32, #tpu.memory_space<vmem_shared>> -> memref<640x128xf32, #tpu.memory_space<vmem_shared>>
      tpu.enqueue_dma source(%arg5 : memref<640x128xf32, #tpu.memory_space<hbm>>) target(%dma_start3A_51 : memref<640x128xf32, #tpu.memory_space<vmem_shared>>) target_semaphore(%run_scoped3A : memref<!tpu.dma_semaphore, #tpu.memory_space<semaphore_mem>>)
      %dma_wait3A = arith.constant 0 : i32
      %dma_wait3A_52 = tpu.memref_slice %arg7[%mul3A_2, %dma_wait3A] : memref<10240x128xf32, #tpu.memory_space<vmem_shared>> -> memref<640x128xf32, #tpu.memory_space<vmem_shared>>
      tpu.wait_dma2 semaphore(%run_scoped3A : memref<!tpu.dma_semaphore, #tpu.memory_space<semaphore_mem>>) src(%arg5 : memref<640x128xf32, #tpu.memory_space<hbm>>) dst(%dma_wait3A_52 : memref<640x128xf32, #tpu.memory_space<vmem_shared>>)
      tpu.yield
    }) : () -> ()
    %barrier3A = arith.constant 0 : index
    tpu.barrier barrier_id(%barrier3A)
    %scan3A = arith.constant 0 : i32
    %scan3A_20 = arith.constant 0 : i32
    %scan3A_21 = arith.constant 20 : i32
    %scan3A_22 = arith.addi %scan3A_20, %scan3A_21 : i32
    %scan3A_23 = arith.constant 1 : i32
    scf.for %scan3A_50 = %scan3A_20 to %scan3A_22 step %scan3A_23  : i32 {
      %mul3A_51 = arith.constant 2 : i32
      %mul3A_52 = arith.muli %mul3A_51, %scan3A_50 : i32
      %add3A_53 = arith.constant 0 : i32
      %add3A_54 = arith.addi %mul3A_52, %add3A_53 : i32
      %dma_wait3A = arith.constant 0 : i32
      %dma_wait3A_55 = tpu.memref_slice %arg8[%add3A_54, %dma_wait3A] : memref<40x128xi32, #tpu.memory_space<vmem>> -> memref<1x128xi32, #tpu.memory_space<vmem>>
      %dma_wait3A_56 = tpu.memref_squeeze %dma_wait3A_55 : memref<1x128xi32, #tpu.memory_space<vmem>> -> memref<128xi32, #tpu.memory_space<vmem>>
      %dma_wait3A_57 = arith.constant 0 : i32
      %dma_wait3A_58 = arith.constant 0 : i32
      %dma_wait3A_59 = tpu.memref_slice %arg2[%dma_wait3A_57, %dma_wait3A_58] : memref<10240x128xf32, #tpu.memory_space<hbm>> -> memref<10240x128xf32, #tpu.memory_space<hbm>>
      tpu.wait_indirect_dma semaphore(%arg12 : memref<!tpu.dma_semaphore, #tpu.memory_space<semaphore_mem>>) src(%dma_wait3A_59 : memref<10240x128xf32, #tpu.memory_space<hbm>>) dst(%arg10 : memref<128x128xf32, #tpu.memory_space<vmem>>)
      "tpu.region"() ({
        %run_scoped3A = tpu.sem_alloc : memref<!tpu.dma_semaphore, #tpu.memory_space<semaphore_mem>>
        %dma_start3A_81 = arith.constant 0 : i32
        %dma_start3A_82 = tpu.memref_slice %arg9[%add3A_54, %dma_start3A_81] : memref<40x128xi32, #tpu.memory_space<vmem>> -> memref<1x128xi32, #tpu.memory_space<vmem>>
        %dma_start3A_83 = tpu.memref_squeeze %dma_start3A_82 : memref<1x128xi32, #tpu.memory_space<vmem>> -> memref<128xi32, #tpu.memory_space<vmem>>
        %dma_start3A_84 = arith.constant 0 : i32
        %dma_start3A_85 = arith.constant 0 : i32
        %dma_start3A_86 = tpu.memref_slice %arg7[%dma_start3A_84, %dma_start3A_85] : memref<10240x128xf32, #tpu.memory_space<vmem_shared>> -> memref<10240x128xf32, #tpu.memory_space<vmem_shared>>
        tpu.enqueue_indirect_dma source(%arg10 : memref<128x128xf32, #tpu.memory_space<vmem>>) target(%dma_start3A_86 : memref<10240x128xf32, #tpu.memory_space<vmem_shared>>) offsets(%dma_start3A_83 : memref<128xi32, #tpu.memory_space<vmem>>) semaphore(%run_scoped3A : memref<!tpu.dma_semaphore, #tpu.memory_space<semaphore_mem>>) {add = true}
        %dma_wait3A_87 = arith.constant 0 : i32
        %dma_wait3A_88 = tpu.memref_slice %arg9[%add3A_54, %dma_wait3A_87] : memref<40x128xi32, #tpu.memory_space<vmem>> -> memref<1x128xi32, #tpu.memory_space<vmem>>
        %dma_wait3A_89 = tpu.memref_squeeze %dma_wait3A_88 : memref<1x128xi32, #tpu.memory_space<vmem>> -> memref<128xi32, #tpu.memory_space<vmem>>
        %dma_wait3A_90 = arith.constant 0 : i32
        %dma_wait3A_91 = arith.constant 0 : i32
        %dma_wait3A_92 = tpu.memref_slice %arg7[%dma_wait3A_90, %dma_wait3A_91] : memref<10240x128xf32, #tpu.memory_space<vmem_shared>> -> memref<10240x128xf32, #tpu.memory_space<vmem_shared>>
        tpu.wait_indirect_dma semaphore(%run_scoped3A : memref<!tpu.dma_semaphore, #tpu.memory_space<semaphore_mem>>) src(%arg10 : memref<128x128xf32, #tpu.memory_space<vmem>>) dst(%dma_wait3A_92 : memref<10240x128xf32, #tpu.memory_space<vmem_shared>>)
        tpu.yield
      }) : () -> ()
      %add3A_60 = arith.constant 2 : i32
      %add3A_61 = arith.addi %add3A_54, %add3A_60 : i32
      %lt3A = arith.constant 40 : i32
      %lt3A_62 = arith.cmpi slt, %add3A_61, %lt3A : i32
      %convert_element_type3A = arith.extui %lt3A_62 : i1 to i32
      %cond3A = arith.constant 0 : i32
      %cond3A_63 = arith.cmpi ne, %convert_element_type3A, %cond3A : i32
      scf.if %cond3A_63 {
        %add3A_81 = arith.constant 2 : i32
        %add3A_82 = arith.addi %add3A_54, %add3A_81 : i32
        %dma_start3A_83 = arith.constant 0 : i32
        %dma_start3A_84 = tpu.memref_slice %arg8[%add3A_82, %dma_start3A_83] : memref<40x128xi32, #tpu.memory_space<vmem>> -> memref<1x128xi32, #tpu.memory_space<vmem>>
        %dma_start3A_85 = tpu.memref_squeeze %dma_start3A_84 : memref<1x128xi32, #tpu.memory_space<vmem>> -> memref<128xi32, #tpu.memory_space<vmem>>
        %dma_start3A_86 = arith.constant 0 : i32
        %dma_start3A_87 = arith.constant 0 : i32
        %dma_start3A_88 = tpu.memref_slice %arg2[%dma_start3A_86, %dma_start3A_87] : memref<10240x128xf32, #tpu.memory_space<hbm>> -> memref<10240x128xf32, #tpu.memory_space<hbm>>
        tpu.enqueue_indirect_dma source(%dma_start3A_88 : memref<10240x128xf32, #tpu.memory_space<hbm>>) target(%arg10 : memref<128x128xf32, #tpu.memory_space<vmem>>) offsets(%dma_start3A_85 : memref<128xi32, #tpu.memory_space<vmem>>) semaphore(%arg12 : memref<!tpu.dma_semaphore, #tpu.memory_space<semaphore_mem>>)
      } else {
      }
      %mul3A_64 = arith.constant 2 : i32
      %mul3A_65 = arith.muli %mul3A_64, %scan3A_50 : i32
      %add3A_66 = arith.constant 1 : i32
      %add3A_67 = arith.addi %mul3A_65, %add3A_66 : i32
      %dma_wait3A_68 = arith.constant 0 : i32
      %dma_wait3A_69 = tpu.memref_slice %arg8[%add3A_67, %dma_wait3A_68] : memref<40x128xi32, #tpu.memory_space<vmem>> -> memref<1x128xi32, #tpu.memory_space<vmem>>
      %dma_wait3A_70 = tpu.memref_squeeze %dma_wait3A_69 : memref<1x128xi32, #tpu.memory_space<vmem>> -> memref<128xi32, #tpu.memory_space<vmem>>
      %dma_wait3A_71 = arith.constant 0 : i32
      %dma_wait3A_72 = arith.constant 0 : i32
      %dma_wait3A_73 = tpu.memref_slice %arg2[%dma_wait3A_71, %dma_wait3A_72] : memref<10240x128xf32, #tpu.memory_space<hbm>> -> memref<10240x128xf32, #tpu.memory_space<hbm>>
      tpu.wait_indirect_dma semaphore(%arg13 : memref<!tpu.dma_semaphore, #tpu.memory_space<semaphore_mem>>) src(%dma_wait3A_73 : memref<10240x128xf32, #tpu.memory_space<hbm>>) dst(%arg11 : memref<128x128xf32, #tpu.memory_space<vmem>>)
      "tpu.region"() ({
        %run_scoped3A = tpu.sem_alloc : memref<!tpu.dma_semaphore, #tpu.memory_space<semaphore_mem>>
        %dma_start3A_81 = arith.constant 0 : i32
        %dma_start3A_82 = tpu.memref_slice %arg9[%add3A_67, %dma_start3A_81] : memref<40x128xi32, #tpu.memory_space<vmem>> -> memref<1x128xi32, #tpu.memory_space<vmem>>
        %dma_start3A_83 = tpu.memref_squeeze %dma_start3A_82 : memref<1x128xi32, #tpu.memory_space<vmem>> -> memref<128xi32, #tpu.memory_space<vmem>>
        %dma_start3A_84 = arith.constant 0 : i32
        %dma_start3A_85 = arith.constant 0 : i32
        %dma_start3A_86 = tpu.memref_slice %arg7[%dma_start3A_84, %dma_start3A_85] : memref<10240x128xf32, #tpu.memory_space<vmem_shared>> -> memref<10240x128xf32, #tpu.memory_space<vmem_shared>>
        tpu.enqueue_indirect_dma source(%arg11 : memref<128x128xf32, #tpu.memory_space<vmem>>) target(%dma_start3A_86 : memref<10240x128xf32, #tpu.memory_space<vmem_shared>>) offsets(%dma_start3A_83 : memref<128xi32, #tpu.memory_space<vmem>>) semaphore(%run_scoped3A : memref<!tpu.dma_semaphore, #tpu.memory_space<semaphore_mem>>) {add = true}
        %dma_wait3A_87 = arith.constant 0 : i32
        %dma_wait3A_88 = tpu.memref_slice %arg9[%add3A_67, %dma_wait3A_87] : memref<40x128xi32, #tpu.memory_space<vmem>> -> memref<1x128xi32, #tpu.memory_space<vmem>>
        %dma_wait3A_89 = tpu.memref_squeeze %dma_wait3A_88 : memref<1x128xi32, #tpu.memory_space<vmem>> -> memref<128xi32, #tpu.memory_space<vmem>>
        %dma_wait3A_90 = arith.constant 0 : i32
        %dma_wait3A_91 = arith.constant 0 : i32
        %dma_wait3A_92 = tpu.memref_slice %arg7[%dma_wait3A_90, %dma_wait3A_91] : memref<10240x128xf32, #tpu.memory_space<vmem_shared>> -> memref<10240x128xf32, #tpu.memory_space<vmem_shared>>
        tpu.wait_indirect_dma semaphore(%run_scoped3A : memref<!tpu.dma_semaphore, #tpu.memory_space<semaphore_mem>>) src(%arg11 : memref<128x128xf32, #tpu.memory_space<vmem>>) dst(%dma_wait3A_92 : memref<10240x128xf32, #tpu.memory_space<vmem_shared>>)
        tpu.yield
      }) : () -> ()
      %add3A_74 = arith.constant 2 : i32
      %add3A_75 = arith.addi %add3A_67, %add3A_74 : i32
      %lt3A_76 = arith.constant 40 : i32
      %lt3A_77 = arith.cmpi slt, %add3A_75, %lt3A_76 : i32
      %convert_element_type3A_78 = arith.extui %lt3A_77 : i1 to i32
      %cond3A_79 = arith.constant 0 : i32
      %cond3A_80 = arith.cmpi ne, %convert_element_type3A_78, %cond3A_79 : i32
      scf.if %cond3A_80 {
        %add3A_81 = arith.constant 2 : i32
        %add3A_82 = arith.addi %add3A_67, %add3A_81 : i32
        %dma_start3A_83 = arith.constant 0 : i32
        %dma_start3A_84 = tpu.memref_slice %arg8[%add3A_82, %dma_start3A_83] : memref<40x128xi32, #tpu.memory_space<vmem>> -> memref<1x128xi32, #tpu.memory_space<vmem>>
        %dma_start3A_85 = tpu.memref_squeeze %dma_start3A_84 : memref<1x128xi32, #tpu.memory_space<vmem>> -> memref<128xi32, #tpu.memory_space<vmem>>
        %dma_start3A_86 = arith.constant 0 : i32
        %dma_start3A_87 = arith.constant 0 : i32
        %dma_start3A_88 = tpu.memref_slice %arg2[%dma_start3A_86, %dma_start3A_87] : memref<10240x128xf32, #tpu.memory_space<hbm>> -> memref<10240x128xf32, #tpu.memory_space<hbm>>
        tpu.enqueue_indirect_dma source(%dma_start3A_88 : memref<10240x128xf32, #tpu.memory_space<hbm>>) target(%arg11 : memref<128x128xf32, #tpu.memory_space<vmem>>) offsets(%dma_start3A_85 : memref<128xi32, #tpu.memory_space<vmem>>) semaphore(%arg13 : memref<!tpu.dma_semaphore, #tpu.memory_space<semaphore_mem>>)
      } else {
      }
    }
    %scan3A_24 = arith.constant 20 : i32
    %mul3A_25 = arith.constant 80 : i32
    %mul3A_26 = arith.muli %add3A, %mul3A_25 : i32
    %add3A_27 = arith.constant 40 : i32
    %add3A_28 = arith.addi %mul3A_26, %add3A_27 : i32
    "tpu.region"() ({
      %run_scoped3A = tpu.sem_alloc : memref<!tpu.dma_semaphore, #tpu.memory_space<semaphore_mem>>
      %dma_start3A_50 = arith.constant 0 : i32
      %dma_start3A_51 = tpu.memref_slice %arg3[%add3A_28, %dma_start3A_50] : memref<2560x128xi32, #tpu.memory_space<hbm>> -> memref<40x128xi32, #tpu.memory_space<hbm>>
      %dma_start3A_52 = arith.constant 0 : i32
      %dma_start3A_53 = tpu.memref_slice %arg3[%add3A_28, %dma_start3A_52] : memref<2560x128xi32, #tpu.memory_space<hbm>> -> memref<40x128xi32, #tpu.memory_space<hbm>>
      tpu.enqueue_dma source(%dma_start3A_53 : memref<40x128xi32, #tpu.memory_space<hbm>>) target(%arg8 : memref<40x128xi32, #tpu.memory_space<vmem>>) target_semaphore(%run_scoped3A : memref<!tpu.dma_semaphore, #tpu.memory_space<semaphore_mem>>)
      %dma_wait3A = arith.constant 0 : i32
      %dma_wait3A_54 = tpu.memref_slice %arg3[%add3A_28, %dma_wait3A] : memref<2560x128xi32, #tpu.memory_space<hbm>> -> memref<40x128xi32, #tpu.memory_space<hbm>>
      %dma_wait3A_55 = arith.constant 0 : i32
      %dma_wait3A_56 = tpu.memref_slice %arg3[%add3A_28, %dma_wait3A_55] : memref<2560x128xi32, #tpu.memory_space<hbm>> -> memref<40x128xi32, #tpu.memory_space<hbm>>
      tpu.wait_dma2 semaphore(%run_scoped3A : memref<!tpu.dma_semaphore, #tpu.memory_space<semaphore_mem>>) src(%dma_wait3A_56 : memref<40x128xi32, #tpu.memory_space<hbm>>) dst(%arg8 : memref<40x128xi32, #tpu.memory_space<vmem>>)
      tpu.yield
    }) : () -> ()
    "tpu.region"() ({
      %run_scoped3A = tpu.sem_alloc : memref<!tpu.dma_semaphore, #tpu.memory_space<semaphore_mem>>
      %dma_start3A_50 = arith.constant 0 : i32
      %dma_start3A_51 = tpu.memref_slice %arg4[%add3A_28, %dma_start3A_50] : memref<2560x128xi32, #tpu.memory_space<hbm>> -> memref<40x128xi32, #tpu.memory_space<hbm>>
      %dma_start3A_52 = arith.constant 0 : i32
      %dma_start3A_53 = tpu.memref_slice %arg4[%add3A_28, %dma_start3A_52] : memref<2560x128xi32, #tpu.memory_space<hbm>> -> memref<40x128xi32, #tpu.memory_space<hbm>>
      tpu.enqueue_dma source(%dma_start3A_53 : memref<40x128xi32, #tpu.memory_space<hbm>>) target(%arg9 : memref<40x128xi32, #tpu.memory_space<vmem>>) target_semaphore(%run_scoped3A : memref<!tpu.dma_semaphore, #tpu.memory_space<semaphore_mem>>)
      %dma_wait3A = arith.constant 0 : i32
      %dma_wait3A_54 = tpu.memref_slice %arg4[%add3A_28, %dma_wait3A] : memref<2560x128xi32, #tpu.memory_space<hbm>> -> memref<40x128xi32, #tpu.memory_space<hbm>>
      %dma_wait3A_55 = arith.constant 0 : i32
      %dma_wait3A_56 = tpu.memref_slice %arg4[%add3A_28, %dma_wait3A_55] : memref<2560x128xi32, #tpu.memory_space<hbm>> -> memref<40x128xi32, #tpu.memory_space<hbm>>
      tpu.wait_dma2 semaphore(%run_scoped3A : memref<!tpu.dma_semaphore, #tpu.memory_space<semaphore_mem>>) src(%dma_wait3A_56 : memref<40x128xi32, #tpu.memory_space<hbm>>) dst(%arg9 : memref<40x128xi32, #tpu.memory_space<vmem>>)
      tpu.yield
    }) : () -> ()
    %dma_start3A_29 = arith.constant 0 : i32
    %dma_start3A_30 = arith.constant 0 : i32
    %dma_start3A_31 = tpu.memref_slice %arg8[%dma_start3A_29, %dma_start3A_30] : memref<40x128xi32, #tpu.memory_space<vmem>> -> memref<1x128xi32, #tpu.memory_space<vmem>>
    %dma_start3A_32 = tpu.memref_squeeze %dma_start3A_31 : memref<1x128xi32, #tpu.memory_space<vmem>> -> memref<128xi32, #tpu.memory_space<vmem>>
    %dma_start3A_33 = arith.constant 0 : i32
    %dma_start3A_34 = arith.constant 0 : i32
    %dma_start3A_35 = tpu.memref_slice %arg2[%dma_start3A_33, %dma_start3A_34] : memref<10240x128xf32, #tpu.memory_space<hbm>> -> memref<10240x128xf32, #tpu.memory_space<hbm>>
    tpu.enqueue_indirect_dma source(%dma_start3A_35 : memref<10240x128xf32, #tpu.memory_space<hbm>>) target(%arg10 : memref<128x128xf32, #tpu.memory_space<vmem>>) offsets(%dma_start3A_32 : memref<128xi32, #tpu.memory_space<vmem>>) semaphore(%arg12 : memref<!tpu.dma_semaphore, #tpu.memory_space<semaphore_mem>>)
    %dma_start3A_36 = arith.constant 1 : i32
    %dma_start3A_37 = arith.constant 0 : i32
    %dma_start3A_38 = tpu.memref_slice %arg8[%dma_start3A_36, %dma_start3A_37] : memref<40x128xi32, #tpu.memory_space<vmem>> -> memref<1x128xi32, #tpu.memory_space<vmem>>
    %dma_start3A_39 = tpu.memref_squeeze %dma_start3A_38 : memref<1x128xi32, #tpu.memory_space<vmem>> -> memref<128xi32, #tpu.memory_space<vmem>>
    %dma_start3A_40 = arith.constant 0 : i32
    %dma_start3A_41 = arith.constant 0 : i32
    %dma_start3A_42 = tpu.memref_slice %arg2[%dma_start3A_40, %dma_start3A_41] : memref<10240x128xf32, #tpu.memory_space<hbm>> -> memref<10240x128xf32, #tpu.memory_space<hbm>>
    tpu.enqueue_indirect_dma source(%dma_start3A_42 : memref<10240x128xf32, #tpu.memory_space<hbm>>) target(%arg11 : memref<128x128xf32, #tpu.memory_space<vmem>>) offsets(%dma_start3A_39 : memref<128xi32, #tpu.memory_space<vmem>>) semaphore(%arg13 : memref<!tpu.dma_semaphore, #tpu.memory_space<semaphore_mem>>)
    %scan3A_43 = arith.constant 0 : i32
    %scan3A_44 = arith.constant 0 : i32
    %scan3A_45 = arith.constant 20 : i32
    %scan3A_46 = arith.addi %scan3A_44, %scan3A_45 : i32
    %scan3A_47 = arith.constant 1 : i32
    scf.for %scan3A_50 = %scan3A_44 to %scan3A_46 step %scan3A_47  : i32 {
      %mul3A_51 = arith.constant 2 : i32
      %mul3A_52 = arith.muli %mul3A_51, %scan3A_50 : i32
      %add3A_53 = arith.constant 0 : i32
      %add3A_54 = arith.addi %mul3A_52, %add3A_53 : i32
      %dma_wait3A = arith.constant 0 : i32
      %dma_wait3A_55 = tpu.memref_slice %arg8[%add3A_54, %dma_wait3A] : memref<40x128xi32, #tpu.memory_space<vmem>> -> memref<1x128xi32, #tpu.memory_space<vmem>>
      %dma_wait3A_56 = tpu.memref_squeeze %dma_wait3A_55 : memref<1x128xi32, #tpu.memory_space<vmem>> -> memref<128xi32, #tpu.memory_space<vmem>>
      %dma_wait3A_57 = arith.constant 0 : i32
      %dma_wait3A_58 = arith.constant 0 : i32
      %dma_wait3A_59 = tpu.memref_slice %arg2[%dma_wait3A_57, %dma_wait3A_58] : memref<10240x128xf32, #tpu.memory_space<hbm>> -> memref<10240x128xf32, #tpu.memory_space<hbm>>
      tpu.wait_indirect_dma semaphore(%arg12 : memref<!tpu.dma_semaphore, #tpu.memory_space<semaphore_mem>>) src(%dma_wait3A_59 : memref<10240x128xf32, #tpu.memory_space<hbm>>) dst(%arg10 : memref<128x128xf32, #tpu.memory_space<vmem>>)
      "tpu.region"() ({
        %run_scoped3A = tpu.sem_alloc : memref<!tpu.dma_semaphore, #tpu.memory_space<semaphore_mem>>
        %dma_start3A_81 = arith.constant 0 : i32
        %dma_start3A_82 = tpu.memref_slice %arg9[%add3A_54, %dma_start3A_81] : memref<40x128xi32, #tpu.memory_space<vmem>> -> memref<1x128xi32, #tpu.memory_space<vmem>>
        %dma_start3A_83 = tpu.memref_squeeze %dma_start3A_82 : memref<1x128xi32, #tpu.memory_space<vmem>> -> memref<128xi32, #tpu.memory_space<vmem>>
        %dma_start3A_84 = arith.constant 0 : i32
        %dma_start3A_85 = arith.constant 0 : i32
        %dma_start3A_86 = tpu.memref_slice %arg7[%dma_start3A_84, %dma_start3A_85] : memref<10240x128xf32, #tpu.memory_space<vmem_shared>> -> memref<10240x128xf32, #tpu.memory_space<vmem_shared>>
        tpu.enqueue_indirect_dma source(%arg10 : memref<128x128xf32, #tpu.memory_space<vmem>>) target(%dma_start3A_86 : memref<10240x128xf32, #tpu.memory_space<vmem_shared>>) offsets(%dma_start3A_83 : memref<128xi32, #tpu.memory_space<vmem>>) semaphore(%run_scoped3A : memref<!tpu.dma_semaphore, #tpu.memory_space<semaphore_mem>>) {add = true}
        %dma_wait3A_87 = arith.constant 0 : i32
        %dma_wait3A_88 = tpu.memref_slice %arg9[%add3A_54, %dma_wait3A_87] : memref<40x128xi32, #tpu.memory_space<vmem>> -> memref<1x128xi32, #tpu.memory_space<vmem>>
        %dma_wait3A_89 = tpu.memref_squeeze %dma_wait3A_88 : memref<1x128xi32, #tpu.memory_space<vmem>> -> memref<128xi32, #tpu.memory_space<vmem>>
        %dma_wait3A_90 = arith.constant 0 : i32
        %dma_wait3A_91 = arith.constant 0 : i32
        %dma_wait3A_92 = tpu.memref_slice %arg7[%dma_wait3A_90, %dma_wait3A_91] : memref<10240x128xf32, #tpu.memory_space<vmem_shared>> -> memref<10240x128xf32, #tpu.memory_space<vmem_shared>>
        tpu.wait_indirect_dma semaphore(%run_scoped3A : memref<!tpu.dma_semaphore, #tpu.memory_space<semaphore_mem>>) src(%arg10 : memref<128x128xf32, #tpu.memory_space<vmem>>) dst(%dma_wait3A_92 : memref<10240x128xf32, #tpu.memory_space<vmem_shared>>)
        tpu.yield
      }) : () -> ()
      %add3A_60 = arith.constant 2 : i32
      %add3A_61 = arith.addi %add3A_54, %add3A_60 : i32
      %lt3A = arith.constant 40 : i32
      %lt3A_62 = arith.cmpi slt, %add3A_61, %lt3A : i32
      %convert_element_type3A = arith.extui %lt3A_62 : i1 to i32
      %cond3A = arith.constant 0 : i32
      %cond3A_63 = arith.cmpi ne, %convert_element_type3A, %cond3A : i32
      scf.if %cond3A_63 {
        %add3A_81 = arith.constant 2 : i32
        %add3A_82 = arith.addi %add3A_54, %add3A_81 : i32
        %dma_start3A_83 = arith.constant 0 : i32
        %dma_start3A_84 = tpu.memref_slice %arg8[%add3A_82, %dma_start3A_83] : memref<40x128xi32, #tpu.memory_space<vmem>> -> memref<1x128xi32, #tpu.memory_space<vmem>>
        %dma_start3A_85 = tpu.memref_squeeze %dma_start3A_84 : memref<1x128xi32, #tpu.memory_space<vmem>> -> memref<128xi32, #tpu.memory_space<vmem>>
        %dma_start3A_86 = arith.constant 0 : i32
        %dma_start3A_87 = arith.constant 0 : i32
        %dma_start3A_88 = tpu.memref_slice %arg2[%dma_start3A_86, %dma_start3A_87] : memref<10240x128xf32, #tpu.memory_space<hbm>> -> memref<10240x128xf32, #tpu.memory_space<hbm>>
        tpu.enqueue_indirect_dma source(%dma_start3A_88 : memref<10240x128xf32, #tpu.memory_space<hbm>>) target(%arg10 : memref<128x128xf32, #tpu.memory_space<vmem>>) offsets(%dma_start3A_85 : memref<128xi32, #tpu.memory_space<vmem>>) semaphore(%arg12 : memref<!tpu.dma_semaphore, #tpu.memory_space<semaphore_mem>>)
      } else {
      }
      %mul3A_64 = arith.constant 2 : i32
      %mul3A_65 = arith.muli %mul3A_64, %scan3A_50 : i32
      %add3A_66 = arith.constant 1 : i32
      %add3A_67 = arith.addi %mul3A_65, %add3A_66 : i32
      %dma_wait3A_68 = arith.constant 0 : i32
      %dma_wait3A_69 = tpu.memref_slice %arg8[%add3A_67, %dma_wait3A_68] : memref<40x128xi32, #tpu.memory_space<vmem>> -> memref<1x128xi32, #tpu.memory_space<vmem>>
      %dma_wait3A_70 = tpu.memref_squeeze %dma_wait3A_69 : memref<1x128xi32, #tpu.memory_space<vmem>> -> memref<128xi32, #tpu.memory_space<vmem>>
      %dma_wait3A_71 = arith.constant 0 : i32
      %dma_wait3A_72 = arith.constant 0 : i32
      %dma_wait3A_73 = tpu.memref_slice %arg2[%dma_wait3A_71, %dma_wait3A_72] : memref<10240x128xf32, #tpu.memory_space<hbm>> -> memref<10240x128xf32, #tpu.memory_space<hbm>>
      tpu.wait_indirect_dma semaphore(%arg13 : memref<!tpu.dma_semaphore, #tpu.memory_space<semaphore_mem>>) src(%dma_wait3A_73 : memref<10240x128xf32, #tpu.memory_space<hbm>>) dst(%arg11 : memref<128x128xf32, #tpu.memory_space<vmem>>)
      "tpu.region"() ({
        %run_scoped3A = tpu.sem_alloc : memref<!tpu.dma_semaphore, #tpu.memory_space<semaphore_mem>>
        %dma_start3A_81 = arith.constant 0 : i32
        %dma_start3A_82 = tpu.memref_slice %arg9[%add3A_67, %dma_start3A_81] : memref<40x128xi32, #tpu.memory_space<vmem>> -> memref<1x128xi32, #tpu.memory_space<vmem>>
        %dma_start3A_83 = tpu.memref_squeeze %dma_start3A_82 : memref<1x128xi32, #tpu.memory_space<vmem>> -> memref<128xi32, #tpu.memory_space<vmem>>
        %dma_start3A_84 = arith.constant 0 : i32
        %dma_start3A_85 = arith.constant 0 : i32
        %dma_start3A_86 = tpu.memref_slice %arg7[%dma_start3A_84, %dma_start3A_85] : memref<10240x128xf32, #tpu.memory_space<vmem_shared>> -> memref<10240x128xf32, #tpu.memory_space<vmem_shared>>
        tpu.enqueue_indirect_dma source(%arg11 : memref<128x128xf32, #tpu.memory_space<vmem>>) target(%dma_start3A_86 : memref<10240x128xf32, #tpu.memory_space<vmem_shared>>) offsets(%dma_start3A_83 : memref<128xi32, #tpu.memory_space<vmem>>) semaphore(%run_scoped3A : memref<!tpu.dma_semaphore, #tpu.memory_space<semaphore_mem>>) {add = true}
        %dma_wait3A_87 = arith.constant 0 : i32
        %dma_wait3A_88 = tpu.memref_slice %arg9[%add3A_67, %dma_wait3A_87] : memref<40x128xi32, #tpu.memory_space<vmem>> -> memref<1x128xi32, #tpu.memory_space<vmem>>
        %dma_wait3A_89 = tpu.memref_squeeze %dma_wait3A_88 : memref<1x128xi32, #tpu.memory_space<vmem>> -> memref<128xi32, #tpu.memory_space<vmem>>
        %dma_wait3A_90 = arith.constant 0 : i32
        %dma_wait3A_91 = arith.constant 0 : i32
        %dma_wait3A_92 = tpu.memref_slice %arg7[%dma_wait3A_90, %dma_wait3A_91] : memref<10240x128xf32, #tpu.memory_space<vmem_shared>> -> memref<10240x128xf32, #tpu.memory_space<vmem_shared>>
        tpu.wait_indirect_dma semaphore(%run_scoped3A : memref<!tpu.dma_semaphore, #tpu.memory_space<semaphore_mem>>) src(%arg11 : memref<128x128xf32, #tpu.memory_space<vmem>>) dst(%dma_wait3A_92 : memref<10240x128xf32, #tpu.memory_space<vmem_shared>>)
        tpu.yield
      }) : () -> ()
      %add3A_74 = arith.constant 2 : i32
      %add3A_75 = arith.addi %add3A_67, %add3A_74 : i32
      %lt3A_76 = arith.constant 40 : i32
      %lt3A_77 = arith.cmpi slt, %add3A_75, %lt3A_76 : i32
      %convert_element_type3A_78 = arith.extui %lt3A_77 : i1 to i32
      %cond3A_79 = arith.constant 0 : i32
      %cond3A_80 = arith.cmpi ne, %convert_element_type3A_78, %cond3A_79 : i32
      scf.if %cond3A_80 {
        %add3A_81 = arith.constant 2 : i32
        %add3A_82 = arith.addi %add3A_67, %add3A_81 : i32
        %dma_start3A_83 = arith.constant 0 : i32
        %dma_start3A_84 = tpu.memref_slice %arg8[%add3A_82, %dma_start3A_83] : memref<40x128xi32, #tpu.memory_space<vmem>> -> memref<1x128xi32, #tpu.memory_space<vmem>>
        %dma_start3A_85 = tpu.memref_squeeze %dma_start3A_84 : memref<1x128xi32, #tpu.memory_space<vmem>> -> memref<128xi32, #tpu.memory_space<vmem>>
        %dma_start3A_86 = arith.constant 0 : i32
        %dma_start3A_87 = arith.constant 0 : i32
        %dma_start3A_88 = tpu.memref_slice %arg2[%dma_start3A_86, %dma_start3A_87] : memref<10240x128xf32, #tpu.memory_space<hbm>> -> memref<10240x128xf32, #tpu.memory_space<hbm>>
        tpu.enqueue_indirect_dma source(%dma_start3A_88 : memref<10240x128xf32, #tpu.memory_space<hbm>>) target(%arg11 : memref<128x128xf32, #tpu.memory_space<vmem>>) offsets(%dma_start3A_85 : memref<128xi32, #tpu.memory_space<vmem>>) semaphore(%arg13 : memref<!tpu.dma_semaphore, #tpu.memory_space<semaphore_mem>>)
      } else {
      }
    }
    %scan3A_48 = arith.constant 20 : i32
    %barrier3A_49 = arith.constant 0 : index
    tpu.barrier barrier_id(%barrier3A_49)
    "tpu.region"() ({
      %run_scoped3A = tpu.sem_alloc : memref<!tpu.dma_semaphore, #tpu.memory_space<semaphore_mem>>
      %dma_start3A_50 = arith.constant 0 : i32
      %dma_start3A_51 = tpu.memref_slice %arg6[%arg0, %mul3A_2, %dma_start3A_50] : memref<2x10240x128xf32, #tpu.memory_space<hbm>> -> memref<1x640x128xf32, #tpu.memory_space<hbm>>
      %dma_start3A_52 = tpu.memref_squeeze %dma_start3A_51 : memref<1x640x128xf32, #tpu.memory_space<hbm>> -> memref<640x128xf32, #tpu.memory_space<hbm>>
      %dma_start3A_53 = arith.constant 0 : i32
      %dma_start3A_54 = tpu.memref_slice %arg7[%mul3A_2, %dma_start3A_53] : memref<10240x128xf32, #tpu.memory_space<vmem_shared>> -> memref<640x128xf32, #tpu.memory_space<vmem_shared>>
      tpu.enqueue_dma source(%dma_start3A_54 : memref<640x128xf32, #tpu.memory_space<vmem_shared>>) target(%dma_start3A_52 : memref<640x128xf32, #tpu.memory_space<hbm>>) target_semaphore(%run_scoped3A : memref<!tpu.dma_semaphore, #tpu.memory_space<semaphore_mem>>)
      %dma_wait3A = arith.constant 0 : i32
      %dma_wait3A_55 = tpu.memref_slice %arg6[%arg0, %mul3A_2, %dma_wait3A] : memref<2x10240x128xf32, #tpu.memory_space<hbm>> -> memref<1x640x128xf32, #tpu.memory_space<hbm>>
      %dma_wait3A_56 = tpu.memref_squeeze %dma_wait3A_55 : memref<1x640x128xf32, #tpu.memory_space<hbm>> -> memref<640x128xf32, #tpu.memory_space<hbm>>
      %dma_wait3A_57 = arith.constant 0 : i32
      %dma_wait3A_58 = tpu.memref_slice %arg7[%mul3A_2, %dma_wait3A_57] : memref<10240x128xf32, #tpu.memory_space<vmem_shared>> -> memref<640x128xf32, #tpu.memory_space<vmem_shared>>
      tpu.wait_dma2 semaphore(%run_scoped3A : memref<!tpu.dma_semaphore, #tpu.memory_space<semaphore_mem>>) src(%dma_wait3A_58 : memref<640x128xf32, #tpu.memory_space<vmem_shared>>) dst(%dma_wait3A_56 : memref<640x128xf32, #tpu.memory_space<hbm>>)
      tpu.yield
    }) : () -> ()
    return
  }
}

#map = affine_map<(d0, d1) -> (0, 0)>
#map1 = affine_map<(d0, d1) -> (0, 0, 0)>
module attributes {stable_mosaic.version = 14 : i64} {
  func.func @k(%arg0: i32, %arg1: i32, %arg2: memref<10240x128xf32, #tpu.memory_space<hbm>>, %arg3: memref<2560x128xi32, #tpu.memory_space<hbm>>, %arg4: memref<2560x128xi32, #tpu.memory_space<hbm>>, %arg5: memref<640x128xf32, #tpu.memory_space<hbm>>, %arg6: memref<2x10240x128xf32, #tpu.memory_space<hbm>>, %arg7: memref<10240x128xf32, #tpu.memory_space<vmem_shared>>, %arg8: memref<40x128xi32, #tpu.memory_space<vmem>>, %arg9: memref<40x128xi32, #tpu.memory_space<vmem>>, %arg10: memref<128x128xf32, #tpu.memory_space<vmem>>, %arg11: memref<128x128xf32, #tpu.memory_space<vmem>>, %arg12: memref<!tpu.dma_semaphore, #tpu.memory_space<semaphore_mem>>, %arg13: memref<!tpu.dma_semaphore, #tpu.memory_space<semaphore_mem>>) attributes {dimension_semantics = [#tpu.dimension_semantics<core_parallel>, #tpu.dimension_semantics<subcore_parallel>], iteration_bounds = array<i64: 2, 16>, scalar_prefetch = 0 : i64, scratch_operands = 7 : i64, tpu.core_type = #tpu.core_type<sc_vector_subcore>, window_params = [{transform_indices = #map}, {transform_indices = #map}, {transform_indices = #map}, {transform_indices = #map}, {transform_indices = #map1}]} {
    %mul3A = arith.constant 2 : i32
    %mul3A_0 = arith.muli %arg1, %mul3A : i32
    %add3A = arith.addi %mul3A_0, %arg0 : i32
    %mul3A_1 = arith.constant 640 : i32
    %mul3A_2 = arith.muli %arg1, %mul3A_1 : i32
    %mul3A_3 = arith.constant 80 : i32
    %mul3A_4 = arith.muli %add3A, %mul3A_3 : i32
    %add3A_5 = arith.constant 0 : i32
    %add3A_6 = arith.addi %mul3A_4, %add3A_5 : i32
    "tpu.region"() ({
      %run_scoped3A = tpu.sem_alloc : memref<!tpu.dma_semaphore, #tpu.memory_space<semaphore_mem>>
      %dma_start3A_50 = arith.constant 0 : i32
      %dma_start3A_51 = tpu.memref_slice %arg3[%add3A_6, %dma_start3A_50] : memref<2560x128xi32, #tpu.memory_space<hbm>> -> memref<40x128xi32, #tpu.memory_space<hbm>>
      %dma_start3A_52 = arith.constant 0 : i32
      %dma_start3A_53 = tpu.memref_slice %arg3[%add3A_6, %dma_start3A_52] : memref<2560x128xi32, #tpu.memory_space<hbm>> -> memref<40x128xi32, #tpu.memory_space<hbm>>
      tpu.enqueue_dma source(%dma_start3A_53 : memref<40x128xi32, #tpu.memory_space<hbm>>) target(%arg8 : memref<40x128xi32, #tpu.memory_space<vmem>>) target_semaphore(%run_scoped3A : memref<!tpu.dma_semaphore, #tpu.memory_space<semaphore_mem>>)
      %dma_wait3A = arith.constant 0 : i32
      %dma_wait3A_54 = tpu.memref_slice %arg3[%add3A_6, %dma_wait3A] : memref<2560x128xi32, #tpu.memory_space<hbm>> -> memref<40x128xi32, #tpu.memory_space<hbm>>
      %dma_wait3A_55 = arith.constant 0 : i32
      %dma_wait3A_56 = tpu.memref_slice %arg3[%add3A_6, %dma_wait3A_55] : memref<2560x128xi32, #tpu.memory_space<hbm>> -> memref<40x128xi32, #tpu.memory_space<hbm>>
      tpu.wait_dma2 semaphore(%run_scoped3A : memref<!tpu.dma_semaphore, #tpu.memory_space<semaphore_mem>>) src(%dma_wait3A_56 : memref<40x128xi32, #tpu.memory_space<hbm>>) dst(%arg8 : memref<40x128xi32, #tpu.memory_space<vmem>>)
      tpu.yield
    }) : () -> ()
    "tpu.region"() ({
      %run_scoped3A = tpu.sem_alloc : memref<!tpu.dma_semaphore, #tpu.memory_space<semaphore_mem>>
      %dma_start3A_50 = arith.constant 0 : i32
      %dma_start3A_51 = tpu.memref_slice %arg4[%add3A_6, %dma_start3A_50] : memref<2560x128xi32, #tpu.memory_space<hbm>> -> memref<40x128xi32, #tpu.memory_space<hbm>>
      %dma_start3A_52 = arith.constant 0 : i32
      %dma_start3A_53 = tpu.memref_slice %arg4[%add3A_6, %dma_start3A_52] : memref<2560x128xi32, #tpu.memory_space<hbm>> -> memref<40x128xi32, #tpu.memory_space<hbm>>
      tpu.enqueue_dma source(%dma_start3A_53 : memref<40x128xi32, #tpu.memory_space<hbm>>) target(%arg9 : memref<40x128xi32, #tpu.memory_space<vmem>>) target_semaphore(%run_scoped3A : memref<!tpu.dma_semaphore, #tpu.memory_space<semaphore_mem>>)
      %dma_wait3A = arith.constant 0 : i32
      %dma_wait3A_54 = tpu.memref_slice %arg4[%add3A_6, %dma_wait3A] : memref<2560x128xi32, #tpu.memory_space<hbm>> -> memref<40x128xi32, #tpu.memory_space<hbm>>
      %dma_wait3A_55 = arith.constant 0 : i32
      %dma_wait3A_56 = tpu.memref_slice %arg4[%add3A_6, %dma_wait3A_55] : memref<2560x128xi32, #tpu.memory_space<hbm>> -> memref<40x128xi32, #tpu.memory_space<hbm>>
      tpu.wait_dma2 semaphore(%run_scoped3A : memref<!tpu.dma_semaphore, #tpu.memory_space<semaphore_mem>>) src(%dma_wait3A_56 : memref<40x128xi32, #tpu.memory_space<hbm>>) dst(%arg9 : memref<40x128xi32, #tpu.memory_space<vmem>>)
      tpu.yield
    }) : () -> ()
    %dma_start3A = arith.constant 0 : i32
    %dma_start3A_7 = arith.constant 0 : i32
    %dma_start3A_8 = tpu.memref_slice %arg8[%dma_start3A, %dma_start3A_7] : memref<40x128xi32, #tpu.memory_space<vmem>> -> memref<1x128xi32, #tpu.memory_space<vmem>>
    %dma_start3A_9 = tpu.memref_squeeze %dma_start3A_8 : memref<1x128xi32, #tpu.memory_space<vmem>> -> memref<128xi32, #tpu.memory_space<vmem>>
    %dma_start3A_10 = arith.constant 0 : i32
    %dma_start3A_11 = arith.constant 0 : i32
    %dma_start3A_12 = tpu.memref_slice %arg2[%dma_start3A_10, %dma_start3A_11] : memref<10240x128xf32, #tpu.memory_space<hbm>> -> memref<10240x128xf32, #tpu.memory_space<hbm>>
    tpu.enqueue_indirect_dma source(%dma_start3A_12 : memref<10240x128xf32, #tpu.memory_space<hbm>>) target(%arg10 : memref<128x128xf32, #tpu.memory_space<vmem>>) offsets(%dma_start3A_9 : memref<128xi32, #tpu.memory_space<vmem>>) semaphore(%arg12 : memref<!tpu.dma_semaphore, #tpu.memory_space<semaphore_mem>>)
    %dma_start3A_13 = arith.constant 1 : i32
    %dma_start3A_14 = arith.constant 0 : i32
    %dma_start3A_15 = tpu.memref_slice %arg8[%dma_start3A_13, %dma_start3A_14] : memref<40x128xi32, #tpu.memory_space<vmem>> -> memref<1x128xi32, #tpu.memory_space<vmem>>
    %dma_start3A_16 = tpu.memref_squeeze %dma_start3A_15 : memref<1x128xi32, #tpu.memory_space<vmem>> -> memref<128xi32, #tpu.memory_space<vmem>>
    %dma_start3A_17 = arith.constant 0 : i32
    %dma_start3A_18 = arith.constant 0 : i32
    %dma_start3A_19 = tpu.memref_slice %arg2[%dma_start3A_17, %dma_start3A_18] : memref<10240x128xf32, #tpu.memory_space<hbm>> -> memref<10240x128xf32, #tpu.memory_space<hbm>>
    tpu.enqueue_indirect_dma source(%dma_start3A_19 : memref<10240x128xf32, #tpu.memory_space<hbm>>) target(%arg11 : memref<128x128xf32, #tpu.memory_space<vmem>>) offsets(%dma_start3A_16 : memref<128xi32, #tpu.memory_space<vmem>>) semaphore(%arg13 : memref<!tpu.dma_semaphore, #tpu.memory_space<semaphore_mem>>)
    "tpu.region"() ({
      %run_scoped3A = tpu.sem_alloc : memref<!tpu.dma_semaphore, #tpu.memory_space<semaphore_mem>>
      %dma_start3A_50 = arith.constant 0 : i32
      %dma_start3A_51 = tpu.memref_slice %arg7[%mul3A_2, %dma_start3A_50] : memref<10240x128xf32, #tpu.memory_space<vmem_shared>> -> memref<640x128xf32, #tpu.memory_space<vmem_shared>>
      tpu.enqueue_dma source(%arg5 : memref<640x128xf32, #tpu.memory_space<hbm>>) target(%dma_start3A_51 : memref<640x128xf32, #tpu.memory_space<vmem_shared>>) target_semaphore(%run_scoped3A : memref<!tpu.dma_semaphore, #tpu.memory_space<semaphore_mem>>)
      %dma_wait3A = arith.constant 0 : i32
      %dma_wait3A_52 = tpu.memref_slice %arg7[%mul3A_2, %dma_wait3A] : memref<10240x128xf32, #tpu.memory_space<vmem_shared>> -> memref<640x128xf32, #tpu.memory_space<vmem_shared>>
      tpu.wait_dma2 semaphore(%run_scoped3A : memref<!tpu.dma_semaphore, #tpu.memory_space<semaphore_mem>>) src(%arg5 : memref<640x128xf32, #tpu.memory_space<hbm>>) dst(%dma_wait3A_52 : memref<640x128xf32, #tpu.memory_space<vmem_shared>>)
      tpu.yield
    }) : () -> ()
    %barrier3A = arith.constant 0 : index
    tpu.barrier barrier_id(%barrier3A)
    %scan3A = arith.constant 0 : i32
    %scan3A_20 = arith.constant 0 : i32
    %scan3A_21 = arith.constant 20 : i32
    %scan3A_22 = arith.addi %scan3A_20, %scan3A_21 : i32
    %scan3A_23 = arith.constant 1 : i32
    scf.for %scan3A_50 = %scan3A_20 to %scan3A_22 step %scan3A_23  : i32 {
      %mul3A_51 = arith.constant 2 : i32
      %mul3A_52 = arith.muli %mul3A_51, %scan3A_50 : i32
      %add3A_53 = arith.constant 0 : i32
      %add3A_54 = arith.addi %mul3A_52, %add3A_53 : i32
      %dma_wait3A = arith.constant 0 : i32
      %dma_wait3A_55 = tpu.memref_slice %arg8[%add3A_54, %dma_wait3A] : memref<40x128xi32, #tpu.memory_space<vmem>> -> memref<1x128xi32, #tpu.memory_space<vmem>>
      %dma_wait3A_56 = tpu.memref_squeeze %dma_wait3A_55 : memref<1x128xi32, #tpu.memory_space<vmem>> -> memref<128xi32, #tpu.memory_space<vmem>>
      %dma_wait3A_57 = arith.constant 0 : i32
      %dma_wait3A_58 = arith.constant 0 : i32
      %dma_wait3A_59 = tpu.memref_slice %arg2[%dma_wait3A_57, %dma_wait3A_58] : memref<10240x128xf32, #tpu.memory_space<hbm>> -> memref<10240x128xf32, #tpu.memory_space<hbm>>
      tpu.wait_indirect_dma semaphore(%arg12 : memref<!tpu.dma_semaphore, #tpu.memory_space<semaphore_mem>>) src(%dma_wait3A_59 : memref<10240x128xf32, #tpu.memory_space<hbm>>) dst(%arg10 : memref<128x128xf32, #tpu.memory_space<vmem>>)
      "tpu.region"() ({
        %run_scoped3A = tpu.sem_alloc : memref<!tpu.dma_semaphore, #tpu.memory_space<semaphore_mem>>
        %dma_start3A_81 = arith.constant 0 : i32
        %dma_start3A_82 = tpu.memref_slice %arg9[%add3A_54, %dma_start3A_81] : memref<40x128xi32, #tpu.memory_space<vmem>> -> memref<1x128xi32, #tpu.memory_space<vmem>>
        %dma_start3A_83 = tpu.memref_squeeze %dma_start3A_82 : memref<1x128xi32, #tpu.memory_space<vmem>> -> memref<128xi32, #tpu.memory_space<vmem>>
        %dma_start3A_84 = arith.constant 0 : i32
        %dma_start3A_85 = arith.constant 0 : i32
        %dma_start3A_86 = tpu.memref_slice %arg7[%dma_start3A_84, %dma_start3A_85] : memref<10240x128xf32, #tpu.memory_space<vmem_shared>> -> memref<10240x128xf32, #tpu.memory_space<vmem_shared>>
        tpu.enqueue_indirect_dma source(%arg10 : memref<128x128xf32, #tpu.memory_space<vmem>>) target(%dma_start3A_86 : memref<10240x128xf32, #tpu.memory_space<vmem_shared>>) offsets(%dma_start3A_83 : memref<128xi32, #tpu.memory_space<vmem>>) semaphore(%run_scoped3A : memref<!tpu.dma_semaphore, #tpu.memory_space<semaphore_mem>>) {add = true}
        %dma_wait3A_87 = arith.constant 0 : i32
        %dma_wait3A_88 = tpu.memref_slice %arg9[%add3A_54, %dma_wait3A_87] : memref<40x128xi32, #tpu.memory_space<vmem>> -> memref<1x128xi32, #tpu.memory_space<vmem>>
        %dma_wait3A_89 = tpu.memref_squeeze %dma_wait3A_88 : memref<1x128xi32, #tpu.memory_space<vmem>> -> memref<128xi32, #tpu.memory_space<vmem>>
        %dma_wait3A_90 = arith.constant 0 : i32
        %dma_wait3A_91 = arith.constant 0 : i32
        %dma_wait3A_92 = tpu.memref_slice %arg7[%dma_wait3A_90, %dma_wait3A_91] : memref<10240x128xf32, #tpu.memory_space<vmem_shared>> -> memref<10240x128xf32, #tpu.memory_space<vmem_shared>>
        tpu.wait_indirect_dma semaphore(%run_scoped3A : memref<!tpu.dma_semaphore, #tpu.memory_space<semaphore_mem>>) src(%arg10 : memref<128x128xf32, #tpu.memory_space<vmem>>) dst(%dma_wait3A_92 : memref<10240x128xf32, #tpu.memory_space<vmem_shared>>)
        tpu.yield
      }) : () -> ()
      %add3A_60 = arith.constant 2 : i32
      %add3A_61 = arith.addi %add3A_54, %add3A_60 : i32
      %lt3A = arith.constant 40 : i32
      %lt3A_62 = arith.cmpi slt, %add3A_61, %lt3A : i32
      %convert_element_type3A = arith.extui %lt3A_62 : i1 to i32
      %cond3A = arith.constant 0 : i32
      %cond3A_63 = arith.cmpi ne, %convert_element_type3A, %cond3A : i32
      scf.if %cond3A_63 {
        %add3A_81 = arith.constant 2 : i32
        %add3A_82 = arith.addi %add3A_54, %add3A_81 : i32
        %dma_start3A_83 = arith.constant 0 : i32
        %dma_start3A_84 = tpu.memref_slice %arg8[%add3A_82, %dma_start3A_83] : memref<40x128xi32, #tpu.memory_space<vmem>> -> memref<1x128xi32, #tpu.memory_space<vmem>>
        %dma_start3A_85 = tpu.memref_squeeze %dma_start3A_84 : memref<1x128xi32, #tpu.memory_space<vmem>> -> memref<128xi32, #tpu.memory_space<vmem>>
        %dma_start3A_86 = arith.constant 0 : i32
        %dma_start3A_87 = arith.constant 0 : i32
        %dma_start3A_88 = tpu.memref_slice %arg2[%dma_start3A_86, %dma_start3A_87] : memref<10240x128xf32, #tpu.memory_space<hbm>> -> memref<10240x128xf32, #tpu.memory_space<hbm>>
        tpu.enqueue_indirect_dma source(%dma_start3A_88 : memref<10240x128xf32, #tpu.memory_space<hbm>>) target(%arg10 : memref<128x128xf32, #tpu.memory_space<vmem>>) offsets(%dma_start3A_85 : memref<128xi32, #tpu.memory_space<vmem>>) semaphore(%arg12 : memref<!tpu.dma_semaphore, #tpu.memory_space<semaphore_mem>>)
      } else {
      }
      %mul3A_64 = arith.constant 2 : i32
      %mul3A_65 = arith.muli %mul3A_64, %scan3A_50 : i32
      %add3A_66 = arith.constant 1 : i32
      %add3A_67 = arith.addi %mul3A_65, %add3A_66 : i32
      %dma_wait3A_68 = arith.constant 0 : i32
      %dma_wait3A_69 = tpu.memref_slice %arg8[%add3A_67, %dma_wait3A_68] : memref<40x128xi32, #tpu.memory_space<vmem>> -> memref<1x128xi32, #tpu.memory_space<vmem>>
      %dma_wait3A_70 = tpu.memref_squeeze %dma_wait3A_69 : memref<1x128xi32, #tpu.memory_space<vmem>> -> memref<128xi32, #tpu.memory_space<vmem>>
      %dma_wait3A_71 = arith.constant 0 : i32
      %dma_wait3A_72 = arith.constant 0 : i32
      %dma_wait3A_73 = tpu.memref_slice %arg2[%dma_wait3A_71, %dma_wait3A_72] : memref<10240x128xf32, #tpu.memory_space<hbm>> -> memref<10240x128xf32, #tpu.memory_space<hbm>>
      tpu.wait_indirect_dma semaphore(%arg13 : memref<!tpu.dma_semaphore, #tpu.memory_space<semaphore_mem>>) src(%dma_wait3A_73 : memref<10240x128xf32, #tpu.memory_space<hbm>>) dst(%arg11 : memref<128x128xf32, #tpu.memory_space<vmem>>)
      "tpu.region"() ({
        %run_scoped3A = tpu.sem_alloc : memref<!tpu.dma_semaphore, #tpu.memory_space<semaphore_mem>>
        %dma_start3A_81 = arith.constant 0 : i32
        %dma_start3A_82 = tpu.memref_slice %arg9[%add3A_67, %dma_start3A_81] : memref<40x128xi32, #tpu.memory_space<vmem>> -> memref<1x128xi32, #tpu.memory_space<vmem>>
        %dma_start3A_83 = tpu.memref_squeeze %dma_start3A_82 : memref<1x128xi32, #tpu.memory_space<vmem>> -> memref<128xi32, #tpu.memory_space<vmem>>
        %dma_start3A_84 = arith.constant 0 : i32
        %dma_start3A_85 = arith.constant 0 : i32
        %dma_start3A_86 = tpu.memref_slice %arg7[%dma_start3A_84, %dma_start3A_85] : memref<10240x128xf32, #tpu.memory_space<vmem_shared>> -> memref<10240x128xf32, #tpu.memory_space<vmem_shared>>
        tpu.enqueue_indirect_dma source(%arg11 : memref<128x128xf32, #tpu.memory_space<vmem>>) target(%dma_start3A_86 : memref<10240x128xf32, #tpu.memory_space<vmem_shared>>) offsets(%dma_start3A_83 : memref<128xi32, #tpu.memory_space<vmem>>) semaphore(%run_scoped3A : memref<!tpu.dma_semaphore, #tpu.memory_space<semaphore_mem>>) {add = true}
        %dma_wait3A_87 = arith.constant 0 : i32
        %dma_wait3A_88 = tpu.memref_slice %arg9[%add3A_67, %dma_wait3A_87] : memref<40x128xi32, #tpu.memory_space<vmem>> -> memref<1x128xi32, #tpu.memory_space<vmem>>
        %dma_wait3A_89 = tpu.memref_squeeze %dma_wait3A_88 : memref<1x128xi32, #tpu.memory_space<vmem>> -> memref<128xi32, #tpu.memory_space<vmem>>
        %dma_wait3A_90 = arith.constant 0 : i32
        %dma_wait3A_91 = arith.constant 0 : i32
        %dma_wait3A_92 = tpu.memref_slice %arg7[%dma_wait3A_90, %dma_wait3A_91] : memref<10240x128xf32, #tpu.memory_space<vmem_shared>> -> memref<10240x128xf32, #tpu.memory_space<vmem_shared>>
        tpu.wait_indirect_dma semaphore(%run_scoped3A : memref<!tpu.dma_semaphore, #tpu.memory_space<semaphore_mem>>) src(%arg11 : memref<128x128xf32, #tpu.memory_space<vmem>>) dst(%dma_wait3A_92 : memref<10240x128xf32, #tpu.memory_space<vmem_shared>>)
        tpu.yield
      }) : () -> ()
      %add3A_74 = arith.constant 2 : i32
      %add3A_75 = arith.addi %add3A_67, %add3A_74 : i32
      %lt3A_76 = arith.constant 40 : i32
      %lt3A_77 = arith.cmpi slt, %add3A_75, %lt3A_76 : i32
      %convert_element_type3A_78 = arith.extui %lt3A_77 : i1 to i32
      %cond3A_79 = arith.constant 0 : i32
      %cond3A_80 = arith.cmpi ne, %convert_element_type3A_78, %cond3A_79 : i32
      scf.if %cond3A_80 {
        %add3A_81 = arith.constant 2 : i32
        %add3A_82 = arith.addi %add3A_67, %add3A_81 : i32
        %dma_start3A_83 = arith.constant 0 : i32
        %dma_start3A_84 = tpu.memref_slice %arg8[%add3A_82, %dma_start3A_83] : memref<40x128xi32, #tpu.memory_space<vmem>> -> memref<1x128xi32, #tpu.memory_space<vmem>>
        %dma_start3A_85 = tpu.memref_squeeze %dma_start3A_84 : memref<1x128xi32, #tpu.memory_space<vmem>> -> memref<128xi32, #tpu.memory_space<vmem>>
        %dma_start3A_86 = arith.constant 0 : i32
        %dma_start3A_87 = arith.constant 0 : i32
        %dma_start3A_88 = tpu.memref_slice %arg2[%dma_start3A_86, %dma_start3A_87] : memref<10240x128xf32, #tpu.memory_space<hbm>> -> memref<10240x128xf32, #tpu.memory_space<hbm>>
        tpu.enqueue_indirect_dma source(%dma_start3A_88 : memref<10240x128xf32, #tpu.memory_space<hbm>>) target(%arg11 : memref<128x128xf32, #tpu.memory_space<vmem>>) offsets(%dma_start3A_85 : memref<128xi32, #tpu.memory_space<vmem>>) semaphore(%arg13 : memref<!tpu.dma_semaphore, #tpu.memory_space<semaphore_mem>>)
      } else {
      }
    }
    %scan3A_24 = arith.constant 20 : i32
    %mul3A_25 = arith.constant 80 : i32
    %mul3A_26 = arith.muli %add3A, %mul3A_25 : i32
    %add3A_27 = arith.constant 40 : i32
    %add3A_28 = arith.addi %mul3A_26, %add3A_27 : i32
    "tpu.region"() ({
      %run_scoped3A = tpu.sem_alloc : memref<!tpu.dma_semaphore, #tpu.memory_space<semaphore_mem>>
      %dma_start3A_50 = arith.constant 0 : i32
      %dma_start3A_51 = tpu.memref_slice %arg3[%add3A_28, %dma_start3A_50] : memref<2560x128xi32, #tpu.memory_space<hbm>> -> memref<40x128xi32, #tpu.memory_space<hbm>>
      %dma_start3A_52 = arith.constant 0 : i32
      %dma_start3A_53 = tpu.memref_slice %arg3[%add3A_28, %dma_start3A_52] : memref<2560x128xi32, #tpu.memory_space<hbm>> -> memref<40x128xi32, #tpu.memory_space<hbm>>
      tpu.enqueue_dma source(%dma_start3A_53 : memref<40x128xi32, #tpu.memory_space<hbm>>) target(%arg8 : memref<40x128xi32, #tpu.memory_space<vmem>>) target_semaphore(%run_scoped3A : memref<!tpu.dma_semaphore, #tpu.memory_space<semaphore_mem>>)
      %dma_wait3A = arith.constant 0 : i32
      %dma_wait3A_54 = tpu.memref_slice %arg3[%add3A_28, %dma_wait3A] : memref<2560x128xi32, #tpu.memory_space<hbm>> -> memref<40x128xi32, #tpu.memory_space<hbm>>
      %dma_wait3A_55 = arith.constant 0 : i32
      %dma_wait3A_56 = tpu.memref_slice %arg3[%add3A_28, %dma_wait3A_55] : memref<2560x128xi32, #tpu.memory_space<hbm>> -> memref<40x128xi32, #tpu.memory_space<hbm>>
      tpu.wait_dma2 semaphore(%run_scoped3A : memref<!tpu.dma_semaphore, #tpu.memory_space<semaphore_mem>>) src(%dma_wait3A_56 : memref<40x128xi32, #tpu.memory_space<hbm>>) dst(%arg8 : memref<40x128xi32, #tpu.memory_space<vmem>>)
      tpu.yield
    }) : () -> ()
    "tpu.region"() ({
      %run_scoped3A = tpu.sem_alloc : memref<!tpu.dma_semaphore, #tpu.memory_space<semaphore_mem>>
      %dma_start3A_50 = arith.constant 0 : i32
      %dma_start3A_51 = tpu.memref_slice %arg4[%add3A_28, %dma_start3A_50] : memref<2560x128xi32, #tpu.memory_space<hbm>> -> memref<40x128xi32, #tpu.memory_space<hbm>>
      %dma_start3A_52 = arith.constant 0 : i32
      %dma_start3A_53 = tpu.memref_slice %arg4[%add3A_28, %dma_start3A_52] : memref<2560x128xi32, #tpu.memory_space<hbm>> -> memref<40x128xi32, #tpu.memory_space<hbm>>
      tpu.enqueue_dma source(%dma_start3A_53 : memref<40x128xi32, #tpu.memory_space<hbm>>) target(%arg9 : memref<40x128xi32, #tpu.memory_space<vmem>>) target_semaphore(%run_scoped3A : memref<!tpu.dma_semaphore, #tpu.memory_space<semaphore_mem>>)
      %dma_wait3A = arith.constant 0 : i32
      %dma_wait3A_54 = tpu.memref_slice %arg4[%add3A_28, %dma_wait3A] : memref<2560x128xi32, #tpu.memory_space<hbm>> -> memref<40x128xi32, #tpu.memory_space<hbm>>
      %dma_wait3A_55 = arith.constant 0 : i32
      %dma_wait3A_56 = tpu.memref_slice %arg4[%add3A_28, %dma_wait3A_55] : memref<2560x128xi32, #tpu.memory_space<hbm>> -> memref<40x128xi32, #tpu.memory_space<hbm>>
      tpu.wait_dma2 semaphore(%run_scoped3A : memref<!tpu.dma_semaphore, #tpu.memory_space<semaphore_mem>>) src(%dma_wait3A_56 : memref<40x128xi32, #tpu.memory_space<hbm>>) dst(%arg9 : memref<40x128xi32, #tpu.memory_space<vmem>>)
      tpu.yield
    }) : () -> ()
    %dma_start3A_29 = arith.constant 0 : i32
    %dma_start3A_30 = arith.constant 0 : i32
    %dma_start3A_31 = tpu.memref_slice %arg8[%dma_start3A_29, %dma_start3A_30] : memref<40x128xi32, #tpu.memory_space<vmem>> -> memref<1x128xi32, #tpu.memory_space<vmem>>
    %dma_start3A_32 = tpu.memref_squeeze %dma_start3A_31 : memref<1x128xi32, #tpu.memory_space<vmem>> -> memref<128xi32, #tpu.memory_space<vmem>>
    %dma_start3A_33 = arith.constant 0 : i32
    %dma_start3A_34 = arith.constant 0 : i32
    %dma_start3A_35 = tpu.memref_slice %arg2[%dma_start3A_33, %dma_start3A_34] : memref<10240x128xf32, #tpu.memory_space<hbm>> -> memref<10240x128xf32, #tpu.memory_space<hbm>>
    tpu.enqueue_indirect_dma source(%dma_start3A_35 : memref<10240x128xf32, #tpu.memory_space<hbm>>) target(%arg10 : memref<128x128xf32, #tpu.memory_space<vmem>>) offsets(%dma_start3A_32 : memref<128xi32, #tpu.memory_space<vmem>>) semaphore(%arg12 : memref<!tpu.dma_semaphore, #tpu.memory_space<semaphore_mem>>)
    %dma_start3A_36 = arith.constant 1 : i32
    %dma_start3A_37 = arith.constant 0 : i32
    %dma_start3A_38 = tpu.memref_slice %arg8[%dma_start3A_36, %dma_start3A_37] : memref<40x128xi32, #tpu.memory_space<vmem>> -> memref<1x128xi32, #tpu.memory_space<vmem>>
    %dma_start3A_39 = tpu.memref_squeeze %dma_start3A_38 : memref<1x128xi32, #tpu.memory_space<vmem>> -> memref<128xi32, #tpu.memory_space<vmem>>
    %dma_start3A_40 = arith.constant 0 : i32
    %dma_start3A_41 = arith.constant 0 : i32
    %dma_start3A_42 = tpu.memref_slice %arg2[%dma_start3A_40, %dma_start3A_41] : memref<10240x128xf32, #tpu.memory_space<hbm>> -> memref<10240x128xf32, #tpu.memory_space<hbm>>
    tpu.enqueue_indirect_dma source(%dma_start3A_42 : memref<10240x128xf32, #tpu.memory_space<hbm>>) target(%arg11 : memref<128x128xf32, #tpu.memory_space<vmem>>) offsets(%dma_start3A_39 : memref<128xi32, #tpu.memory_space<vmem>>) semaphore(%arg13 : memref<!tpu.dma_semaphore, #tpu.memory_space<semaphore_mem>>)
    %scan3A_43 = arith.constant 0 : i32
    %scan3A_44 = arith.constant 0 : i32
    %scan3A_45 = arith.constant 20 : i32
    %scan3A_46 = arith.addi %scan3A_44, %scan3A_45 : i32
    %scan3A_47 = arith.constant 1 : i32
    scf.for %scan3A_50 = %scan3A_44 to %scan3A_46 step %scan3A_47  : i32 {
      %mul3A_51 = arith.constant 2 : i32
      %mul3A_52 = arith.muli %mul3A_51, %scan3A_50 : i32
      %add3A_53 = arith.constant 0 : i32
      %add3A_54 = arith.addi %mul3A_52, %add3A_53 : i32
      %dma_wait3A = arith.constant 0 : i32
      %dma_wait3A_55 = tpu.memref_slice %arg8[%add3A_54, %dma_wait3A] : memref<40x128xi32, #tpu.memory_space<vmem>> -> memref<1x128xi32, #tpu.memory_space<vmem>>
      %dma_wait3A_56 = tpu.memref_squeeze %dma_wait3A_55 : memref<1x128xi32, #tpu.memory_space<vmem>> -> memref<128xi32, #tpu.memory_space<vmem>>
      %dma_wait3A_57 = arith.constant 0 : i32
      %dma_wait3A_58 = arith.constant 0 : i32
      %dma_wait3A_59 = tpu.memref_slice %arg2[%dma_wait3A_57, %dma_wait3A_58] : memref<10240x128xf32, #tpu.memory_space<hbm>> -> memref<10240x128xf32, #tpu.memory_space<hbm>>
      tpu.wait_indirect_dma semaphore(%arg12 : memref<!tpu.dma_semaphore, #tpu.memory_space<semaphore_mem>>) src(%dma_wait3A_59 : memref<10240x128xf32, #tpu.memory_space<hbm>>) dst(%arg10 : memref<128x128xf32, #tpu.memory_space<vmem>>)
      "tpu.region"() ({
        %run_scoped3A = tpu.sem_alloc : memref<!tpu.dma_semaphore, #tpu.memory_space<semaphore_mem>>
        %dma_start3A_81 = arith.constant 0 : i32
        %dma_start3A_82 = tpu.memref_slice %arg9[%add3A_54, %dma_start3A_81] : memref<40x128xi32, #tpu.memory_space<vmem>> -> memref<1x128xi32, #tpu.memory_space<vmem>>
        %dma_start3A_83 = tpu.memref_squeeze %dma_start3A_82 : memref<1x128xi32, #tpu.memory_space<vmem>> -> memref<128xi32, #tpu.memory_space<vmem>>
        %dma_start3A_84 = arith.constant 0 : i32
        %dma_start3A_85 = arith.constant 0 : i32
        %dma_start3A_86 = tpu.memref_slice %arg7[%dma_start3A_84, %dma_start3A_85] : memref<10240x128xf32, #tpu.memory_space<vmem_shared>> -> memref<10240x128xf32, #tpu.memory_space<vmem_shared>>
        tpu.enqueue_indirect_dma source(%arg10 : memref<128x128xf32, #tpu.memory_space<vmem>>) target(%dma_start3A_86 : memref<10240x128xf32, #tpu.memory_space<vmem_shared>>) offsets(%dma_start3A_83 : memref<128xi32, #tpu.memory_space<vmem>>) semaphore(%run_scoped3A : memref<!tpu.dma_semaphore, #tpu.memory_space<semaphore_mem>>) {add = true}
        %dma_wait3A_87 = arith.constant 0 : i32
        %dma_wait3A_88 = tpu.memref_slice %arg9[%add3A_54, %dma_wait3A_87] : memref<40x128xi32, #tpu.memory_space<vmem>> -> memref<1x128xi32, #tpu.memory_space<vmem>>
        %dma_wait3A_89 = tpu.memref_squeeze %dma_wait3A_88 : memref<1x128xi32, #tpu.memory_space<vmem>> -> memref<128xi32, #tpu.memory_space<vmem>>
        %dma_wait3A_90 = arith.constant 0 : i32
        %dma_wait3A_91 = arith.constant 0 : i32
        %dma_wait3A_92 = tpu.memref_slice %arg7[%dma_wait3A_90, %dma_wait3A_91] : memref<10240x128xf32, #tpu.memory_space<vmem_shared>> -> memref<10240x128xf32, #tpu.memory_space<vmem_shared>>
        tpu.wait_indirect_dma semaphore(%run_scoped3A : memref<!tpu.dma_semaphore, #tpu.memory_space<semaphore_mem>>) src(%arg10 : memref<128x128xf32, #tpu.memory_space<vmem>>) dst(%dma_wait3A_92 : memref<10240x128xf32, #tpu.memory_space<vmem_shared>>)
        tpu.yield
      }) : () -> ()
      %add3A_60 = arith.constant 2 : i32
      %add3A_61 = arith.addi %add3A_54, %add3A_60 : i32
      %lt3A = arith.constant 40 : i32
      %lt3A_62 = arith.cmpi slt, %add3A_61, %lt3A : i32
      %convert_element_type3A = arith.extui %lt3A_62 : i1 to i32
      %cond3A = arith.constant 0 : i32
      %cond3A_63 = arith.cmpi ne, %convert_element_type3A, %cond3A : i32
      scf.if %cond3A_63 {
        %add3A_81 = arith.constant 2 : i32
        %add3A_82 = arith.addi %add3A_54, %add3A_81 : i32
        %dma_start3A_83 = arith.constant 0 : i32
        %dma_start3A_84 = tpu.memref_slice %arg8[%add3A_82, %dma_start3A_83] : memref<40x128xi32, #tpu.memory_space<vmem>> -> memref<1x128xi32, #tpu.memory_space<vmem>>
        %dma_start3A_85 = tpu.memref_squeeze %dma_start3A_84 : memref<1x128xi32, #tpu.memory_space<vmem>> -> memref<128xi32, #tpu.memory_space<vmem>>
        %dma_start3A_86 = arith.constant 0 : i32
        %dma_start3A_87 = arith.constant 0 : i32
        %dma_start3A_88 = tpu.memref_slice %arg2[%dma_start3A_86, %dma_start3A_87] : memref<10240x128xf32, #tpu.memory_space<hbm>> -> memref<10240x128xf32, #tpu.memory_space<hbm>>
        tpu.enqueue_indirect_dma source(%dma_start3A_88 : memref<10240x128xf32, #tpu.memory_space<hbm>>) target(%arg10 : memref<128x128xf32, #tpu.memory_space<vmem>>) offsets(%dma_start3A_85 : memref<128xi32, #tpu.memory_space<vmem>>) semaphore(%arg12 : memref<!tpu.dma_semaphore, #tpu.memory_space<semaphore_mem>>)
      } else {
      }
      %mul3A_64 = arith.constant 2 : i32
      %mul3A_65 = arith.muli %mul3A_64, %scan3A_50 : i32
      %add3A_66 = arith.constant 1 : i32
      %add3A_67 = arith.addi %mul3A_65, %add3A_66 : i32
      %dma_wait3A_68 = arith.constant 0 : i32
      %dma_wait3A_69 = tpu.memref_slice %arg8[%add3A_67, %dma_wait3A_68] : memref<40x128xi32, #tpu.memory_space<vmem>> -> memref<1x128xi32, #tpu.memory_space<vmem>>
      %dma_wait3A_70 = tpu.memref_squeeze %dma_wait3A_69 : memref<1x128xi32, #tpu.memory_space<vmem>> -> memref<128xi32, #tpu.memory_space<vmem>>
      %dma_wait3A_71 = arith.constant 0 : i32
      %dma_wait3A_72 = arith.constant 0 : i32
      %dma_wait3A_73 = tpu.memref_slice %arg2[%dma_wait3A_71, %dma_wait3A_72] : memref<10240x128xf32, #tpu.memory_space<hbm>> -> memref<10240x128xf32, #tpu.memory_space<hbm>>
      tpu.wait_indirect_dma semaphore(%arg13 : memref<!tpu.dma_semaphore, #tpu.memory_space<semaphore_mem>>) src(%dma_wait3A_73 : memref<10240x128xf32, #tpu.memory_space<hbm>>) dst(%arg11 : memref<128x128xf32, #tpu.memory_space<vmem>>)
      "tpu.region"() ({
        %run_scoped3A = tpu.sem_alloc : memref<!tpu.dma_semaphore, #tpu.memory_space<semaphore_mem>>
        %dma_start3A_81 = arith.constant 0 : i32
        %dma_start3A_82 = tpu.memref_slice %arg9[%add3A_67, %dma_start3A_81] : memref<40x128xi32, #tpu.memory_space<vmem>> -> memref<1x128xi32, #tpu.memory_space<vmem>>
        %dma_start3A_83 = tpu.memref_squeeze %dma_start3A_82 : memref<1x128xi32, #tpu.memory_space<vmem>> -> memref<128xi32, #tpu.memory_space<vmem>>
        %dma_start3A_84 = arith.constant 0 : i32
        %dma_start3A_85 = arith.constant 0 : i32
        %dma_start3A_86 = tpu.memref_slice %arg7[%dma_start3A_84, %dma_start3A_85] : memref<10240x128xf32, #tpu.memory_space<vmem_shared>> -> memref<10240x128xf32, #tpu.memory_space<vmem_shared>>
        tpu.enqueue_indirect_dma source(%arg11 : memref<128x128xf32, #tpu.memory_space<vmem>>) target(%dma_start3A_86 : memref<10240x128xf32, #tpu.memory_space<vmem_shared>>) offsets(%dma_start3A_83 : memref<128xi32, #tpu.memory_space<vmem>>) semaphore(%run_scoped3A : memref<!tpu.dma_semaphore, #tpu.memory_space<semaphore_mem>>) {add = true}
        %dma_wait3A_87 = arith.constant 0 : i32
        %dma_wait3A_88 = tpu.memref_slice %arg9[%add3A_67, %dma_wait3A_87] : memref<40x128xi32, #tpu.memory_space<vmem>> -> memref<1x128xi32, #tpu.memory_space<vmem>>
        %dma_wait3A_89 = tpu.memref_squeeze %dma_wait3A_88 : memref<1x128xi32, #tpu.memory_space<vmem>> -> memref<128xi32, #tpu.memory_space<vmem>>
        %dma_wait3A_90 = arith.constant 0 : i32
        %dma_wait3A_91 = arith.constant 0 : i32
        %dma_wait3A_92 = tpu.memref_slice %arg7[%dma_wait3A_90, %dma_wait3A_91] : memref<10240x128xf32, #tpu.memory_space<vmem_shared>> -> memref<10240x128xf32, #tpu.memory_space<vmem_shared>>
        tpu.wait_indirect_dma semaphore(%run_scoped3A : memref<!tpu.dma_semaphore, #tpu.memory_space<semaphore_mem>>) src(%arg11 : memref<128x128xf32, #tpu.memory_space<vmem>>) dst(%dma_wait3A_92 : memref<10240x128xf32, #tpu.memory_space<vmem_shared>>)
        tpu.yield
      }) : () -> ()
      %add3A_74 = arith.constant 2 : i32
      %add3A_75 = arith.addi %add3A_67, %add3A_74 : i32
      %lt3A_76 = arith.constant 40 : i32
      %lt3A_77 = arith.cmpi slt, %add3A_75, %lt3A_76 : i32
      %convert_element_type3A_78 = arith.extui %lt3A_77 : i1 to i32
      %cond3A_79 = arith.constant 0 : i32
      %cond3A_80 = arith.cmpi ne, %convert_element_type3A_78, %cond3A_79 : i32
      scf.if %cond3A_80 {
        %add3A_81 = arith.constant 2 : i32
        %add3A_82 = arith.addi %add3A_67, %add3A_81 : i32
        %dma_start3A_83 = arith.constant 0 : i32
        %dma_start3A_84 = tpu.memref_slice %arg8[%add3A_82, %dma_start3A_83] : memref<40x128xi32, #tpu.memory_space<vmem>> -> memref<1x128xi32, #tpu.memory_space<vmem>>
        %dma_start3A_85 = tpu.memref_squeeze %dma_start3A_84 : memref<1x128xi32, #tpu.memory_space<vmem>> -> memref<128xi32, #tpu.memory_space<vmem>>
        %dma_start3A_86 = arith.constant 0 : i32
        %dma_start3A_87 = arith.constant 0 : i32
        %dma_start3A_88 = tpu.memref_slice %arg2[%dma_start3A_86, %dma_start3A_87] : memref<10240x128xf32, #tpu.memory_space<hbm>> -> memref<10240x128xf32, #tpu.memory_space<hbm>>
        tpu.enqueue_indirect_dma source(%dma_start3A_88 : memref<10240x128xf32, #tpu.memory_space<hbm>>) target(%arg11 : memref<128x128xf32, #tpu.memory_space<vmem>>) offsets(%dma_start3A_85 : memref<128xi32, #tpu.memory_space<vmem>>) semaphore(%arg13 : memref<!tpu.dma_semaphore, #tpu.memory_space<semaphore_mem>>)
      } else {
      }
    }
    %scan3A_48 = arith.constant 20 : i32
    %barrier3A_49 = arith.constant 0 : index
    tpu.barrier barrier_id(%barrier3A_49)
    "tpu.region"() ({
      %run_scoped3A = tpu.sem_alloc : memref<!tpu.dma_semaphore, #tpu.memory_space<semaphore_mem>>
      %dma_start3A_50 = arith.constant 0 : i32
      %dma_start3A_51 = tpu.memref_slice %arg6[%arg0, %mul3A_2, %dma_start3A_50] : memref<2x10240x128xf32, #tpu.memory_space<hbm>> -> memref<1x640x128xf32, #tpu.memory_space<hbm>>
      %dma_start3A_52 = tpu.memref_squeeze %dma_start3A_51 : memref<1x640x128xf32, #tpu.memory_space<hbm>> -> memref<640x128xf32, #tpu.memory_space<hbm>>
      %dma_start3A_53 = arith.constant 0 : i32
      %dma_start3A_54 = tpu.memref_slice %arg7[%mul3A_2, %dma_start3A_53] : memref<10240x128xf32, #tpu.memory_space<vmem_shared>> -> memref<640x128xf32, #tpu.memory_space<vmem_shared>>
      tpu.enqueue_dma source(%dma_start3A_54 : memref<640x128xf32, #tpu.memory_space<vmem_shared>>) target(%dma_start3A_52 : memref<640x128xf32, #tpu.memory_space<hbm>>) target_semaphore(%run_scoped3A : memref<!tpu.dma_semaphore, #tpu.memory_space<semaphore_mem>>)
      %dma_wait3A = arith.constant 0 : i32
      %dma_wait3A_55 = tpu.memref_slice %arg6[%arg0, %mul3A_2, %dma_wait3A] : memref<2x10240x128xf32, #tpu.memory_space<hbm>> -> memref<1x640x128xf32, #tpu.memory_space<hbm>>
      %dma_wait3A_56 = tpu.memref_squeeze %dma_wait3A_55 : memref<1x640x128xf32, #tpu.memory_space<hbm>> -> memref<640x128xf32, #tpu.memory_space<hbm>>
      %dma_wait3A_57 = arith.constant 0 : i32
      %dma_wait3A_58 = tpu.memref_slice %arg7[%mul3A_2, %dma_wait3A_57] : memref<10240x128xf32, #tpu.memory_space<vmem_shared>> -> memref<640x128xf32, #tpu.memory_space<vmem_shared>>
      tpu.wait_dma2 semaphore(%run_scoped3A : memref<!tpu.dma_semaphore, #tpu.memory_space<semaphore_mem>>) src(%dma_wait3A_58 : memref<640x128xf32, #tpu.memory_space<vmem_shared>>) dst(%dma_wait3A_56 : memref<640x128xf32, #tpu.memory_space<hbm>>)
      tpu.yield
    }) : () -> ()
    return
  }
}

#map = affine_map<(d0, d1) -> (0, 0)>
#map1 = affine_map<(d0, d1) -> (0, 0, 0)>
module attributes {stable_mosaic.version = 14 : i64} {
  func.func @k(%arg0: i32, %arg1: i32, %arg2: memref<2560x128xi32, #tpu.memory_space<hbm>>, %arg3: memref<128x128xf32, #tpu.memory_space<hbm>>, %arg4: memref<640x128xf32, #tpu.memory_space<hbm>>, %arg5: memref<2x10240x128xf32, #tpu.memory_space<hbm>>, %arg6: memref<10240x128xf32, #tpu.memory_space<vmem_shared>>, %arg7: memref<80x128xi32, #tpu.memory_space<vmem>>, %arg8: memref<128x128xf32, #tpu.memory_space<vmem>>, %arg9: memref<!tpu.dma_semaphore, #tpu.memory_space<semaphore_mem>>) attributes {dimension_semantics = [#tpu.dimension_semantics<core_parallel>, #tpu.dimension_semantics<subcore_parallel>], iteration_bounds = array<i64: 2, 16>, scalar_prefetch = 0 : i64, scratch_operands = 4 : i64, tpu.core_type = #tpu.core_type<sc_vector_subcore>, window_params = [{transform_indices = #map}, {transform_indices = #map}, {transform_indices = #map}, {transform_indices = #map1}]} {
    %mul3A = arith.constant 2 : i32
    %mul3A_0 = arith.muli %arg1, %mul3A : i32
    %add3A = arith.addi %mul3A_0, %arg0 : i32
    %mul3A_1 = arith.constant 640 : i32
    %mul3A_2 = arith.muli %arg1, %mul3A_1 : i32
    %mul3A_3 = arith.constant 80 : i32
    %mul3A_4 = arith.muli %add3A, %mul3A_3 : i32
    "tpu.region"() ({
      %run_scoped3A = tpu.sem_alloc : memref<!tpu.dma_semaphore, #tpu.memory_space<semaphore_mem>>
      %dma_start3A = arith.constant 0 : i32
      %dma_start3A_38 = tpu.memref_slice %arg6[%mul3A_2, %dma_start3A] : memref<10240x128xf32, #tpu.memory_space<vmem_shared>> -> memref<640x128xf32, #tpu.memory_space<vmem_shared>>
      tpu.enqueue_dma source(%arg4 : memref<640x128xf32, #tpu.memory_space<hbm>>) target(%dma_start3A_38 : memref<640x128xf32, #tpu.memory_space<vmem_shared>>) target_semaphore(%run_scoped3A : memref<!tpu.dma_semaphore, #tpu.memory_space<semaphore_mem>>)
      %dma_wait3A_39 = arith.constant 0 : i32
      %dma_wait3A_40 = tpu.memref_slice %arg6[%mul3A_2, %dma_wait3A_39] : memref<10240x128xf32, #tpu.memory_space<vmem_shared>> -> memref<640x128xf32, #tpu.memory_space<vmem_shared>>
      tpu.wait_dma2 semaphore(%run_scoped3A : memref<!tpu.dma_semaphore, #tpu.memory_space<semaphore_mem>>) src(%arg4 : memref<640x128xf32, #tpu.memory_space<hbm>>) dst(%dma_wait3A_40 : memref<640x128xf32, #tpu.memory_space<vmem_shared>>)
      tpu.yield
    }) : () -> ()
    "tpu.region"() ({
      %run_scoped3A = tpu.sem_alloc : memref<!tpu.dma_semaphore, #tpu.memory_space<semaphore_mem>>
      %dma_start3A = arith.constant 0 : i32
      %dma_start3A_38 = tpu.memref_slice %arg2[%mul3A_4, %dma_start3A] : memref<2560x128xi32, #tpu.memory_space<hbm>> -> memref<80x128xi32, #tpu.memory_space<hbm>>
      %dma_start3A_39 = arith.constant 0 : i32
      %dma_start3A_40 = tpu.memref_slice %arg2[%mul3A_4, %dma_start3A_39] : memref<2560x128xi32, #tpu.memory_space<hbm>> -> memref<80x128xi32, #tpu.memory_space<hbm>>
      tpu.enqueue_dma source(%dma_start3A_40 : memref<80x128xi32, #tpu.memory_space<hbm>>) target(%arg7 : memref<80x128xi32, #tpu.memory_space<vmem>>) target_semaphore(%run_scoped3A : memref<!tpu.dma_semaphore, #tpu.memory_space<semaphore_mem>>)
      %dma_wait3A_41 = arith.constant 0 : i32
      %dma_wait3A_42 = tpu.memref_slice %arg2[%mul3A_4, %dma_wait3A_41] : memref<2560x128xi32, #tpu.memory_space<hbm>> -> memref<80x128xi32, #tpu.memory_space<hbm>>
      %dma_wait3A_43 = arith.constant 0 : i32
      %dma_wait3A_44 = tpu.memref_slice %arg2[%mul3A_4, %dma_wait3A_43] : memref<2560x128xi32, #tpu.memory_space<hbm>> -> memref<80x128xi32, #tpu.memory_space<hbm>>
      tpu.wait_dma2 semaphore(%run_scoped3A : memref<!tpu.dma_semaphore, #tpu.memory_space<semaphore_mem>>) src(%dma_wait3A_44 : memref<80x128xi32, #tpu.memory_space<hbm>>) dst(%arg7 : memref<80x128xi32, #tpu.memory_space<vmem>>)
      tpu.yield
    }) : () -> ()
    "tpu.region"() ({
      %run_scoped3A = tpu.sem_alloc : memref<!tpu.dma_semaphore, #tpu.memory_space<semaphore_mem>>
      tpu.enqueue_dma source(%arg3 : memref<128x128xf32, #tpu.memory_space<hbm>>) target(%arg8 : memref<128x128xf32, #tpu.memory_space<vmem>>) target_semaphore(%run_scoped3A : memref<!tpu.dma_semaphore, #tpu.memory_space<semaphore_mem>>)
      tpu.wait_dma2 semaphore(%run_scoped3A : memref<!tpu.dma_semaphore, #tpu.memory_space<semaphore_mem>>) src(%arg3 : memref<128x128xf32, #tpu.memory_space<hbm>>) dst(%arg8 : memref<128x128xf32, #tpu.memory_space<vmem>>)
      tpu.yield
    }) : () -> ()
    %barrier3A = arith.constant 0 : index
    tpu.barrier barrier_id(%barrier3A)
    %scan3A = arith.constant 0 : i32
    %scan3A_5 = arith.constant 0 : i32
    %scan3A_6 = arith.constant 80 : i32
    %scan3A_7 = arith.addi %scan3A_5, %scan3A_6 : i32
    %scan3A_8 = arith.constant 1 : i32
    scf.for %scan3A_38 = %scan3A_5 to %scan3A_7 step %scan3A_8  : i32 {
      %dma_start3A = arith.constant 0 : i32
      %dma_start3A_39 = tpu.memref_slice %arg7[%scan3A_38, %dma_start3A] : memref<80x128xi32, #tpu.memory_space<vmem>> -> memref<1x128xi32, #tpu.memory_space<vmem>>
      %dma_start3A_40 = tpu.memref_squeeze %dma_start3A_39 : memref<1x128xi32, #tpu.memory_space<vmem>> -> memref<128xi32, #tpu.memory_space<vmem>>
      %dma_start3A_41 = arith.constant 0 : i32
      %dma_start3A_42 = arith.constant 0 : i32
      %dma_start3A_43 = tpu.memref_slice %arg6[%dma_start3A_41, %dma_start3A_42] : memref<10240x128xf32, #tpu.memory_space<vmem_shared>> -> memref<10240x128xf32, #tpu.memory_space<vmem_shared>>
      tpu.enqueue_indirect_dma source(%arg8 : memref<128x128xf32, #tpu.memory_space<vmem>>) target(%dma_start3A_43 : memref<10240x128xf32, #tpu.memory_space<vmem_shared>>) offsets(%dma_start3A_40 : memref<128xi32, #tpu.memory_space<vmem>>) semaphore(%arg9 : memref<!tpu.dma_semaphore, #tpu.memory_space<semaphore_mem>>) {add = true}
      %ge3A = arith.constant 4 : i32
      %ge3A_44 = arith.cmpi sge, %scan3A_38, %ge3A : i32
      %convert_element_type3A = arith.extui %ge3A_44 : i1 to i32
      %cond3A = arith.constant 0 : i32
      %cond3A_45 = arith.cmpi ne, %convert_element_type3A, %cond3A : i32
      scf.if %cond3A_45 {
        %sub3A = arith.constant 4 : i32
        %sub3A_46 = arith.subi %scan3A_38, %sub3A : i32
        %dma_wait3A_47 = arith.constant 0 : i32
        %dma_wait3A_48 = tpu.memref_slice %arg7[%sub3A_46, %dma_wait3A_47] : memref<80x128xi32, #tpu.memory_space<vmem>> -> memref<1x128xi32, #tpu.memory_space<vmem>>
        %dma_wait3A_49 = tpu.memref_squeeze %dma_wait3A_48 : memref<1x128xi32, #tpu.memory_space<vmem>> -> memref<128xi32, #tpu.memory_space<vmem>>
        %dma_wait3A_50 = arith.constant 0 : i32
        %dma_wait3A_51 = arith.constant 0 : i32
        %dma_wait3A_52 = tpu.memref_slice %arg6[%dma_wait3A_50, %dma_wait3A_51] : memref<10240x128xf32, #tpu.memory_space<vmem_shared>> -> memref<10240x128xf32, #tpu.memory_space<vmem_shared>>
        tpu.wait_indirect_dma semaphore(%arg9 : memref<!tpu.dma_semaphore, #tpu.memory_space<semaphore_mem>>) src(%arg8 : memref<128x128xf32, #tpu.memory_space<vmem>>) dst(%dma_wait3A_52 : memref<10240x128xf32, #tpu.memory_space<vmem_shared>>)
      } else {
      }
    }
    %scan3A_9 = arith.constant 80 : i32
    %dma_wait3A = arith.constant 76 : i32
    %dma_wait3A_10 = arith.constant 0 : i32
    %dma_wait3A_11 = tpu.memref_slice %arg7[%dma_wait3A, %dma_wait3A_10] : memref<80x128xi32, #tpu.memory_space<vmem>> -> memref<1x128xi32, #tpu.memory_space<vmem>>
    %dma_wait3A_12 = tpu.memref_squeeze %dma_wait3A_11 : memref<1x128xi32, #tpu.memory_space<vmem>> -> memref<128xi32, #tpu.memory_space<vmem>>
    %dma_wait3A_13 = arith.constant 0 : i32
    %dma_wait3A_14 = arith.constant 0 : i32
    %dma_wait3A_15 = tpu.memref_slice %arg6[%dma_wait3A_13, %dma_wait3A_14] : memref<10240x128xf32, #tpu.memory_space<vmem_shared>> -> memref<10240x128xf32, #tpu.memory_space<vmem_shared>>
    tpu.wait_indirect_dma semaphore(%arg9 : memref<!tpu.dma_semaphore, #tpu.memory_space<semaphore_mem>>) src(%arg8 : memref<128x128xf32, #tpu.memory_space<vmem>>) dst(%dma_wait3A_15 : memref<10240x128xf32, #tpu.memory_space<vmem_shared>>)
    %dma_wait3A_16 = arith.constant 77 : i32
    %dma_wait3A_17 = arith.constant 0 : i32
    %dma_wait3A_18 = tpu.memref_slice %arg7[%dma_wait3A_16, %dma_wait3A_17] : memref<80x128xi32, #tpu.memory_space<vmem>> -> memref<1x128xi32, #tpu.memory_space<vmem>>
    %dma_wait3A_19 = tpu.memref_squeeze %dma_wait3A_18 : memref<1x128xi32, #tpu.memory_space<vmem>> -> memref<128xi32, #tpu.memory_space<vmem>>
    %dma_wait3A_20 = arith.constant 0 : i32
    %dma_wait3A_21 = arith.constant 0 : i32
    %dma_wait3A_22 = tpu.memref_slice %arg6[%dma_wait3A_20, %dma_wait3A_21] : memref<10240x128xf32, #tpu.memory_space<vmem_shared>> -> memref<10240x128xf32, #tpu.memory_space<vmem_shared>>
    tpu.wait_indirect_dma semaphore(%arg9 : memref<!tpu.dma_semaphore, #tpu.memory_space<semaphore_mem>>) src(%arg8 : memref<128x128xf32, #tpu.memory_space<vmem>>) dst(%dma_wait3A_22 : memref<10240x128xf32, #tpu.memory_space<vmem_shared>>)
    %dma_wait3A_23 = arith.constant 78 : i32
    %dma_wait3A_24 = arith.constant 0 : i32
    %dma_wait3A_25 = tpu.memref_slice %arg7[%dma_wait3A_23, %dma_wait3A_24] : memref<80x128xi32, #tpu.memory_space<vmem>> -> memref<1x128xi32, #tpu.memory_space<vmem>>
    %dma_wait3A_26 = tpu.memref_squeeze %dma_wait3A_25 : memref<1x128xi32, #tpu.memory_space<vmem>> -> memref<128xi32, #tpu.memory_space<vmem>>
    %dma_wait3A_27 = arith.constant 0 : i32
    %dma_wait3A_28 = arith.constant 0 : i32
    %dma_wait3A_29 = tpu.memref_slice %arg6[%dma_wait3A_27, %dma_wait3A_28] : memref<10240x128xf32, #tpu.memory_space<vmem_shared>> -> memref<10240x128xf32, #tpu.memory_space<vmem_shared>>
    tpu.wait_indirect_dma semaphore(%arg9 : memref<!tpu.dma_semaphore, #tpu.memory_space<semaphore_mem>>) src(%arg8 : memref<128x128xf32, #tpu.memory_space<vmem>>) dst(%dma_wait3A_29 : memref<10240x128xf32, #tpu.memory_space<vmem_shared>>)
    %dma_wait3A_30 = arith.constant 79 : i32
    %dma_wait3A_31 = arith.constant 0 : i32
    %dma_wait3A_32 = tpu.memref_slice %arg7[%dma_wait3A_30, %dma_wait3A_31] : memref<80x128xi32, #tpu.memory_space<vmem>> -> memref<1x128xi32, #tpu.memory_space<vmem>>
    %dma_wait3A_33 = tpu.memref_squeeze %dma_wait3A_32 : memref<1x128xi32, #tpu.memory_space<vmem>> -> memref<128xi32, #tpu.memory_space<vmem>>
    %dma_wait3A_34 = arith.constant 0 : i32
    %dma_wait3A_35 = arith.constant 0 : i32
    %dma_wait3A_36 = tpu.memref_slice %arg6[%dma_wait3A_34, %dma_wait3A_35] : memref<10240x128xf32, #tpu.memory_space<vmem_shared>> -> memref<10240x128xf32, #tpu.memory_space<vmem_shared>>
    tpu.wait_indirect_dma semaphore(%arg9 : memref<!tpu.dma_semaphore, #tpu.memory_space<semaphore_mem>>) src(%arg8 : memref<128x128xf32, #tpu.memory_space<vmem>>) dst(%dma_wait3A_36 : memref<10240x128xf32, #tpu.memory_space<vmem_shared>>)
    %barrier3A_37 = arith.constant 0 : index
    tpu.barrier barrier_id(%barrier3A_37)
    "tpu.region"() ({
      %run_scoped3A = tpu.sem_alloc : memref<!tpu.dma_semaphore, #tpu.memory_space<semaphore_mem>>
      %dma_start3A = arith.constant 0 : i32
      %dma_start3A_38 = tpu.memref_slice %arg5[%arg0, %mul3A_2, %dma_start3A] : memref<2x10240x128xf32, #tpu.memory_space<hbm>> -> memref<1x640x128xf32, #tpu.memory_space<hbm>>
      %dma_start3A_39 = tpu.memref_squeeze %dma_start3A_38 : memref<1x640x128xf32, #tpu.memory_space<hbm>> -> memref<640x128xf32, #tpu.memory_space<hbm>>
      %dma_start3A_40 = arith.constant 0 : i32
      %dma_start3A_41 = tpu.memref_slice %arg6[%mul3A_2, %dma_start3A_40] : memref<10240x128xf32, #tpu.memory_space<vmem_shared>> -> memref<640x128xf32, #tpu.memory_space<vmem_shared>>
      tpu.enqueue_dma source(%dma_start3A_41 : memref<640x128xf32, #tpu.memory_space<vmem_shared>>) target(%dma_start3A_39 : memref<640x128xf32, #tpu.memory_space<hbm>>) target_semaphore(%run_scoped3A : memref<!tpu.dma_semaphore, #tpu.memory_space<semaphore_mem>>)
      %dma_wait3A_42 = arith.constant 0 : i32
      %dma_wait3A_43 = tpu.memref_slice %arg5[%arg0, %mul3A_2, %dma_wait3A_42] : memref<2x10240x128xf32, #tpu.memory_space<hbm>> -> memref<1x640x128xf32, #tpu.memory_space<hbm>>
      %dma_wait3A_44 = tpu.memref_squeeze %dma_wait3A_43 : memref<1x640x128xf32, #tpu.memory_space<hbm>> -> memref<640x128xf32, #tpu.memory_space<hbm>>
      %dma_wait3A_45 = arith.constant 0 : i32
      %dma_wait3A_46 = tpu.memref_slice %arg6[%mul3A_2, %dma_wait3A_45] : memref<10240x128xf32, #tpu.memory_space<vmem_shared>> -> memref<640x128xf32, #tpu.memory_space<vmem_shared>>
      tpu.wait_dma2 semaphore(%run_scoped3A : memref<!tpu.dma_semaphore, #tpu.memory_space<semaphore_mem>>) src(%dma_wait3A_46 : memref<640x128xf32, #tpu.memory_space<vmem_shared>>) dst(%dma_wait3A_44 : memref<640x128xf32, #tpu.memory_space<hbm>>)
      tpu.yield
    }) : () -> ()
    return
  }
}

#map = affine_map<(d0, d1) -> (0, 0)>
#map1 = affine_map<(d0, d1) -> (0, 0, 0)>
module attributes {stable_mosaic.version = 14 : i64} {
  func.func @k(%arg0: i32, %arg1: i32, %arg2: memref<10240x128xf32, #tpu.memory_space<hbm>>, %arg3: memref<2560x128xi32, #tpu.memory_space<hbm>>, %arg4: memref<2560x128xi32, #tpu.memory_space<hbm>>, %arg5: memref<640x128xf32, #tpu.memory_space<hbm>>, %arg6: memref<2x10240x128xf32, #tpu.memory_space<hbm>>, %arg7: memref<10240x128xf32, #tpu.memory_space<vmem_shared>>, %arg8: memref<40x128xi32, #tpu.memory_space<vmem>>, %arg9: memref<40x128xi32, #tpu.memory_space<vmem>>, %arg10: memref<128x128xf32, #tpu.memory_space<vmem>>, %arg11: memref<128x128xf32, #tpu.memory_space<vmem>>, %arg12: memref<!tpu.dma_semaphore, #tpu.memory_space<semaphore_mem>>, %arg13: memref<!tpu.dma_semaphore, #tpu.memory_space<semaphore_mem>>) attributes {dimension_semantics = [#tpu.dimension_semantics<core_parallel>, #tpu.dimension_semantics<subcore_parallel>], iteration_bounds = array<i64: 2, 16>, scalar_prefetch = 0 : i64, scratch_operands = 7 : i64, tpu.core_type = #tpu.core_type<sc_vector_subcore>, window_params = [{transform_indices = #map}, {transform_indices = #map}, {transform_indices = #map}, {transform_indices = #map}, {transform_indices = #map1}]} {
    %mul3A = arith.constant 2 : i32
    %mul3A_0 = arith.muli %arg1, %mul3A : i32
    %add3A = arith.addi %mul3A_0, %arg0 : i32
    %mul3A_1 = arith.constant 640 : i32
    %mul3A_2 = arith.muli %arg1, %mul3A_1 : i32
    %mul3A_3 = arith.constant 80 : i32
    %mul3A_4 = arith.muli %add3A, %mul3A_3 : i32
    %add3A_5 = arith.constant 0 : i32
    %add3A_6 = arith.addi %mul3A_4, %add3A_5 : i32
    "tpu.region"() ({
      %run_scoped3A = tpu.sem_alloc : memref<!tpu.dma_semaphore, #tpu.memory_space<semaphore_mem>>
      %dma_start3A_50 = arith.constant 0 : i32
      %dma_start3A_51 = tpu.memref_slice %arg3[%add3A_6, %dma_start3A_50] : memref<2560x128xi32, #tpu.memory_space<hbm>> -> memref<40x128xi32, #tpu.memory_space<hbm>>
      %dma_start3A_52 = arith.constant 0 : i32
      %dma_start3A_53 = tpu.memref_slice %arg3[%add3A_6, %dma_start3A_52] : memref<2560x128xi32, #tpu.memory_space<hbm>> -> memref<40x128xi32, #tpu.memory_space<hbm>>
      tpu.enqueue_dma source(%dma_start3A_53 : memref<40x128xi32, #tpu.memory_space<hbm>>) target(%arg8 : memref<40x128xi32, #tpu.memory_space<vmem>>) target_semaphore(%run_scoped3A : memref<!tpu.dma_semaphore, #tpu.memory_space<semaphore_mem>>)
      %dma_wait3A = arith.constant 0 : i32
      %dma_wait3A_54 = tpu.memref_slice %arg3[%add3A_6, %dma_wait3A] : memref<2560x128xi32, #tpu.memory_space<hbm>> -> memref<40x128xi32, #tpu.memory_space<hbm>>
      %dma_wait3A_55 = arith.constant 0 : i32
      %dma_wait3A_56 = tpu.memref_slice %arg3[%add3A_6, %dma_wait3A_55] : memref<2560x128xi32, #tpu.memory_space<hbm>> -> memref<40x128xi32, #tpu.memory_space<hbm>>
      tpu.wait_dma2 semaphore(%run_scoped3A : memref<!tpu.dma_semaphore, #tpu.memory_space<semaphore_mem>>) src(%dma_wait3A_56 : memref<40x128xi32, #tpu.memory_space<hbm>>) dst(%arg8 : memref<40x128xi32, #tpu.memory_space<vmem>>)
      tpu.yield
    }) : () -> ()
    "tpu.region"() ({
      %run_scoped3A = tpu.sem_alloc : memref<!tpu.dma_semaphore, #tpu.memory_space<semaphore_mem>>
      %dma_start3A_50 = arith.constant 0 : i32
      %dma_start3A_51 = tpu.memref_slice %arg4[%add3A_6, %dma_start3A_50] : memref<2560x128xi32, #tpu.memory_space<hbm>> -> memref<40x128xi32, #tpu.memory_space<hbm>>
      %dma_start3A_52 = arith.constant 0 : i32
      %dma_start3A_53 = tpu.memref_slice %arg4[%add3A_6, %dma_start3A_52] : memref<2560x128xi32, #tpu.memory_space<hbm>> -> memref<40x128xi32, #tpu.memory_space<hbm>>
      tpu.enqueue_dma source(%dma_start3A_53 : memref<40x128xi32, #tpu.memory_space<hbm>>) target(%arg9 : memref<40x128xi32, #tpu.memory_space<vmem>>) target_semaphore(%run_scoped3A : memref<!tpu.dma_semaphore, #tpu.memory_space<semaphore_mem>>)
      %dma_wait3A = arith.constant 0 : i32
      %dma_wait3A_54 = tpu.memref_slice %arg4[%add3A_6, %dma_wait3A] : memref<2560x128xi32, #tpu.memory_space<hbm>> -> memref<40x128xi32, #tpu.memory_space<hbm>>
      %dma_wait3A_55 = arith.constant 0 : i32
      %dma_wait3A_56 = tpu.memref_slice %arg4[%add3A_6, %dma_wait3A_55] : memref<2560x128xi32, #tpu.memory_space<hbm>> -> memref<40x128xi32, #tpu.memory_space<hbm>>
      tpu.wait_dma2 semaphore(%run_scoped3A : memref<!tpu.dma_semaphore, #tpu.memory_space<semaphore_mem>>) src(%dma_wait3A_56 : memref<40x128xi32, #tpu.memory_space<hbm>>) dst(%arg9 : memref<40x128xi32, #tpu.memory_space<vmem>>)
      tpu.yield
    }) : () -> ()
    %dma_start3A = arith.constant 0 : i32
    %dma_start3A_7 = arith.constant 0 : i32
    %dma_start3A_8 = tpu.memref_slice %arg8[%dma_start3A, %dma_start3A_7] : memref<40x128xi32, #tpu.memory_space<vmem>> -> memref<1x128xi32, #tpu.memory_space<vmem>>
    %dma_start3A_9 = tpu.memref_squeeze %dma_start3A_8 : memref<1x128xi32, #tpu.memory_space<vmem>> -> memref<128xi32, #tpu.memory_space<vmem>>
    %dma_start3A_10 = arith.constant 0 : i32
    %dma_start3A_11 = arith.constant 0 : i32
    %dma_start3A_12 = tpu.memref_slice %arg2[%dma_start3A_10, %dma_start3A_11] : memref<10240x128xf32, #tpu.memory_space<hbm>> -> memref<10240x128xf32, #tpu.memory_space<hbm>>
    tpu.enqueue_indirect_dma source(%dma_start3A_12 : memref<10240x128xf32, #tpu.memory_space<hbm>>) target(%arg10 : memref<128x128xf32, #tpu.memory_space<vmem>>) offsets(%dma_start3A_9 : memref<128xi32, #tpu.memory_space<vmem>>) semaphore(%arg12 : memref<!tpu.dma_semaphore, #tpu.memory_space<semaphore_mem>>)
    %dma_start3A_13 = arith.constant 1 : i32
    %dma_start3A_14 = arith.constant 0 : i32
    %dma_start3A_15 = tpu.memref_slice %arg8[%dma_start3A_13, %dma_start3A_14] : memref<40x128xi32, #tpu.memory_space<vmem>> -> memref<1x128xi32, #tpu.memory_space<vmem>>
    %dma_start3A_16 = tpu.memref_squeeze %dma_start3A_15 : memref<1x128xi32, #tpu.memory_space<vmem>> -> memref<128xi32, #tpu.memory_space<vmem>>
    %dma_start3A_17 = arith.constant 0 : i32
    %dma_start3A_18 = arith.constant 0 : i32
    %dma_start3A_19 = tpu.memref_slice %arg2[%dma_start3A_17, %dma_start3A_18] : memref<10240x128xf32, #tpu.memory_space<hbm>> -> memref<10240x128xf32, #tpu.memory_space<hbm>>
    tpu.enqueue_indirect_dma source(%dma_start3A_19 : memref<10240x128xf32, #tpu.memory_space<hbm>>) target(%arg11 : memref<128x128xf32, #tpu.memory_space<vmem>>) offsets(%dma_start3A_16 : memref<128xi32, #tpu.memory_space<vmem>>) semaphore(%arg13 : memref<!tpu.dma_semaphore, #tpu.memory_space<semaphore_mem>>)
    "tpu.region"() ({
      %run_scoped3A = tpu.sem_alloc : memref<!tpu.dma_semaphore, #tpu.memory_space<semaphore_mem>>
      %dma_start3A_50 = arith.constant 0 : i32
      %dma_start3A_51 = tpu.memref_slice %arg7[%mul3A_2, %dma_start3A_50] : memref<10240x128xf32, #tpu.memory_space<vmem_shared>> -> memref<640x128xf32, #tpu.memory_space<vmem_shared>>
      tpu.enqueue_dma source(%arg5 : memref<640x128xf32, #tpu.memory_space<hbm>>) target(%dma_start3A_51 : memref<640x128xf32, #tpu.memory_space<vmem_shared>>) target_semaphore(%run_scoped3A : memref<!tpu.dma_semaphore, #tpu.memory_space<semaphore_mem>>)
      %dma_wait3A = arith.constant 0 : i32
      %dma_wait3A_52 = tpu.memref_slice %arg7[%mul3A_2, %dma_wait3A] : memref<10240x128xf32, #tpu.memory_space<vmem_shared>> -> memref<640x128xf32, #tpu.memory_space<vmem_shared>>
      tpu.wait_dma2 semaphore(%run_scoped3A : memref<!tpu.dma_semaphore, #tpu.memory_space<semaphore_mem>>) src(%arg5 : memref<640x128xf32, #tpu.memory_space<hbm>>) dst(%dma_wait3A_52 : memref<640x128xf32, #tpu.memory_space<vmem_shared>>)
      tpu.yield
    }) : () -> ()
    %barrier3A = arith.constant 0 : index
    tpu.barrier barrier_id(%barrier3A)
    %scan3A = arith.constant 0 : i32
    %scan3A_20 = arith.constant 0 : i32
    %scan3A_21 = arith.constant 20 : i32
    %scan3A_22 = arith.addi %scan3A_20, %scan3A_21 : i32
    %scan3A_23 = arith.constant 1 : i32
    scf.for %scan3A_50 = %scan3A_20 to %scan3A_22 step %scan3A_23  : i32 {
      %mul3A_51 = arith.constant 2 : i32
      %mul3A_52 = arith.muli %mul3A_51, %scan3A_50 : i32
      %add3A_53 = arith.constant 0 : i32
      %add3A_54 = arith.addi %mul3A_52, %add3A_53 : i32
      %dma_wait3A = arith.constant 0 : i32
      %dma_wait3A_55 = tpu.memref_slice %arg8[%add3A_54, %dma_wait3A] : memref<40x128xi32, #tpu.memory_space<vmem>> -> memref<1x128xi32, #tpu.memory_space<vmem>>
      %dma_wait3A_56 = tpu.memref_squeeze %dma_wait3A_55 : memref<1x128xi32, #tpu.memory_space<vmem>> -> memref<128xi32, #tpu.memory_space<vmem>>
      %dma_wait3A_57 = arith.constant 0 : i32
      %dma_wait3A_58 = arith.constant 0 : i32
      %dma_wait3A_59 = tpu.memref_slice %arg2[%dma_wait3A_57, %dma_wait3A_58] : memref<10240x128xf32, #tpu.memory_space<hbm>> -> memref<10240x128xf32, #tpu.memory_space<hbm>>
      tpu.wait_indirect_dma semaphore(%arg12 : memref<!tpu.dma_semaphore, #tpu.memory_space<semaphore_mem>>) src(%dma_wait3A_59 : memref<10240x128xf32, #tpu.memory_space<hbm>>) dst(%arg10 : memref<128x128xf32, #tpu.memory_space<vmem>>)
      "tpu.region"() ({
        %run_scoped3A = tpu.sem_alloc : memref<!tpu.dma_semaphore, #tpu.memory_space<semaphore_mem>>
        %dma_start3A_81 = arith.constant 0 : i32
        %dma_start3A_82 = tpu.memref_slice %arg9[%add3A_54, %dma_start3A_81] : memref<40x128xi32, #tpu.memory_space<vmem>> -> memref<1x128xi32, #tpu.memory_space<vmem>>
        %dma_start3A_83 = tpu.memref_squeeze %dma_start3A_82 : memref<1x128xi32, #tpu.memory_space<vmem>> -> memref<128xi32, #tpu.memory_space<vmem>>
        %dma_start3A_84 = arith.constant 0 : i32
        %dma_start3A_85 = arith.constant 0 : i32
        %dma_start3A_86 = tpu.memref_slice %arg7[%dma_start3A_84, %dma_start3A_85] : memref<10240x128xf32, #tpu.memory_space<vmem_shared>> -> memref<10240x128xf32, #tpu.memory_space<vmem_shared>>
        tpu.enqueue_indirect_dma source(%arg10 : memref<128x128xf32, #tpu.memory_space<vmem>>) target(%dma_start3A_86 : memref<10240x128xf32, #tpu.memory_space<vmem_shared>>) offsets(%dma_start3A_83 : memref<128xi32, #tpu.memory_space<vmem>>) semaphore(%run_scoped3A : memref<!tpu.dma_semaphore, #tpu.memory_space<semaphore_mem>>) {add = true}
        %dma_wait3A_87 = arith.constant 0 : i32
        %dma_wait3A_88 = tpu.memref_slice %arg9[%add3A_54, %dma_wait3A_87] : memref<40x128xi32, #tpu.memory_space<vmem>> -> memref<1x128xi32, #tpu.memory_space<vmem>>
        %dma_wait3A_89 = tpu.memref_squeeze %dma_wait3A_88 : memref<1x128xi32, #tpu.memory_space<vmem>> -> memref<128xi32, #tpu.memory_space<vmem>>
        %dma_wait3A_90 = arith.constant 0 : i32
        %dma_wait3A_91 = arith.constant 0 : i32
        %dma_wait3A_92 = tpu.memref_slice %arg7[%dma_wait3A_90, %dma_wait3A_91] : memref<10240x128xf32, #tpu.memory_space<vmem_shared>> -> memref<10240x128xf32, #tpu.memory_space<vmem_shared>>
        tpu.wait_indirect_dma semaphore(%run_scoped3A : memref<!tpu.dma_semaphore, #tpu.memory_space<semaphore_mem>>) src(%arg10 : memref<128x128xf32, #tpu.memory_space<vmem>>) dst(%dma_wait3A_92 : memref<10240x128xf32, #tpu.memory_space<vmem_shared>>)
        tpu.yield
      }) : () -> ()
      %add3A_60 = arith.constant 2 : i32
      %add3A_61 = arith.addi %add3A_54, %add3A_60 : i32
      %lt3A = arith.constant 40 : i32
      %lt3A_62 = arith.cmpi slt, %add3A_61, %lt3A : i32
      %convert_element_type3A = arith.extui %lt3A_62 : i1 to i32
      %cond3A = arith.constant 0 : i32
      %cond3A_63 = arith.cmpi ne, %convert_element_type3A, %cond3A : i32
      scf.if %cond3A_63 {
        %add3A_81 = arith.constant 2 : i32
        %add3A_82 = arith.addi %add3A_54, %add3A_81 : i32
        %dma_start3A_83 = arith.constant 0 : i32
        %dma_start3A_84 = tpu.memref_slice %arg8[%add3A_82, %dma_start3A_83] : memref<40x128xi32, #tpu.memory_space<vmem>> -> memref<1x128xi32, #tpu.memory_space<vmem>>
        %dma_start3A_85 = tpu.memref_squeeze %dma_start3A_84 : memref<1x128xi32, #tpu.memory_space<vmem>> -> memref<128xi32, #tpu.memory_space<vmem>>
        %dma_start3A_86 = arith.constant 0 : i32
        %dma_start3A_87 = arith.constant 0 : i32
        %dma_start3A_88 = tpu.memref_slice %arg2[%dma_start3A_86, %dma_start3A_87] : memref<10240x128xf32, #tpu.memory_space<hbm>> -> memref<10240x128xf32, #tpu.memory_space<hbm>>
        tpu.enqueue_indirect_dma source(%dma_start3A_88 : memref<10240x128xf32, #tpu.memory_space<hbm>>) target(%arg10 : memref<128x128xf32, #tpu.memory_space<vmem>>) offsets(%dma_start3A_85 : memref<128xi32, #tpu.memory_space<vmem>>) semaphore(%arg12 : memref<!tpu.dma_semaphore, #tpu.memory_space<semaphore_mem>>)
      } else {
      }
      %mul3A_64 = arith.constant 2 : i32
      %mul3A_65 = arith.muli %mul3A_64, %scan3A_50 : i32
      %add3A_66 = arith.constant 1 : i32
      %add3A_67 = arith.addi %mul3A_65, %add3A_66 : i32
      %dma_wait3A_68 = arith.constant 0 : i32
      %dma_wait3A_69 = tpu.memref_slice %arg8[%add3A_67, %dma_wait3A_68] : memref<40x128xi32, #tpu.memory_space<vmem>> -> memref<1x128xi32, #tpu.memory_space<vmem>>
      %dma_wait3A_70 = tpu.memref_squeeze %dma_wait3A_69 : memref<1x128xi32, #tpu.memory_space<vmem>> -> memref<128xi32, #tpu.memory_space<vmem>>
      %dma_wait3A_71 = arith.constant 0 : i32
      %dma_wait3A_72 = arith.constant 0 : i32
      %dma_wait3A_73 = tpu.memref_slice %arg2[%dma_wait3A_71, %dma_wait3A_72] : memref<10240x128xf32, #tpu.memory_space<hbm>> -> memref<10240x128xf32, #tpu.memory_space<hbm>>
      tpu.wait_indirect_dma semaphore(%arg13 : memref<!tpu.dma_semaphore, #tpu.memory_space<semaphore_mem>>) src(%dma_wait3A_73 : memref<10240x128xf32, #tpu.memory_space<hbm>>) dst(%arg11 : memref<128x128xf32, #tpu.memory_space<vmem>>)
      "tpu.region"() ({
        %run_scoped3A = tpu.sem_alloc : memref<!tpu.dma_semaphore, #tpu.memory_space<semaphore_mem>>
        %dma_start3A_81 = arith.constant 0 : i32
        %dma_start3A_82 = tpu.memref_slice %arg9[%add3A_67, %dma_start3A_81] : memref<40x128xi32, #tpu.memory_space<vmem>> -> memref<1x128xi32, #tpu.memory_space<vmem>>
        %dma_start3A_83 = tpu.memref_squeeze %dma_start3A_82 : memref<1x128xi32, #tpu.memory_space<vmem>> -> memref<128xi32, #tpu.memory_space<vmem>>
        %dma_start3A_84 = arith.constant 0 : i32
        %dma_start3A_85 = arith.constant 0 : i32
        %dma_start3A_86 = tpu.memref_slice %arg7[%dma_start3A_84, %dma_start3A_85] : memref<10240x128xf32, #tpu.memory_space<vmem_shared>> -> memref<10240x128xf32, #tpu.memory_space<vmem_shared>>
        tpu.enqueue_indirect_dma source(%arg11 : memref<128x128xf32, #tpu.memory_space<vmem>>) target(%dma_start3A_86 : memref<10240x128xf32, #tpu.memory_space<vmem_shared>>) offsets(%dma_start3A_83 : memref<128xi32, #tpu.memory_space<vmem>>) semaphore(%run_scoped3A : memref<!tpu.dma_semaphore, #tpu.memory_space<semaphore_mem>>) {add = true}
        %dma_wait3A_87 = arith.constant 0 : i32
        %dma_wait3A_88 = tpu.memref_slice %arg9[%add3A_67, %dma_wait3A_87] : memref<40x128xi32, #tpu.memory_space<vmem>> -> memref<1x128xi32, #tpu.memory_space<vmem>>
        %dma_wait3A_89 = tpu.memref_squeeze %dma_wait3A_88 : memref<1x128xi32, #tpu.memory_space<vmem>> -> memref<128xi32, #tpu.memory_space<vmem>>
        %dma_wait3A_90 = arith.constant 0 : i32
        %dma_wait3A_91 = arith.constant 0 : i32
        %dma_wait3A_92 = tpu.memref_slice %arg7[%dma_wait3A_90, %dma_wait3A_91] : memref<10240x128xf32, #tpu.memory_space<vmem_shared>> -> memref<10240x128xf32, #tpu.memory_space<vmem_shared>>
        tpu.wait_indirect_dma semaphore(%run_scoped3A : memref<!tpu.dma_semaphore, #tpu.memory_space<semaphore_mem>>) src(%arg11 : memref<128x128xf32, #tpu.memory_space<vmem>>) dst(%dma_wait3A_92 : memref<10240x128xf32, #tpu.memory_space<vmem_shared>>)
        tpu.yield
      }) : () -> ()
      %add3A_74 = arith.constant 2 : i32
      %add3A_75 = arith.addi %add3A_67, %add3A_74 : i32
      %lt3A_76 = arith.constant 40 : i32
      %lt3A_77 = arith.cmpi slt, %add3A_75, %lt3A_76 : i32
      %convert_element_type3A_78 = arith.extui %lt3A_77 : i1 to i32
      %cond3A_79 = arith.constant 0 : i32
      %cond3A_80 = arith.cmpi ne, %convert_element_type3A_78, %cond3A_79 : i32
      scf.if %cond3A_80 {
        %add3A_81 = arith.constant 2 : i32
        %add3A_82 = arith.addi %add3A_67, %add3A_81 : i32
        %dma_start3A_83 = arith.constant 0 : i32
        %dma_start3A_84 = tpu.memref_slice %arg8[%add3A_82, %dma_start3A_83] : memref<40x128xi32, #tpu.memory_space<vmem>> -> memref<1x128xi32, #tpu.memory_space<vmem>>
        %dma_start3A_85 = tpu.memref_squeeze %dma_start3A_84 : memref<1x128xi32, #tpu.memory_space<vmem>> -> memref<128xi32, #tpu.memory_space<vmem>>
        %dma_start3A_86 = arith.constant 0 : i32
        %dma_start3A_87 = arith.constant 0 : i32
        %dma_start3A_88 = tpu.memref_slice %arg2[%dma_start3A_86, %dma_start3A_87] : memref<10240x128xf32, #tpu.memory_space<hbm>> -> memref<10240x128xf32, #tpu.memory_space<hbm>>
        tpu.enqueue_indirect_dma source(%dma_start3A_88 : memref<10240x128xf32, #tpu.memory_space<hbm>>) target(%arg11 : memref<128x128xf32, #tpu.memory_space<vmem>>) offsets(%dma_start3A_85 : memref<128xi32, #tpu.memory_space<vmem>>) semaphore(%arg13 : memref<!tpu.dma_semaphore, #tpu.memory_space<semaphore_mem>>)
      } else {
      }
    }
    %scan3A_24 = arith.constant 20 : i32
    %mul3A_25 = arith.constant 80 : i32
    %mul3A_26 = arith.muli %add3A, %mul3A_25 : i32
    %add3A_27 = arith.constant 40 : i32
    %add3A_28 = arith.addi %mul3A_26, %add3A_27 : i32
    "tpu.region"() ({
      %run_scoped3A = tpu.sem_alloc : memref<!tpu.dma_semaphore, #tpu.memory_space<semaphore_mem>>
      %dma_start3A_50 = arith.constant 0 : i32
      %dma_start3A_51 = tpu.memref_slice %arg3[%add3A_28, %dma_start3A_50] : memref<2560x128xi32, #tpu.memory_space<hbm>> -> memref<40x128xi32, #tpu.memory_space<hbm>>
      %dma_start3A_52 = arith.constant 0 : i32
      %dma_start3A_53 = tpu.memref_slice %arg3[%add3A_28, %dma_start3A_52] : memref<2560x128xi32, #tpu.memory_space<hbm>> -> memref<40x128xi32, #tpu.memory_space<hbm>>
      tpu.enqueue_dma source(%dma_start3A_53 : memref<40x128xi32, #tpu.memory_space<hbm>>) target(%arg8 : memref<40x128xi32, #tpu.memory_space<vmem>>) target_semaphore(%run_scoped3A : memref<!tpu.dma_semaphore, #tpu.memory_space<semaphore_mem>>)
      %dma_wait3A = arith.constant 0 : i32
      %dma_wait3A_54 = tpu.memref_slice %arg3[%add3A_28, %dma_wait3A] : memref<2560x128xi32, #tpu.memory_space<hbm>> -> memref<40x128xi32, #tpu.memory_space<hbm>>
      %dma_wait3A_55 = arith.constant 0 : i32
      %dma_wait3A_56 = tpu.memref_slice %arg3[%add3A_28, %dma_wait3A_55] : memref<2560x128xi32, #tpu.memory_space<hbm>> -> memref<40x128xi32, #tpu.memory_space<hbm>>
      tpu.wait_dma2 semaphore(%run_scoped3A : memref<!tpu.dma_semaphore, #tpu.memory_space<semaphore_mem>>) src(%dma_wait3A_56 : memref<40x128xi32, #tpu.memory_space<hbm>>) dst(%arg8 : memref<40x128xi32, #tpu.memory_space<vmem>>)
      tpu.yield
    }) : () -> ()
    "tpu.region"() ({
      %run_scoped3A = tpu.sem_alloc : memref<!tpu.dma_semaphore, #tpu.memory_space<semaphore_mem>>
      %dma_start3A_50 = arith.constant 0 : i32
      %dma_start3A_51 = tpu.memref_slice %arg4[%add3A_28, %dma_start3A_50] : memref<2560x128xi32, #tpu.memory_space<hbm>> -> memref<40x128xi32, #tpu.memory_space<hbm>>
      %dma_start3A_52 = arith.constant 0 : i32
      %dma_start3A_53 = tpu.memref_slice %arg4[%add3A_28, %dma_start3A_52] : memref<2560x128xi32, #tpu.memory_space<hbm>> -> memref<40x128xi32, #tpu.memory_space<hbm>>
      tpu.enqueue_dma source(%dma_start3A_53 : memref<40x128xi32, #tpu.memory_space<hbm>>) target(%arg9 : memref<40x128xi32, #tpu.memory_space<vmem>>) target_semaphore(%run_scoped3A : memref<!tpu.dma_semaphore, #tpu.memory_space<semaphore_mem>>)
      %dma_wait3A = arith.constant 0 : i32
      %dma_wait3A_54 = tpu.memref_slice %arg4[%add3A_28, %dma_wait3A] : memref<2560x128xi32, #tpu.memory_space<hbm>> -> memref<40x128xi32, #tpu.memory_space<hbm>>
      %dma_wait3A_55 = arith.constant 0 : i32
      %dma_wait3A_56 = tpu.memref_slice %arg4[%add3A_28, %dma_wait3A_55] : memref<2560x128xi32, #tpu.memory_space<hbm>> -> memref<40x128xi32, #tpu.memory_space<hbm>>
      tpu.wait_dma2 semaphore(%run_scoped3A : memref<!tpu.dma_semaphore, #tpu.memory_space<semaphore_mem>>) src(%dma_wait3A_56 : memref<40x128xi32, #tpu.memory_space<hbm>>) dst(%arg9 : memref<40x128xi32, #tpu.memory_space<vmem>>)
      tpu.yield
    }) : () -> ()
    %dma_start3A_29 = arith.constant 0 : i32
    %dma_start3A_30 = arith.constant 0 : i32
    %dma_start3A_31 = tpu.memref_slice %arg8[%dma_start3A_29, %dma_start3A_30] : memref<40x128xi32, #tpu.memory_space<vmem>> -> memref<1x128xi32, #tpu.memory_space<vmem>>
    %dma_start3A_32 = tpu.memref_squeeze %dma_start3A_31 : memref<1x128xi32, #tpu.memory_space<vmem>> -> memref<128xi32, #tpu.memory_space<vmem>>
    %dma_start3A_33 = arith.constant 0 : i32
    %dma_start3A_34 = arith.constant 0 : i32
    %dma_start3A_35 = tpu.memref_slice %arg2[%dma_start3A_33, %dma_start3A_34] : memref<10240x128xf32, #tpu.memory_space<hbm>> -> memref<10240x128xf32, #tpu.memory_space<hbm>>
    tpu.enqueue_indirect_dma source(%dma_start3A_35 : memref<10240x128xf32, #tpu.memory_space<hbm>>) target(%arg10 : memref<128x128xf32, #tpu.memory_space<vmem>>) offsets(%dma_start3A_32 : memref<128xi32, #tpu.memory_space<vmem>>) semaphore(%arg12 : memref<!tpu.dma_semaphore, #tpu.memory_space<semaphore_mem>>)
    %dma_start3A_36 = arith.constant 1 : i32
    %dma_start3A_37 = arith.constant 0 : i32
    %dma_start3A_38 = tpu.memref_slice %arg8[%dma_start3A_36, %dma_start3A_37] : memref<40x128xi32, #tpu.memory_space<vmem>> -> memref<1x128xi32, #tpu.memory_space<vmem>>
    %dma_start3A_39 = tpu.memref_squeeze %dma_start3A_38 : memref<1x128xi32, #tpu.memory_space<vmem>> -> memref<128xi32, #tpu.memory_space<vmem>>
    %dma_start3A_40 = arith.constant 0 : i32
    %dma_start3A_41 = arith.constant 0 : i32
    %dma_start3A_42 = tpu.memref_slice %arg2[%dma_start3A_40, %dma_start3A_41] : memref<10240x128xf32, #tpu.memory_space<hbm>> -> memref<10240x128xf32, #tpu.memory_space<hbm>>
    tpu.enqueue_indirect_dma source(%dma_start3A_42 : memref<10240x128xf32, #tpu.memory_space<hbm>>) target(%arg11 : memref<128x128xf32, #tpu.memory_space<vmem>>) offsets(%dma_start3A_39 : memref<128xi32, #tpu.memory_space<vmem>>) semaphore(%arg13 : memref<!tpu.dma_semaphore, #tpu.memory_space<semaphore_mem>>)
    %scan3A_43 = arith.constant 0 : i32
    %scan3A_44 = arith.constant 0 : i32
    %scan3A_45 = arith.constant 20 : i32
    %scan3A_46 = arith.addi %scan3A_44, %scan3A_45 : i32
    %scan3A_47 = arith.constant 1 : i32
    scf.for %scan3A_50 = %scan3A_44 to %scan3A_46 step %scan3A_47  : i32 {
      %mul3A_51 = arith.constant 2 : i32
      %mul3A_52 = arith.muli %mul3A_51, %scan3A_50 : i32
      %add3A_53 = arith.constant 0 : i32
      %add3A_54 = arith.addi %mul3A_52, %add3A_53 : i32
      %dma_wait3A = arith.constant 0 : i32
      %dma_wait3A_55 = tpu.memref_slice %arg8[%add3A_54, %dma_wait3A] : memref<40x128xi32, #tpu.memory_space<vmem>> -> memref<1x128xi32, #tpu.memory_space<vmem>>
      %dma_wait3A_56 = tpu.memref_squeeze %dma_wait3A_55 : memref<1x128xi32, #tpu.memory_space<vmem>> -> memref<128xi32, #tpu.memory_space<vmem>>
      %dma_wait3A_57 = arith.constant 0 : i32
      %dma_wait3A_58 = arith.constant 0 : i32
      %dma_wait3A_59 = tpu.memref_slice %arg2[%dma_wait3A_57, %dma_wait3A_58] : memref<10240x128xf32, #tpu.memory_space<hbm>> -> memref<10240x128xf32, #tpu.memory_space<hbm>>
      tpu.wait_indirect_dma semaphore(%arg12 : memref<!tpu.dma_semaphore, #tpu.memory_space<semaphore_mem>>) src(%dma_wait3A_59 : memref<10240x128xf32, #tpu.memory_space<hbm>>) dst(%arg10 : memref<128x128xf32, #tpu.memory_space<vmem>>)
      "tpu.region"() ({
        %run_scoped3A = tpu.sem_alloc : memref<!tpu.dma_semaphore, #tpu.memory_space<semaphore_mem>>
        %dma_start3A_81 = arith.constant 0 : i32
        %dma_start3A_82 = tpu.memref_slice %arg9[%add3A_54, %dma_start3A_81] : memref<40x128xi32, #tpu.memory_space<vmem>> -> memref<1x128xi32, #tpu.memory_space<vmem>>
        %dma_start3A_83 = tpu.memref_squeeze %dma_start3A_82 : memref<1x128xi32, #tpu.memory_space<vmem>> -> memref<128xi32, #tpu.memory_space<vmem>>
        %dma_start3A_84 = arith.constant 0 : i32
        %dma_start3A_85 = arith.constant 0 : i32
        %dma_start3A_86 = tpu.memref_slice %arg7[%dma_start3A_84, %dma_start3A_85] : memref<10240x128xf32, #tpu.memory_space<vmem_shared>> -> memref<10240x128xf32, #tpu.memory_space<vmem_shared>>
        tpu.enqueue_indirect_dma source(%arg10 : memref<128x128xf32, #tpu.memory_space<vmem>>) target(%dma_start3A_86 : memref<10240x128xf32, #tpu.memory_space<vmem_shared>>) offsets(%dma_start3A_83 : memref<128xi32, #tpu.memory_space<vmem>>) semaphore(%run_scoped3A : memref<!tpu.dma_semaphore, #tpu.memory_space<semaphore_mem>>) {add = true}
        %dma_wait3A_87 = arith.constant 0 : i32
        %dma_wait3A_88 = tpu.memref_slice %arg9[%add3A_54, %dma_wait3A_87] : memref<40x128xi32, #tpu.memory_space<vmem>> -> memref<1x128xi32, #tpu.memory_space<vmem>>
        %dma_wait3A_89 = tpu.memref_squeeze %dma_wait3A_88 : memref<1x128xi32, #tpu.memory_space<vmem>> -> memref<128xi32, #tpu.memory_space<vmem>>
        %dma_wait3A_90 = arith.constant 0 : i32
        %dma_wait3A_91 = arith.constant 0 : i32
        %dma_wait3A_92 = tpu.memref_slice %arg7[%dma_wait3A_90, %dma_wait3A_91] : memref<10240x128xf32, #tpu.memory_space<vmem_shared>> -> memref<10240x128xf32, #tpu.memory_space<vmem_shared>>
        tpu.wait_indirect_dma semaphore(%run_scoped3A : memref<!tpu.dma_semaphore, #tpu.memory_space<semaphore_mem>>) src(%arg10 : memref<128x128xf32, #tpu.memory_space<vmem>>) dst(%dma_wait3A_92 : memref<10240x128xf32, #tpu.memory_space<vmem_shared>>)
        tpu.yield
      }) : () -> ()
      %add3A_60 = arith.constant 2 : i32
      %add3A_61 = arith.addi %add3A_54, %add3A_60 : i32
      %lt3A = arith.constant 40 : i32
      %lt3A_62 = arith.cmpi slt, %add3A_61, %lt3A : i32
      %convert_element_type3A = arith.extui %lt3A_62 : i1 to i32
      %cond3A = arith.constant 0 : i32
      %cond3A_63 = arith.cmpi ne, %convert_element_type3A, %cond3A : i32
      scf.if %cond3A_63 {
        %add3A_81 = arith.constant 2 : i32
        %add3A_82 = arith.addi %add3A_54, %add3A_81 : i32
        %dma_start3A_83 = arith.constant 0 : i32
        %dma_start3A_84 = tpu.memref_slice %arg8[%add3A_82, %dma_start3A_83] : memref<40x128xi32, #tpu.memory_space<vmem>> -> memref<1x128xi32, #tpu.memory_space<vmem>>
        %dma_start3A_85 = tpu.memref_squeeze %dma_start3A_84 : memref<1x128xi32, #tpu.memory_space<vmem>> -> memref<128xi32, #tpu.memory_space<vmem>>
        %dma_start3A_86 = arith.constant 0 : i32
        %dma_start3A_87 = arith.constant 0 : i32
        %dma_start3A_88 = tpu.memref_slice %arg2[%dma_start3A_86, %dma_start3A_87] : memref<10240x128xf32, #tpu.memory_space<hbm>> -> memref<10240x128xf32, #tpu.memory_space<hbm>>
        tpu.enqueue_indirect_dma source(%dma_start3A_88 : memref<10240x128xf32, #tpu.memory_space<hbm>>) target(%arg10 : memref<128x128xf32, #tpu.memory_space<vmem>>) offsets(%dma_start3A_85 : memref<128xi32, #tpu.memory_space<vmem>>) semaphore(%arg12 : memref<!tpu.dma_semaphore, #tpu.memory_space<semaphore_mem>>)
      } else {
      }
      %mul3A_64 = arith.constant 2 : i32
      %mul3A_65 = arith.muli %mul3A_64, %scan3A_50 : i32
      %add3A_66 = arith.constant 1 : i32
      %add3A_67 = arith.addi %mul3A_65, %add3A_66 : i32
      %dma_wait3A_68 = arith.constant 0 : i32
      %dma_wait3A_69 = tpu.memref_slice %arg8[%add3A_67, %dma_wait3A_68] : memref<40x128xi32, #tpu.memory_space<vmem>> -> memref<1x128xi32, #tpu.memory_space<vmem>>
      %dma_wait3A_70 = tpu.memref_squeeze %dma_wait3A_69 : memref<1x128xi32, #tpu.memory_space<vmem>> -> memref<128xi32, #tpu.memory_space<vmem>>
      %dma_wait3A_71 = arith.constant 0 : i32
      %dma_wait3A_72 = arith.constant 0 : i32
      %dma_wait3A_73 = tpu.memref_slice %arg2[%dma_wait3A_71, %dma_wait3A_72] : memref<10240x128xf32, #tpu.memory_space<hbm>> -> memref<10240x128xf32, #tpu.memory_space<hbm>>
      tpu.wait_indirect_dma semaphore(%arg13 : memref<!tpu.dma_semaphore, #tpu.memory_space<semaphore_mem>>) src(%dma_wait3A_73 : memref<10240x128xf32, #tpu.memory_space<hbm>>) dst(%arg11 : memref<128x128xf32, #tpu.memory_space<vmem>>)
      "tpu.region"() ({
        %run_scoped3A = tpu.sem_alloc : memref<!tpu.dma_semaphore, #tpu.memory_space<semaphore_mem>>
        %dma_start3A_81 = arith.constant 0 : i32
        %dma_start3A_82 = tpu.memref_slice %arg9[%add3A_67, %dma_start3A_81] : memref<40x128xi32, #tpu.memory_space<vmem>> -> memref<1x128xi32, #tpu.memory_space<vmem>>
        %dma_start3A_83 = tpu.memref_squeeze %dma_start3A_82 : memref<1x128xi32, #tpu.memory_space<vmem>> -> memref<128xi32, #tpu.memory_space<vmem>>
        %dma_start3A_84 = arith.constant 0 : i32
        %dma_start3A_85 = arith.constant 0 : i32
        %dma_start3A_86 = tpu.memref_slice %arg7[%dma_start3A_84, %dma_start3A_85] : memref<10240x128xf32, #tpu.memory_space<vmem_shared>> -> memref<10240x128xf32, #tpu.memory_space<vmem_shared>>
        tpu.enqueue_indirect_dma source(%arg11 : memref<128x128xf32, #tpu.memory_space<vmem>>) target(%dma_start3A_86 : memref<10240x128xf32, #tpu.memory_space<vmem_shared>>) offsets(%dma_start3A_83 : memref<128xi32, #tpu.memory_space<vmem>>) semaphore(%run_scoped3A : memref<!tpu.dma_semaphore, #tpu.memory_space<semaphore_mem>>) {add = true}
        %dma_wait3A_87 = arith.constant 0 : i32
        %dma_wait3A_88 = tpu.memref_slice %arg9[%add3A_67, %dma_wait3A_87] : memref<40x128xi32, #tpu.memory_space<vmem>> -> memref<1x128xi32, #tpu.memory_space<vmem>>
        %dma_wait3A_89 = tpu.memref_squeeze %dma_wait3A_88 : memref<1x128xi32, #tpu.memory_space<vmem>> -> memref<128xi32, #tpu.memory_space<vmem>>
        %dma_wait3A_90 = arith.constant 0 : i32
        %dma_wait3A_91 = arith.constant 0 : i32
        %dma_wait3A_92 = tpu.memref_slice %arg7[%dma_wait3A_90, %dma_wait3A_91] : memref<10240x128xf32, #tpu.memory_space<vmem_shared>> -> memref<10240x128xf32, #tpu.memory_space<vmem_shared>>
        tpu.wait_indirect_dma semaphore(%run_scoped3A : memref<!tpu.dma_semaphore, #tpu.memory_space<semaphore_mem>>) src(%arg11 : memref<128x128xf32, #tpu.memory_space<vmem>>) dst(%dma_wait3A_92 : memref<10240x128xf32, #tpu.memory_space<vmem_shared>>)
        tpu.yield
      }) : () -> ()
      %add3A_74 = arith.constant 2 : i32
      %add3A_75 = arith.addi %add3A_67, %add3A_74 : i32
      %lt3A_76 = arith.constant 40 : i32
      %lt3A_77 = arith.cmpi slt, %add3A_75, %lt3A_76 : i32
      %convert_element_type3A_78 = arith.extui %lt3A_77 : i1 to i32
      %cond3A_79 = arith.constant 0 : i32
      %cond3A_80 = arith.cmpi ne, %convert_element_type3A_78, %cond3A_79 : i32
      scf.if %cond3A_80 {
        %add3A_81 = arith.constant 2 : i32
        %add3A_82 = arith.addi %add3A_67, %add3A_81 : i32
        %dma_start3A_83 = arith.constant 0 : i32
        %dma_start3A_84 = tpu.memref_slice %arg8[%add3A_82, %dma_start3A_83] : memref<40x128xi32, #tpu.memory_space<vmem>> -> memref<1x128xi32, #tpu.memory_space<vmem>>
        %dma_start3A_85 = tpu.memref_squeeze %dma_start3A_84 : memref<1x128xi32, #tpu.memory_space<vmem>> -> memref<128xi32, #tpu.memory_space<vmem>>
        %dma_start3A_86 = arith.constant 0 : i32
        %dma_start3A_87 = arith.constant 0 : i32
        %dma_start3A_88 = tpu.memref_slice %arg2[%dma_start3A_86, %dma_start3A_87] : memref<10240x128xf32, #tpu.memory_space<hbm>> -> memref<10240x128xf32, #tpu.memory_space<hbm>>
        tpu.enqueue_indirect_dma source(%dma_start3A_88 : memref<10240x128xf32, #tpu.memory_space<hbm>>) target(%arg11 : memref<128x128xf32, #tpu.memory_space<vmem>>) offsets(%dma_start3A_85 : memref<128xi32, #tpu.memory_space<vmem>>) semaphore(%arg13 : memref<!tpu.dma_semaphore, #tpu.memory_space<semaphore_mem>>)
      } else {
      }
    }
    %scan3A_48 = arith.constant 20 : i32
    %barrier3A_49 = arith.constant 0 : index
    tpu.barrier barrier_id(%barrier3A_49)
    "tpu.region"() ({
      %run_scoped3A = tpu.sem_alloc : memref<!tpu.dma_semaphore, #tpu.memory_space<semaphore_mem>>
      %dma_start3A_50 = arith.constant 0 : i32
      %dma_start3A_51 = tpu.memref_slice %arg6[%arg0, %mul3A_2, %dma_start3A_50] : memref<2x10240x128xf32, #tpu.memory_space<hbm>> -> memref<1x640x128xf32, #tpu.memory_space<hbm>>
      %dma_start3A_52 = tpu.memref_squeeze %dma_start3A_51 : memref<1x640x128xf32, #tpu.memory_space<hbm>> -> memref<640x128xf32, #tpu.memory_space<hbm>>
      %dma_start3A_53 = arith.constant 0 : i32
      %dma_start3A_54 = tpu.memref_slice %arg7[%mul3A_2, %dma_start3A_53] : memref<10240x128xf32, #tpu.memory_space<vmem_shared>> -> memref<640x128xf32, #tpu.memory_space<vmem_shared>>
      tpu.enqueue_dma source(%dma_start3A_54 : memref<640x128xf32, #tpu.memory_space<vmem_shared>>) target(%dma_start3A_52 : memref<640x128xf32, #tpu.memory_space<hbm>>) target_semaphore(%run_scoped3A : memref<!tpu.dma_semaphore, #tpu.memory_space<semaphore_mem>>)
      %dma_wait3A = arith.constant 0 : i32
      %dma_wait3A_55 = tpu.memref_slice %arg6[%arg0, %mul3A_2, %dma_wait3A] : memref<2x10240x128xf32, #tpu.memory_space<hbm>> -> memref<1x640x128xf32, #tpu.memory_space<hbm>>
      %dma_wait3A_56 = tpu.memref_squeeze %dma_wait3A_55 : memref<1x640x128xf32, #tpu.memory_space<hbm>> -> memref<640x128xf32, #tpu.memory_space<hbm>>
      %dma_wait3A_57 = arith.constant 0 : i32
      %dma_wait3A_58 = tpu.memref_slice %arg7[%mul3A_2, %dma_wait3A_57] : memref<10240x128xf32, #tpu.memory_space<vmem_shared>> -> memref<640x128xf32, #tpu.memory_space<vmem_shared>>
      tpu.wait_dma2 semaphore(%run_scoped3A : memref<!tpu.dma_semaphore, #tpu.memory_space<semaphore_mem>>) src(%dma_wait3A_58 : memref<640x128xf32, #tpu.memory_space<vmem_shared>>) dst(%dma_wait3A_56 : memref<640x128xf32, #tpu.memory_space<hbm>>)
      tpu.yield
    }) : () -> ()
    return
  }
}

#map = affine_map<(d0, d1) -> (0, 0)>
#map1 = affine_map<(d0, d1) -> (0, 0, 0)>
module attributes {stable_mosaic.version = 14 : i64} {
  func.func @k(%arg0: i32, %arg1: i32, %arg2: memref<10240x128xf32, #tpu.memory_space<hbm>>, %arg3: memref<2560x128xi32, #tpu.memory_space<hbm>>, %arg4: memref<2560x128xi32, #tpu.memory_space<hbm>>, %arg5: memref<640x128xf32, #tpu.memory_space<hbm>>, %arg6: memref<2x10240x128xf32, #tpu.memory_space<hbm>>, %arg7: memref<10240x128xf32, #tpu.memory_space<vmem_shared>>, %arg8: memref<40x128xi32, #tpu.memory_space<vmem>>, %arg9: memref<40x128xi32, #tpu.memory_space<vmem>>, %arg10: memref<128x128xf32, #tpu.memory_space<vmem>>, %arg11: memref<128x128xf32, #tpu.memory_space<vmem>>, %arg12: memref<!tpu.dma_semaphore, #tpu.memory_space<semaphore_mem>>, %arg13: memref<!tpu.dma_semaphore, #tpu.memory_space<semaphore_mem>>) attributes {dimension_semantics = [#tpu.dimension_semantics<core_parallel>, #tpu.dimension_semantics<subcore_parallel>], iteration_bounds = array<i64: 2, 16>, scalar_prefetch = 0 : i64, scratch_operands = 7 : i64, tpu.core_type = #tpu.core_type<sc_vector_subcore>, window_params = [{transform_indices = #map}, {transform_indices = #map}, {transform_indices = #map}, {transform_indices = #map}, {transform_indices = #map1}]} {
    %mul3A = arith.constant 2 : i32
    %mul3A_0 = arith.muli %arg1, %mul3A : i32
    %add3A = arith.addi %mul3A_0, %arg0 : i32
    %mul3A_1 = arith.constant 640 : i32
    %mul3A_2 = arith.muli %arg1, %mul3A_1 : i32
    %mul3A_3 = arith.constant 80 : i32
    %mul3A_4 = arith.muli %add3A, %mul3A_3 : i32
    %add3A_5 = arith.constant 0 : i32
    %add3A_6 = arith.addi %mul3A_4, %add3A_5 : i32
    "tpu.region"() ({
      %run_scoped3A = tpu.sem_alloc : memref<!tpu.dma_semaphore, #tpu.memory_space<semaphore_mem>>
      %dma_start3A_50 = arith.constant 0 : i32
      %dma_start3A_51 = tpu.memref_slice %arg3[%add3A_6, %dma_start3A_50] : memref<2560x128xi32, #tpu.memory_space<hbm>> -> memref<40x128xi32, #tpu.memory_space<hbm>>
      %dma_start3A_52 = arith.constant 0 : i32
      %dma_start3A_53 = tpu.memref_slice %arg3[%add3A_6, %dma_start3A_52] : memref<2560x128xi32, #tpu.memory_space<hbm>> -> memref<40x128xi32, #tpu.memory_space<hbm>>
      tpu.enqueue_dma source(%dma_start3A_53 : memref<40x128xi32, #tpu.memory_space<hbm>>) target(%arg8 : memref<40x128xi32, #tpu.memory_space<vmem>>) target_semaphore(%run_scoped3A : memref<!tpu.dma_semaphore, #tpu.memory_space<semaphore_mem>>)
      %dma_wait3A = arith.constant 0 : i32
      %dma_wait3A_54 = tpu.memref_slice %arg3[%add3A_6, %dma_wait3A] : memref<2560x128xi32, #tpu.memory_space<hbm>> -> memref<40x128xi32, #tpu.memory_space<hbm>>
      %dma_wait3A_55 = arith.constant 0 : i32
      %dma_wait3A_56 = tpu.memref_slice %arg3[%add3A_6, %dma_wait3A_55] : memref<2560x128xi32, #tpu.memory_space<hbm>> -> memref<40x128xi32, #tpu.memory_space<hbm>>
      tpu.wait_dma2 semaphore(%run_scoped3A : memref<!tpu.dma_semaphore, #tpu.memory_space<semaphore_mem>>) src(%dma_wait3A_56 : memref<40x128xi32, #tpu.memory_space<hbm>>) dst(%arg8 : memref<40x128xi32, #tpu.memory_space<vmem>>)
      tpu.yield
    }) : () -> ()
    "tpu.region"() ({
      %run_scoped3A = tpu.sem_alloc : memref<!tpu.dma_semaphore, #tpu.memory_space<semaphore_mem>>
      %dma_start3A_50 = arith.constant 0 : i32
      %dma_start3A_51 = tpu.memref_slice %arg4[%add3A_6, %dma_start3A_50] : memref<2560x128xi32, #tpu.memory_space<hbm>> -> memref<40x128xi32, #tpu.memory_space<hbm>>
      %dma_start3A_52 = arith.constant 0 : i32
      %dma_start3A_53 = tpu.memref_slice %arg4[%add3A_6, %dma_start3A_52] : memref<2560x128xi32, #tpu.memory_space<hbm>> -> memref<40x128xi32, #tpu.memory_space<hbm>>
      tpu.enqueue_dma source(%dma_start3A_53 : memref<40x128xi32, #tpu.memory_space<hbm>>) target(%arg9 : memref<40x128xi32, #tpu.memory_space<vmem>>) target_semaphore(%run_scoped3A : memref<!tpu.dma_semaphore, #tpu.memory_space<semaphore_mem>>)
      %dma_wait3A = arith.constant 0 : i32
      %dma_wait3A_54 = tpu.memref_slice %arg4[%add3A_6, %dma_wait3A] : memref<2560x128xi32, #tpu.memory_space<hbm>> -> memref<40x128xi32, #tpu.memory_space<hbm>>
      %dma_wait3A_55 = arith.constant 0 : i32
      %dma_wait3A_56 = tpu.memref_slice %arg4[%add3A_6, %dma_wait3A_55] : memref<2560x128xi32, #tpu.memory_space<hbm>> -> memref<40x128xi32, #tpu.memory_space<hbm>>
      tpu.wait_dma2 semaphore(%run_scoped3A : memref<!tpu.dma_semaphore, #tpu.memory_space<semaphore_mem>>) src(%dma_wait3A_56 : memref<40x128xi32, #tpu.memory_space<hbm>>) dst(%arg9 : memref<40x128xi32, #tpu.memory_space<vmem>>)
      tpu.yield
    }) : () -> ()
    %dma_start3A = arith.constant 0 : i32
    %dma_start3A_7 = arith.constant 0 : i32
    %dma_start3A_8 = tpu.memref_slice %arg8[%dma_start3A, %dma_start3A_7] : memref<40x128xi32, #tpu.memory_space<vmem>> -> memref<1x128xi32, #tpu.memory_space<vmem>>
    %dma_start3A_9 = tpu.memref_squeeze %dma_start3A_8 : memref<1x128xi32, #tpu.memory_space<vmem>> -> memref<128xi32, #tpu.memory_space<vmem>>
    %dma_start3A_10 = arith.constant 0 : i32
    %dma_start3A_11 = arith.constant 0 : i32
    %dma_start3A_12 = tpu.memref_slice %arg2[%dma_start3A_10, %dma_start3A_11] : memref<10240x128xf32, #tpu.memory_space<hbm>> -> memref<10240x128xf32, #tpu.memory_space<hbm>>
    tpu.enqueue_indirect_dma source(%dma_start3A_12 : memref<10240x128xf32, #tpu.memory_space<hbm>>) target(%arg10 : memref<128x128xf32, #tpu.memory_space<vmem>>) offsets(%dma_start3A_9 : memref<128xi32, #tpu.memory_space<vmem>>) semaphore(%arg12 : memref<!tpu.dma_semaphore, #tpu.memory_space<semaphore_mem>>)
    %dma_start3A_13 = arith.constant 1 : i32
    %dma_start3A_14 = arith.constant 0 : i32
    %dma_start3A_15 = tpu.memref_slice %arg8[%dma_start3A_13, %dma_start3A_14] : memref<40x128xi32, #tpu.memory_space<vmem>> -> memref<1x128xi32, #tpu.memory_space<vmem>>
    %dma_start3A_16 = tpu.memref_squeeze %dma_start3A_15 : memref<1x128xi32, #tpu.memory_space<vmem>> -> memref<128xi32, #tpu.memory_space<vmem>>
    %dma_start3A_17 = arith.constant 0 : i32
    %dma_start3A_18 = arith.constant 0 : i32
    %dma_start3A_19 = tpu.memref_slice %arg2[%dma_start3A_17, %dma_start3A_18] : memref<10240x128xf32, #tpu.memory_space<hbm>> -> memref<10240x128xf32, #tpu.memory_space<hbm>>
    tpu.enqueue_indirect_dma source(%dma_start3A_19 : memref<10240x128xf32, #tpu.memory_space<hbm>>) target(%arg11 : memref<128x128xf32, #tpu.memory_space<vmem>>) offsets(%dma_start3A_16 : memref<128xi32, #tpu.memory_space<vmem>>) semaphore(%arg13 : memref<!tpu.dma_semaphore, #tpu.memory_space<semaphore_mem>>)
    "tpu.region"() ({
      %run_scoped3A = tpu.sem_alloc : memref<!tpu.dma_semaphore, #tpu.memory_space<semaphore_mem>>
      %dma_start3A_50 = arith.constant 0 : i32
      %dma_start3A_51 = tpu.memref_slice %arg7[%mul3A_2, %dma_start3A_50] : memref<10240x128xf32, #tpu.memory_space<vmem_shared>> -> memref<640x128xf32, #tpu.memory_space<vmem_shared>>
      tpu.enqueue_dma source(%arg5 : memref<640x128xf32, #tpu.memory_space<hbm>>) target(%dma_start3A_51 : memref<640x128xf32, #tpu.memory_space<vmem_shared>>) target_semaphore(%run_scoped3A : memref<!tpu.dma_semaphore, #tpu.memory_space<semaphore_mem>>)
      %dma_wait3A = arith.constant 0 : i32
      %dma_wait3A_52 = tpu.memref_slice %arg7[%mul3A_2, %dma_wait3A] : memref<10240x128xf32, #tpu.memory_space<vmem_shared>> -> memref<640x128xf32, #tpu.memory_space<vmem_shared>>
      tpu.wait_dma2 semaphore(%run_scoped3A : memref<!tpu.dma_semaphore, #tpu.memory_space<semaphore_mem>>) src(%arg5 : memref<640x128xf32, #tpu.memory_space<hbm>>) dst(%dma_wait3A_52 : memref<640x128xf32, #tpu.memory_space<vmem_shared>>)
      tpu.yield
    }) : () -> ()
    %barrier3A = arith.constant 0 : index
    tpu.barrier barrier_id(%barrier3A)
    %scan3A = arith.constant 0 : i32
    %scan3A_20 = arith.constant 0 : i32
    %scan3A_21 = arith.constant 20 : i32
    %scan3A_22 = arith.addi %scan3A_20, %scan3A_21 : i32
    %scan3A_23 = arith.constant 1 : i32
    scf.for %scan3A_50 = %scan3A_20 to %scan3A_22 step %scan3A_23  : i32 {
      %mul3A_51 = arith.constant 2 : i32
      %mul3A_52 = arith.muli %mul3A_51, %scan3A_50 : i32
      %add3A_53 = arith.constant 0 : i32
      %add3A_54 = arith.addi %mul3A_52, %add3A_53 : i32
      %dma_wait3A = arith.constant 0 : i32
      %dma_wait3A_55 = tpu.memref_slice %arg8[%add3A_54, %dma_wait3A] : memref<40x128xi32, #tpu.memory_space<vmem>> -> memref<1x128xi32, #tpu.memory_space<vmem>>
      %dma_wait3A_56 = tpu.memref_squeeze %dma_wait3A_55 : memref<1x128xi32, #tpu.memory_space<vmem>> -> memref<128xi32, #tpu.memory_space<vmem>>
      %dma_wait3A_57 = arith.constant 0 : i32
      %dma_wait3A_58 = arith.constant 0 : i32
      %dma_wait3A_59 = tpu.memref_slice %arg2[%dma_wait3A_57, %dma_wait3A_58] : memref<10240x128xf32, #tpu.memory_space<hbm>> -> memref<10240x128xf32, #tpu.memory_space<hbm>>
      tpu.wait_indirect_dma semaphore(%arg12 : memref<!tpu.dma_semaphore, #tpu.memory_space<semaphore_mem>>) src(%dma_wait3A_59 : memref<10240x128xf32, #tpu.memory_space<hbm>>) dst(%arg10 : memref<128x128xf32, #tpu.memory_space<vmem>>)
      "tpu.region"() ({
        %run_scoped3A = tpu.sem_alloc : memref<!tpu.dma_semaphore, #tpu.memory_space<semaphore_mem>>
        %dma_start3A_81 = arith.constant 0 : i32
        %dma_start3A_82 = tpu.memref_slice %arg9[%add3A_54, %dma_start3A_81] : memref<40x128xi32, #tpu.memory_space<vmem>> -> memref<1x128xi32, #tpu.memory_space<vmem>>
        %dma_start3A_83 = tpu.memref_squeeze %dma_start3A_82 : memref<1x128xi32, #tpu.memory_space<vmem>> -> memref<128xi32, #tpu.memory_space<vmem>>
        %dma_start3A_84 = arith.constant 0 : i32
        %dma_start3A_85 = arith.constant 0 : i32
        %dma_start3A_86 = tpu.memref_slice %arg7[%dma_start3A_84, %dma_start3A_85] : memref<10240x128xf32, #tpu.memory_space<vmem_shared>> -> memref<10240x128xf32, #tpu.memory_space<vmem_shared>>
        tpu.enqueue_indirect_dma source(%arg10 : memref<128x128xf32, #tpu.memory_space<vmem>>) target(%dma_start3A_86 : memref<10240x128xf32, #tpu.memory_space<vmem_shared>>) offsets(%dma_start3A_83 : memref<128xi32, #tpu.memory_space<vmem>>) semaphore(%run_scoped3A : memref<!tpu.dma_semaphore, #tpu.memory_space<semaphore_mem>>) {add = true}
        %dma_wait3A_87 = arith.constant 0 : i32
        %dma_wait3A_88 = tpu.memref_slice %arg9[%add3A_54, %dma_wait3A_87] : memref<40x128xi32, #tpu.memory_space<vmem>> -> memref<1x128xi32, #tpu.memory_space<vmem>>
        %dma_wait3A_89 = tpu.memref_squeeze %dma_wait3A_88 : memref<1x128xi32, #tpu.memory_space<vmem>> -> memref<128xi32, #tpu.memory_space<vmem>>
        %dma_wait3A_90 = arith.constant 0 : i32
        %dma_wait3A_91 = arith.constant 0 : i32
        %dma_wait3A_92 = tpu.memref_slice %arg7[%dma_wait3A_90, %dma_wait3A_91] : memref<10240x128xf32, #tpu.memory_space<vmem_shared>> -> memref<10240x128xf32, #tpu.memory_space<vmem_shared>>
        tpu.wait_indirect_dma semaphore(%run_scoped3A : memref<!tpu.dma_semaphore, #tpu.memory_space<semaphore_mem>>) src(%arg10 : memref<128x128xf32, #tpu.memory_space<vmem>>) dst(%dma_wait3A_92 : memref<10240x128xf32, #tpu.memory_space<vmem_shared>>)
        tpu.yield
      }) : () -> ()
      %add3A_60 = arith.constant 2 : i32
      %add3A_61 = arith.addi %add3A_54, %add3A_60 : i32
      %lt3A = arith.constant 40 : i32
      %lt3A_62 = arith.cmpi slt, %add3A_61, %lt3A : i32
      %convert_element_type3A = arith.extui %lt3A_62 : i1 to i32
      %cond3A = arith.constant 0 : i32
      %cond3A_63 = arith.cmpi ne, %convert_element_type3A, %cond3A : i32
      scf.if %cond3A_63 {
        %add3A_81 = arith.constant 2 : i32
        %add3A_82 = arith.addi %add3A_54, %add3A_81 : i32
        %dma_start3A_83 = arith.constant 0 : i32
        %dma_start3A_84 = tpu.memref_slice %arg8[%add3A_82, %dma_start3A_83] : memref<40x128xi32, #tpu.memory_space<vmem>> -> memref<1x128xi32, #tpu.memory_space<vmem>>
        %dma_start3A_85 = tpu.memref_squeeze %dma_start3A_84 : memref<1x128xi32, #tpu.memory_space<vmem>> -> memref<128xi32, #tpu.memory_space<vmem>>
        %dma_start3A_86 = arith.constant 0 : i32
        %dma_start3A_87 = arith.constant 0 : i32
        %dma_start3A_88 = tpu.memref_slice %arg2[%dma_start3A_86, %dma_start3A_87] : memref<10240x128xf32, #tpu.memory_space<hbm>> -> memref<10240x128xf32, #tpu.memory_space<hbm>>
        tpu.enqueue_indirect_dma source(%dma_start3A_88 : memref<10240x128xf32, #tpu.memory_space<hbm>>) target(%arg10 : memref<128x128xf32, #tpu.memory_space<vmem>>) offsets(%dma_start3A_85 : memref<128xi32, #tpu.memory_space<vmem>>) semaphore(%arg12 : memref<!tpu.dma_semaphore, #tpu.memory_space<semaphore_mem>>)
      } else {
      }
      %mul3A_64 = arith.constant 2 : i32
      %mul3A_65 = arith.muli %mul3A_64, %scan3A_50 : i32
      %add3A_66 = arith.constant 1 : i32
      %add3A_67 = arith.addi %mul3A_65, %add3A_66 : i32
      %dma_wait3A_68 = arith.constant 0 : i32
      %dma_wait3A_69 = tpu.memref_slice %arg8[%add3A_67, %dma_wait3A_68] : memref<40x128xi32, #tpu.memory_space<vmem>> -> memref<1x128xi32, #tpu.memory_space<vmem>>
      %dma_wait3A_70 = tpu.memref_squeeze %dma_wait3A_69 : memref<1x128xi32, #tpu.memory_space<vmem>> -> memref<128xi32, #tpu.memory_space<vmem>>
      %dma_wait3A_71 = arith.constant 0 : i32
      %dma_wait3A_72 = arith.constant 0 : i32
      %dma_wait3A_73 = tpu.memref_slice %arg2[%dma_wait3A_71, %dma_wait3A_72] : memref<10240x128xf32, #tpu.memory_space<hbm>> -> memref<10240x128xf32, #tpu.memory_space<hbm>>
      tpu.wait_indirect_dma semaphore(%arg13 : memref<!tpu.dma_semaphore, #tpu.memory_space<semaphore_mem>>) src(%dma_wait3A_73 : memref<10240x128xf32, #tpu.memory_space<hbm>>) dst(%arg11 : memref<128x128xf32, #tpu.memory_space<vmem>>)
      "tpu.region"() ({
        %run_scoped3A = tpu.sem_alloc : memref<!tpu.dma_semaphore, #tpu.memory_space<semaphore_mem>>
        %dma_start3A_81 = arith.constant 0 : i32
        %dma_start3A_82 = tpu.memref_slice %arg9[%add3A_67, %dma_start3A_81] : memref<40x128xi32, #tpu.memory_space<vmem>> -> memref<1x128xi32, #tpu.memory_space<vmem>>
        %dma_start3A_83 = tpu.memref_squeeze %dma_start3A_82 : memref<1x128xi32, #tpu.memory_space<vmem>> -> memref<128xi32, #tpu.memory_space<vmem>>
        %dma_start3A_84 = arith.constant 0 : i32
        %dma_start3A_85 = arith.constant 0 : i32
        %dma_start3A_86 = tpu.memref_slice %arg7[%dma_start3A_84, %dma_start3A_85] : memref<10240x128xf32, #tpu.memory_space<vmem_shared>> -> memref<10240x128xf32, #tpu.memory_space<vmem_shared>>
        tpu.enqueue_indirect_dma source(%arg11 : memref<128x128xf32, #tpu.memory_space<vmem>>) target(%dma_start3A_86 : memref<10240x128xf32, #tpu.memory_space<vmem_shared>>) offsets(%dma_start3A_83 : memref<128xi32, #tpu.memory_space<vmem>>) semaphore(%run_scoped3A : memref<!tpu.dma_semaphore, #tpu.memory_space<semaphore_mem>>) {add = true}
        %dma_wait3A_87 = arith.constant 0 : i32
        %dma_wait3A_88 = tpu.memref_slice %arg9[%add3A_67, %dma_wait3A_87] : memref<40x128xi32, #tpu.memory_space<vmem>> -> memref<1x128xi32, #tpu.memory_space<vmem>>
        %dma_wait3A_89 = tpu.memref_squeeze %dma_wait3A_88 : memref<1x128xi32, #tpu.memory_space<vmem>> -> memref<128xi32, #tpu.memory_space<vmem>>
        %dma_wait3A_90 = arith.constant 0 : i32
        %dma_wait3A_91 = arith.constant 0 : i32
        %dma_wait3A_92 = tpu.memref_slice %arg7[%dma_wait3A_90, %dma_wait3A_91] : memref<10240x128xf32, #tpu.memory_space<vmem_shared>> -> memref<10240x128xf32, #tpu.memory_space<vmem_shared>>
        tpu.wait_indirect_dma semaphore(%run_scoped3A : memref<!tpu.dma_semaphore, #tpu.memory_space<semaphore_mem>>) src(%arg11 : memref<128x128xf32, #tpu.memory_space<vmem>>) dst(%dma_wait3A_92 : memref<10240x128xf32, #tpu.memory_space<vmem_shared>>)
        tpu.yield
      }) : () -> ()
      %add3A_74 = arith.constant 2 : i32
      %add3A_75 = arith.addi %add3A_67, %add3A_74 : i32
      %lt3A_76 = arith.constant 40 : i32
      %lt3A_77 = arith.cmpi slt, %add3A_75, %lt3A_76 : i32
      %convert_element_type3A_78 = arith.extui %lt3A_77 : i1 to i32
      %cond3A_79 = arith.constant 0 : i32
      %cond3A_80 = arith.cmpi ne, %convert_element_type3A_78, %cond3A_79 : i32
      scf.if %cond3A_80 {
        %add3A_81 = arith.constant 2 : i32
        %add3A_82 = arith.addi %add3A_67, %add3A_81 : i32
        %dma_start3A_83 = arith.constant 0 : i32
        %dma_start3A_84 = tpu.memref_slice %arg8[%add3A_82, %dma_start3A_83] : memref<40x128xi32, #tpu.memory_space<vmem>> -> memref<1x128xi32, #tpu.memory_space<vmem>>
        %dma_start3A_85 = tpu.memref_squeeze %dma_start3A_84 : memref<1x128xi32, #tpu.memory_space<vmem>> -> memref<128xi32, #tpu.memory_space<vmem>>
        %dma_start3A_86 = arith.constant 0 : i32
        %dma_start3A_87 = arith.constant 0 : i32
        %dma_start3A_88 = tpu.memref_slice %arg2[%dma_start3A_86, %dma_start3A_87] : memref<10240x128xf32, #tpu.memory_space<hbm>> -> memref<10240x128xf32, #tpu.memory_space<hbm>>
        tpu.enqueue_indirect_dma source(%dma_start3A_88 : memref<10240x128xf32, #tpu.memory_space<hbm>>) target(%arg11 : memref<128x128xf32, #tpu.memory_space<vmem>>) offsets(%dma_start3A_85 : memref<128xi32, #tpu.memory_space<vmem>>) semaphore(%arg13 : memref<!tpu.dma_semaphore, #tpu.memory_space<semaphore_mem>>)
      } else {
      }
    }
    %scan3A_24 = arith.constant 20 : i32
    %mul3A_25 = arith.constant 80 : i32
    %mul3A_26 = arith.muli %add3A, %mul3A_25 : i32
    %add3A_27 = arith.constant 40 : i32
    %add3A_28 = arith.addi %mul3A_26, %add3A_27 : i32
    "tpu.region"() ({
      %run_scoped3A = tpu.sem_alloc : memref<!tpu.dma_semaphore, #tpu.memory_space<semaphore_mem>>
      %dma_start3A_50 = arith.constant 0 : i32
      %dma_start3A_51 = tpu.memref_slice %arg3[%add3A_28, %dma_start3A_50] : memref<2560x128xi32, #tpu.memory_space<hbm>> -> memref<40x128xi32, #tpu.memory_space<hbm>>
      %dma_start3A_52 = arith.constant 0 : i32
      %dma_start3A_53 = tpu.memref_slice %arg3[%add3A_28, %dma_start3A_52] : memref<2560x128xi32, #tpu.memory_space<hbm>> -> memref<40x128xi32, #tpu.memory_space<hbm>>
      tpu.enqueue_dma source(%dma_start3A_53 : memref<40x128xi32, #tpu.memory_space<hbm>>) target(%arg8 : memref<40x128xi32, #tpu.memory_space<vmem>>) target_semaphore(%run_scoped3A : memref<!tpu.dma_semaphore, #tpu.memory_space<semaphore_mem>>)
      %dma_wait3A = arith.constant 0 : i32
      %dma_wait3A_54 = tpu.memref_slice %arg3[%add3A_28, %dma_wait3A] : memref<2560x128xi32, #tpu.memory_space<hbm>> -> memref<40x128xi32, #tpu.memory_space<hbm>>
      %dma_wait3A_55 = arith.constant 0 : i32
      %dma_wait3A_56 = tpu.memref_slice %arg3[%add3A_28, %dma_wait3A_55] : memref<2560x128xi32, #tpu.memory_space<hbm>> -> memref<40x128xi32, #tpu.memory_space<hbm>>
      tpu.wait_dma2 semaphore(%run_scoped3A : memref<!tpu.dma_semaphore, #tpu.memory_space<semaphore_mem>>) src(%dma_wait3A_56 : memref<40x128xi32, #tpu.memory_space<hbm>>) dst(%arg8 : memref<40x128xi32, #tpu.memory_space<vmem>>)
      tpu.yield
    }) : () -> ()
    "tpu.region"() ({
      %run_scoped3A = tpu.sem_alloc : memref<!tpu.dma_semaphore, #tpu.memory_space<semaphore_mem>>
      %dma_start3A_50 = arith.constant 0 : i32
      %dma_start3A_51 = tpu.memref_slice %arg4[%add3A_28, %dma_start3A_50] : memref<2560x128xi32, #tpu.memory_space<hbm>> -> memref<40x128xi32, #tpu.memory_space<hbm>>
      %dma_start3A_52 = arith.constant 0 : i32
      %dma_start3A_53 = tpu.memref_slice %arg4[%add3A_28, %dma_start3A_52] : memref<2560x128xi32, #tpu.memory_space<hbm>> -> memref<40x128xi32, #tpu.memory_space<hbm>>
      tpu.enqueue_dma source(%dma_start3A_53 : memref<40x128xi32, #tpu.memory_space<hbm>>) target(%arg9 : memref<40x128xi32, #tpu.memory_space<vmem>>) target_semaphore(%run_scoped3A : memref<!tpu.dma_semaphore, #tpu.memory_space<semaphore_mem>>)
      %dma_wait3A = arith.constant 0 : i32
      %dma_wait3A_54 = tpu.memref_slice %arg4[%add3A_28, %dma_wait3A] : memref<2560x128xi32, #tpu.memory_space<hbm>> -> memref<40x128xi32, #tpu.memory_space<hbm>>
      %dma_wait3A_55 = arith.constant 0 : i32
      %dma_wait3A_56 = tpu.memref_slice %arg4[%add3A_28, %dma_wait3A_55] : memref<2560x128xi32, #tpu.memory_space<hbm>> -> memref<40x128xi32, #tpu.memory_space<hbm>>
      tpu.wait_dma2 semaphore(%run_scoped3A : memref<!tpu.dma_semaphore, #tpu.memory_space<semaphore_mem>>) src(%dma_wait3A_56 : memref<40x128xi32, #tpu.memory_space<hbm>>) dst(%arg9 : memref<40x128xi32, #tpu.memory_space<vmem>>)
      tpu.yield
    }) : () -> ()
    %dma_start3A_29 = arith.constant 0 : i32
    %dma_start3A_30 = arith.constant 0 : i32
    %dma_start3A_31 = tpu.memref_slice %arg8[%dma_start3A_29, %dma_start3A_30] : memref<40x128xi32, #tpu.memory_space<vmem>> -> memref<1x128xi32, #tpu.memory_space<vmem>>
    %dma_start3A_32 = tpu.memref_squeeze %dma_start3A_31 : memref<1x128xi32, #tpu.memory_space<vmem>> -> memref<128xi32, #tpu.memory_space<vmem>>
    %dma_start3A_33 = arith.constant 0 : i32
    %dma_start3A_34 = arith.constant 0 : i32
    %dma_start3A_35 = tpu.memref_slice %arg2[%dma_start3A_33, %dma_start3A_34] : memref<10240x128xf32, #tpu.memory_space<hbm>> -> memref<10240x128xf32, #tpu.memory_space<hbm>>
    tpu.enqueue_indirect_dma source(%dma_start3A_35 : memref<10240x128xf32, #tpu.memory_space<hbm>>) target(%arg10 : memref<128x128xf32, #tpu.memory_space<vmem>>) offsets(%dma_start3A_32 : memref<128xi32, #tpu.memory_space<vmem>>) semaphore(%arg12 : memref<!tpu.dma_semaphore, #tpu.memory_space<semaphore_mem>>)
    %dma_start3A_36 = arith.constant 1 : i32
    %dma_start3A_37 = arith.constant 0 : i32
    %dma_start3A_38 = tpu.memref_slice %arg8[%dma_start3A_36, %dma_start3A_37] : memref<40x128xi32, #tpu.memory_space<vmem>> -> memref<1x128xi32, #tpu.memory_space<vmem>>
    %dma_start3A_39 = tpu.memref_squeeze %dma_start3A_38 : memref<1x128xi32, #tpu.memory_space<vmem>> -> memref<128xi32, #tpu.memory_space<vmem>>
    %dma_start3A_40 = arith.constant 0 : i32
    %dma_start3A_41 = arith.constant 0 : i32
    %dma_start3A_42 = tpu.memref_slice %arg2[%dma_start3A_40, %dma_start3A_41] : memref<10240x128xf32, #tpu.memory_space<hbm>> -> memref<10240x128xf32, #tpu.memory_space<hbm>>
    tpu.enqueue_indirect_dma source(%dma_start3A_42 : memref<10240x128xf32, #tpu.memory_space<hbm>>) target(%arg11 : memref<128x128xf32, #tpu.memory_space<vmem>>) offsets(%dma_start3A_39 : memref<128xi32, #tpu.memory_space<vmem>>) semaphore(%arg13 : memref<!tpu.dma_semaphore, #tpu.memory_space<semaphore_mem>>)
    %scan3A_43 = arith.constant 0 : i32
    %scan3A_44 = arith.constant 0 : i32
    %scan3A_45 = arith.constant 20 : i32
    %scan3A_46 = arith.addi %scan3A_44, %scan3A_45 : i32
    %scan3A_47 = arith.constant 1 : i32
    scf.for %scan3A_50 = %scan3A_44 to %scan3A_46 step %scan3A_47  : i32 {
      %mul3A_51 = arith.constant 2 : i32
      %mul3A_52 = arith.muli %mul3A_51, %scan3A_50 : i32
      %add3A_53 = arith.constant 0 : i32
      %add3A_54 = arith.addi %mul3A_52, %add3A_53 : i32
      %dma_wait3A = arith.constant 0 : i32
      %dma_wait3A_55 = tpu.memref_slice %arg8[%add3A_54, %dma_wait3A] : memref<40x128xi32, #tpu.memory_space<vmem>> -> memref<1x128xi32, #tpu.memory_space<vmem>>
      %dma_wait3A_56 = tpu.memref_squeeze %dma_wait3A_55 : memref<1x128xi32, #tpu.memory_space<vmem>> -> memref<128xi32, #tpu.memory_space<vmem>>
      %dma_wait3A_57 = arith.constant 0 : i32
      %dma_wait3A_58 = arith.constant 0 : i32
      %dma_wait3A_59 = tpu.memref_slice %arg2[%dma_wait3A_57, %dma_wait3A_58] : memref<10240x128xf32, #tpu.memory_space<hbm>> -> memref<10240x128xf32, #tpu.memory_space<hbm>>
      tpu.wait_indirect_dma semaphore(%arg12 : memref<!tpu.dma_semaphore, #tpu.memory_space<semaphore_mem>>) src(%dma_wait3A_59 : memref<10240x128xf32, #tpu.memory_space<hbm>>) dst(%arg10 : memref<128x128xf32, #tpu.memory_space<vmem>>)
      "tpu.region"() ({
        %run_scoped3A = tpu.sem_alloc : memref<!tpu.dma_semaphore, #tpu.memory_space<semaphore_mem>>
        %dma_start3A_81 = arith.constant 0 : i32
        %dma_start3A_82 = tpu.memref_slice %arg9[%add3A_54, %dma_start3A_81] : memref<40x128xi32, #tpu.memory_space<vmem>> -> memref<1x128xi32, #tpu.memory_space<vmem>>
        %dma_start3A_83 = tpu.memref_squeeze %dma_start3A_82 : memref<1x128xi32, #tpu.memory_space<vmem>> -> memref<128xi32, #tpu.memory_space<vmem>>
        %dma_start3A_84 = arith.constant 0 : i32
        %dma_start3A_85 = arith.constant 0 : i32
        %dma_start3A_86 = tpu.memref_slice %arg7[%dma_start3A_84, %dma_start3A_85] : memref<10240x128xf32, #tpu.memory_space<vmem_shared>> -> memref<10240x128xf32, #tpu.memory_space<vmem_shared>>
        tpu.enqueue_indirect_dma source(%arg10 : memref<128x128xf32, #tpu.memory_space<vmem>>) target(%dma_start3A_86 : memref<10240x128xf32, #tpu.memory_space<vmem_shared>>) offsets(%dma_start3A_83 : memref<128xi32, #tpu.memory_space<vmem>>) semaphore(%run_scoped3A : memref<!tpu.dma_semaphore, #tpu.memory_space<semaphore_mem>>) {add = true}
        %dma_wait3A_87 = arith.constant 0 : i32
        %dma_wait3A_88 = tpu.memref_slice %arg9[%add3A_54, %dma_wait3A_87] : memref<40x128xi32, #tpu.memory_space<vmem>> -> memref<1x128xi32, #tpu.memory_space<vmem>>
        %dma_wait3A_89 = tpu.memref_squeeze %dma_wait3A_88 : memref<1x128xi32, #tpu.memory_space<vmem>> -> memref<128xi32, #tpu.memory_space<vmem>>
        %dma_wait3A_90 = arith.constant 0 : i32
        %dma_wait3A_91 = arith.constant 0 : i32
        %dma_wait3A_92 = tpu.memref_slice %arg7[%dma_wait3A_90, %dma_wait3A_91] : memref<10240x128xf32, #tpu.memory_space<vmem_shared>> -> memref<10240x128xf32, #tpu.memory_space<vmem_shared>>
        tpu.wait_indirect_dma semaphore(%run_scoped3A : memref<!tpu.dma_semaphore, #tpu.memory_space<semaphore_mem>>) src(%arg10 : memref<128x128xf32, #tpu.memory_space<vmem>>) dst(%dma_wait3A_92 : memref<10240x128xf32, #tpu.memory_space<vmem_shared>>)
        tpu.yield
      }) : () -> ()
      %add3A_60 = arith.constant 2 : i32
      %add3A_61 = arith.addi %add3A_54, %add3A_60 : i32
      %lt3A = arith.constant 40 : i32
      %lt3A_62 = arith.cmpi slt, %add3A_61, %lt3A : i32
      %convert_element_type3A = arith.extui %lt3A_62 : i1 to i32
      %cond3A = arith.constant 0 : i32
      %cond3A_63 = arith.cmpi ne, %convert_element_type3A, %cond3A : i32
      scf.if %cond3A_63 {
        %add3A_81 = arith.constant 2 : i32
        %add3A_82 = arith.addi %add3A_54, %add3A_81 : i32
        %dma_start3A_83 = arith.constant 0 : i32
        %dma_start3A_84 = tpu.memref_slice %arg8[%add3A_82, %dma_start3A_83] : memref<40x128xi32, #tpu.memory_space<vmem>> -> memref<1x128xi32, #tpu.memory_space<vmem>>
        %dma_start3A_85 = tpu.memref_squeeze %dma_start3A_84 : memref<1x128xi32, #tpu.memory_space<vmem>> -> memref<128xi32, #tpu.memory_space<vmem>>
        %dma_start3A_86 = arith.constant 0 : i32
        %dma_start3A_87 = arith.constant 0 : i32
        %dma_start3A_88 = tpu.memref_slice %arg2[%dma_start3A_86, %dma_start3A_87] : memref<10240x128xf32, #tpu.memory_space<hbm>> -> memref<10240x128xf32, #tpu.memory_space<hbm>>
        tpu.enqueue_indirect_dma source(%dma_start3A_88 : memref<10240x128xf32, #tpu.memory_space<hbm>>) target(%arg10 : memref<128x128xf32, #tpu.memory_space<vmem>>) offsets(%dma_start3A_85 : memref<128xi32, #tpu.memory_space<vmem>>) semaphore(%arg12 : memref<!tpu.dma_semaphore, #tpu.memory_space<semaphore_mem>>)
      } else {
      }
      %mul3A_64 = arith.constant 2 : i32
      %mul3A_65 = arith.muli %mul3A_64, %scan3A_50 : i32
      %add3A_66 = arith.constant 1 : i32
      %add3A_67 = arith.addi %mul3A_65, %add3A_66 : i32
      %dma_wait3A_68 = arith.constant 0 : i32
      %dma_wait3A_69 = tpu.memref_slice %arg8[%add3A_67, %dma_wait3A_68] : memref<40x128xi32, #tpu.memory_space<vmem>> -> memref<1x128xi32, #tpu.memory_space<vmem>>
      %dma_wait3A_70 = tpu.memref_squeeze %dma_wait3A_69 : memref<1x128xi32, #tpu.memory_space<vmem>> -> memref<128xi32, #tpu.memory_space<vmem>>
      %dma_wait3A_71 = arith.constant 0 : i32
      %dma_wait3A_72 = arith.constant 0 : i32
      %dma_wait3A_73 = tpu.memref_slice %arg2[%dma_wait3A_71, %dma_wait3A_72] : memref<10240x128xf32, #tpu.memory_space<hbm>> -> memref<10240x128xf32, #tpu.memory_space<hbm>>
      tpu.wait_indirect_dma semaphore(%arg13 : memref<!tpu.dma_semaphore, #tpu.memory_space<semaphore_mem>>) src(%dma_wait3A_73 : memref<10240x128xf32, #tpu.memory_space<hbm>>) dst(%arg11 : memref<128x128xf32, #tpu.memory_space<vmem>>)
      "tpu.region"() ({
        %run_scoped3A = tpu.sem_alloc : memref<!tpu.dma_semaphore, #tpu.memory_space<semaphore_mem>>
        %dma_start3A_81 = arith.constant 0 : i32
        %dma_start3A_82 = tpu.memref_slice %arg9[%add3A_67, %dma_start3A_81] : memref<40x128xi32, #tpu.memory_space<vmem>> -> memref<1x128xi32, #tpu.memory_space<vmem>>
        %dma_start3A_83 = tpu.memref_squeeze %dma_start3A_82 : memref<1x128xi32, #tpu.memory_space<vmem>> -> memref<128xi32, #tpu.memory_space<vmem>>
        %dma_start3A_84 = arith.constant 0 : i32
        %dma_start3A_85 = arith.constant 0 : i32
        %dma_start3A_86 = tpu.memref_slice %arg7[%dma_start3A_84, %dma_start3A_85] : memref<10240x128xf32, #tpu.memory_space<vmem_shared>> -> memref<10240x128xf32, #tpu.memory_space<vmem_shared>>
        tpu.enqueue_indirect_dma source(%arg11 : memref<128x128xf32, #tpu.memory_space<vmem>>) target(%dma_start3A_86 : memref<10240x128xf32, #tpu.memory_space<vmem_shared>>) offsets(%dma_start3A_83 : memref<128xi32, #tpu.memory_space<vmem>>) semaphore(%run_scoped3A : memref<!tpu.dma_semaphore, #tpu.memory_space<semaphore_mem>>) {add = true}
        %dma_wait3A_87 = arith.constant 0 : i32
        %dma_wait3A_88 = tpu.memref_slice %arg9[%add3A_67, %dma_wait3A_87] : memref<40x128xi32, #tpu.memory_space<vmem>> -> memref<1x128xi32, #tpu.memory_space<vmem>>
        %dma_wait3A_89 = tpu.memref_squeeze %dma_wait3A_88 : memref<1x128xi32, #tpu.memory_space<vmem>> -> memref<128xi32, #tpu.memory_space<vmem>>
        %dma_wait3A_90 = arith.constant 0 : i32
        %dma_wait3A_91 = arith.constant 0 : i32
        %dma_wait3A_92 = tpu.memref_slice %arg7[%dma_wait3A_90, %dma_wait3A_91] : memref<10240x128xf32, #tpu.memory_space<vmem_shared>> -> memref<10240x128xf32, #tpu.memory_space<vmem_shared>>
        tpu.wait_indirect_dma semaphore(%run_scoped3A : memref<!tpu.dma_semaphore, #tpu.memory_space<semaphore_mem>>) src(%arg11 : memref<128x128xf32, #tpu.memory_space<vmem>>) dst(%dma_wait3A_92 : memref<10240x128xf32, #tpu.memory_space<vmem_shared>>)
        tpu.yield
      }) : () -> ()
      %add3A_74 = arith.constant 2 : i32
      %add3A_75 = arith.addi %add3A_67, %add3A_74 : i32
      %lt3A_76 = arith.constant 40 : i32
      %lt3A_77 = arith.cmpi slt, %add3A_75, %lt3A_76 : i32
      %convert_element_type3A_78 = arith.extui %lt3A_77 : i1 to i32
      %cond3A_79 = arith.constant 0 : i32
      %cond3A_80 = arith.cmpi ne, %convert_element_type3A_78, %cond3A_79 : i32
      scf.if %cond3A_80 {
        %add3A_81 = arith.constant 2 : i32
        %add3A_82 = arith.addi %add3A_67, %add3A_81 : i32
        %dma_start3A_83 = arith.constant 0 : i32
        %dma_start3A_84 = tpu.memref_slice %arg8[%add3A_82, %dma_start3A_83] : memref<40x128xi32, #tpu.memory_space<vmem>> -> memref<1x128xi32, #tpu.memory_space<vmem>>
        %dma_start3A_85 = tpu.memref_squeeze %dma_start3A_84 : memref<1x128xi32, #tpu.memory_space<vmem>> -> memref<128xi32, #tpu.memory_space<vmem>>
        %dma_start3A_86 = arith.constant 0 : i32
        %dma_start3A_87 = arith.constant 0 : i32
        %dma_start3A_88 = tpu.memref_slice %arg2[%dma_start3A_86, %dma_start3A_87] : memref<10240x128xf32, #tpu.memory_space<hbm>> -> memref<10240x128xf32, #tpu.memory_space<hbm>>
        tpu.enqueue_indirect_dma source(%dma_start3A_88 : memref<10240x128xf32, #tpu.memory_space<hbm>>) target(%arg11 : memref<128x128xf32, #tpu.memory_space<vmem>>) offsets(%dma_start3A_85 : memref<128xi32, #tpu.memory_space<vmem>>) semaphore(%arg13 : memref<!tpu.dma_semaphore, #tpu.memory_space<semaphore_mem>>)
      } else {
      }
    }
    %scan3A_48 = arith.constant 20 : i32
    %barrier3A_49 = arith.constant 0 : index
    tpu.barrier barrier_id(%barrier3A_49)
    "tpu.region"() ({
      %run_scoped3A = tpu.sem_alloc : memref<!tpu.dma_semaphore, #tpu.memory_space<semaphore_mem>>
      %dma_start3A_50 = arith.constant 0 : i32
      %dma_start3A_51 = tpu.memref_slice %arg6[%arg0, %mul3A_2, %dma_start3A_50] : memref<2x10240x128xf32, #tpu.memory_space<hbm>> -> memref<1x640x128xf32, #tpu.memory_space<hbm>>
      %dma_start3A_52 = tpu.memref_squeeze %dma_start3A_51 : memref<1x640x128xf32, #tpu.memory_space<hbm>> -> memref<640x128xf32, #tpu.memory_space<hbm>>
      %dma_start3A_53 = arith.constant 0 : i32
      %dma_start3A_54 = tpu.memref_slice %arg7[%mul3A_2, %dma_start3A_53] : memref<10240x128xf32, #tpu.memory_space<vmem_shared>> -> memref<640x128xf32, #tpu.memory_space<vmem_shared>>
      tpu.enqueue_dma source(%dma_start3A_54 : memref<640x128xf32, #tpu.memory_space<vmem_shared>>) target(%dma_start3A_52 : memref<640x128xf32, #tpu.memory_space<hbm>>) target_semaphore(%run_scoped3A : memref<!tpu.dma_semaphore, #tpu.memory_space<semaphore_mem>>)
      %dma_wait3A = arith.constant 0 : i32
      %dma_wait3A_55 = tpu.memref_slice %arg6[%arg0, %mul3A_2, %dma_wait3A] : memref<2x10240x128xf32, #tpu.memory_space<hbm>> -> memref<1x640x128xf32, #tpu.memory_space<hbm>>
      %dma_wait3A_56 = tpu.memref_squeeze %dma_wait3A_55 : memref<1x640x128xf32, #tpu.memory_space<hbm>> -> memref<640x128xf32, #tpu.memory_space<hbm>>
      %dma_wait3A_57 = arith.constant 0 : i32
      %dma_wait3A_58 = tpu.memref_slice %arg7[%mul3A_2, %dma_wait3A_57] : memref<10240x128xf32, #tpu.memory_space<vmem_shared>> -> memref<640x128xf32, #tpu.memory_space<vmem_shared>>
      tpu.wait_dma2 semaphore(%run_scoped3A : memref<!tpu.dma_semaphore, #tpu.memory_space<semaphore_mem>>) src(%dma_wait3A_58 : memref<640x128xf32, #tpu.memory_space<vmem_shared>>) dst(%dma_wait3A_56 : memref<640x128xf32, #tpu.memory_space<hbm>>)
      tpu.yield
    }) : () -> ()
    return
  }
}

module attributes {stable_mosaic.version = 14 : i64} {
  func.func @_t1_body(%arg0: i32, %arg1: memref<1024x128xf32, #tpu.memory_space<vmem>>, %arg2: memref<1x1024x8xf32, #tpu.memory_space<vmem>>, %arg3: memref<1x1024x8xf32, #tpu.memory_space<vmem>>, %arg4: memref<128x128xf32, #tpu.memory_space<vmem>>, %arg5: memref<1x128xf32, #tpu.memory_space<vmem>>, %arg6: memref<128x128xf32, #tpu.memory_space<vmem>>, %arg7: memref<1x128xf32, #tpu.memory_space<vmem>>, %arg8: memref<1024x128xf32, #tpu.memory_space<vmem>>, %arg9: memref<1024x128xf32, #tpu.memory_space<vmem>>) attributes {dimension_semantics = [#tpu.dimension_semantics<arbitrary>], iteration_bounds = array<i64: 10>, scalar_prefetch = 0 : i64, scratch_operands = 0 : i64, tpu.core_type = #tpu.core_type<tc>, window_params = [{transform_indices = @transform_0, window_bounds = array<i64: 1024, 128>}, {transform_indices = @transform_1, window_bounds = array<i64: 1, 1024, 8>}, {transform_indices = @transform_2, window_bounds = array<i64: 1, 1024, 8>}, {pipeline_mode = #tpu.pipeline_mode<synchronous>, transform_indices = @transform_3, window_bounds = array<i64: 128, 128>}, {pipeline_mode = #tpu.pipeline_mode<synchronous>, transform_indices = @transform_4, window_bounds = array<i64: 1, 128>}, {pipeline_mode = #tpu.pipeline_mode<synchronous>, transform_indices = @transform_5, window_bounds = array<i64: 128, 128>}, {pipeline_mode = #tpu.pipeline_mode<synchronous>, transform_indices = @transform_6, window_bounds = array<i64: 1, 128>}, {transform_indices = @transform_7, window_bounds = array<i64: 1024, 128>}, {transform_indices = @transform_8, window_bounds = array<i64: 1024, 128>}]} {
    %get3A = arith.constant 0 : index
    %get3A_0 = arith.constant 0 : index
    %get3A_1 = arith.constant 0 : index
    %get3A_2 = vector.load %arg2[%get3A, %get3A_0, %get3A_1] : memref<1x1024x8xf32, #tpu.memory_space<vmem>>, vector<1x1024x8xf32>
    %get3A_3 = arith.constant 0 : index
    %get3A_4 = arith.constant 0 : index
    %get3A_5 = arith.constant 0 : index
    %get3A_6 = vector.load %arg3[%get3A_3, %get3A_4, %get3A_5] : memref<1x1024x8xf32, #tpu.memory_space<vmem>>, vector<1x1024x8xf32>
    %slice3A = vector.extract_strided_slice %get3A_2 {offsets = [0, 0, 0], sizes = [1, 1024, 1], strides = [1, 1, 1]} : vector<1x1024x8xf32> to vector<1x1024x1xf32>
    %squeeze3A = vector.shape_cast %slice3A : vector<1x1024x1xf32> to vector<1024x1xf32>
    %slice3A_7 = vector.extract_strided_slice %get3A_6 {offsets = [0, 0, 0], sizes = [1, 1024, 1], strides = [1, 1, 1]} : vector<1x1024x8xf32> to vector<1x1024x1xf32>
    %squeeze3A_8 = vector.shape_cast %slice3A_7 : vector<1x1024x1xf32> to vector<1024x1xf32>
    %add3A = arith.addf %squeeze3A, %squeeze3A_8 : vector<1024x1xf32>
    %add3A_9 = arith.constant 1.000000e+00 : f32
    %add3A_10 = vector.broadcast %add3A_9 : f32 to vector<1024x1xf32>
    %add3A_11 = arith.addf %add3A, %add3A_10 : vector<1024x1xf32>
    %rsqrt3A = math.rsqrt %add3A_11 : vector<1024x1xf32>
    %get3A_12 = arith.constant 0 : index
    %get3A_13 = arith.constant 0 : index
    %get3A_14 = vector.load %arg1[%get3A_12, %get3A_13] : memref<1024x128xf32, #tpu.memory_space<vmem>>, vector<1024x128xf32>
    %get3A_15 = arith.constant 0 : index
    %get3A_16 = arith.constant 0 : index
    %get3A_17 = vector.load %arg4[%get3A_15, %get3A_16] : memref<128x128xf32, #tpu.memory_space<vmem>>, vector<128x128xf32>
    %dot_general3A = arith.constant dense<0.000000e+00> : vector<1024x128xf32>
    %dot_general3A_18 = tpu.matmul %get3A_14, %get3A_17, %dot_general3A {dimension_numbers = #tpu.dot_dimension_numbers<[1], [0], [0], [1], [0, 0, 1, 1], [], []>, transpose_lhs_hint = false} : vector<1024x128xf32>, vector<128x128xf32>, vector<1024x128xf32> -> vector<1024x128xf32>
    %get3A_19 = arith.constant 0 : index
    %get3A_20 = arith.constant 0 : index
    %get3A_21 = vector.load %arg5[%get3A_19, %get3A_20] : memref<1x128xf32, #tpu.memory_space<vmem>>, vector<1x128xf32>
    %add3A_22 = vector.broadcast %get3A_21 : vector<1x128xf32> to vector<1024x128xf32>
    %add3A_23 = arith.addf %dot_general3A_18, %add3A_22 : vector<1024x128xf32>
    %max3A = arith.constant 0.000000e+00 : f32
    %max3A_24 = vector.broadcast %max3A : f32 to vector<1024x128xf32>
    %max3A_25 = arith.maximumf %add3A_23, %max3A_24 : vector<1024x128xf32>
    %get3A_26 = arith.constant 0 : index
    %get3A_27 = arith.constant 0 : index
    %get3A_28 = vector.load %arg6[%get3A_26, %get3A_27] : memref<128x128xf32, #tpu.memory_space<vmem>>, vector<128x128xf32>
    %dot_general3A_29 = arith.constant dense<0.000000e+00> : vector<1024x128xf32>
    %dot_general3A_30 = tpu.matmul %max3A_25, %get3A_28, %dot_general3A_29 {dimension_numbers = #tpu.dot_dimension_numbers<[1], [0], [0], [1], [0, 0, 1, 1], [], []>, transpose_lhs_hint = false} : vector<1024x128xf32>, vector<128x128xf32>, vector<1024x128xf32> -> vector<1024x128xf32>
    %get3A_31 = arith.constant 0 : index
    %get3A_32 = arith.constant 0 : index
    %get3A_33 = vector.load %arg7[%get3A_31, %get3A_32] : memref<1x128xf32, #tpu.memory_space<vmem>>, vector<1x128xf32>
    %add3A_34 = vector.broadcast %get3A_33 : vector<1x128xf32> to vector<1024x128xf32>
    %add3A_35 = arith.addf %dot_general3A_30, %add3A_34 : vector<1024x128xf32>
    %swap3A = arith.constant 0 : index
    %swap3A_36 = arith.constant 0 : index
    %swap3A_37 = vector.load %arg8[%swap3A, %swap3A_36] : memref<1024x128xf32, #tpu.memory_space<vmem>>, vector<1024x128xf32>
    tpu.vector_store %arg8[%swap3A, %swap3A_36], %add3A_35 {strides = array<i32>} : memref<1024x128xf32, #tpu.memory_space<vmem>>, vector<1024x128xf32>,
    %mul3A = vector.broadcast %rsqrt3A : vector<1024x1xf32> to vector<1024x128xf32>
    %mul3A_38 = arith.mulf %add3A_35, %mul3A : vector<1024x128xf32>
    %swap3A_39 = arith.constant 0 : index
    %swap3A_40 = arith.constant 0 : index
    %swap3A_41 = vector.load %arg9[%swap3A_39, %swap3A_40] : memref<1024x128xf32, #tpu.memory_space<vmem>>, vector<1024x128xf32>
    tpu.vector_store %arg9[%swap3A_39, %swap3A_40], %mul3A_38 {strides = array<i32>} : memref<1024x128xf32, #tpu.memory_space<vmem>>, vector<1024x128xf32>,
    return
  }
  func.func @transform_0(%arg0: i32) -> (i32, i32) {
    %c0_i32 = arith.constant 0 : i32
    %c0_i32_0 = arith.constant 0 : i32
    return %arg0, %c0_i32 : i32, i32
  }
  func.func @transform_1(%arg0: i32) -> (i32, i32, i32) {
    %c0_i32 = arith.constant 0 : i32
    %c0_i32_0 = arith.constant 0 : i32
    %c0_i32_1 = arith.constant 0 : i32
    return %c0_i32, %arg0, %c0_i32_0 : i32, i32, i32
  }
  func.func @transform_2(%arg0: i32) -> (i32, i32, i32) {
    %c1_i32 = arith.constant 1 : i32
    %c0_i32 = arith.constant 0 : i32
    %c0_i32_0 = arith.constant 0 : i32
    return %c1_i32, %arg0, %c0_i32 : i32, i32, i32
  }
  func.func @transform_3(%arg0: i32) -> (i32, i32) {
    %c0_i32 = arith.constant 0 : i32
    %c0_i32_0 = arith.constant 0 : i32
    %c0_i32_1 = arith.constant 0 : i32
    return %c0_i32, %c0_i32_0 : i32, i32
  }
  func.func @transform_4(%arg0: i32) -> (i32, i32) {
    %c0_i32 = arith.constant 0 : i32
    %c0_i32_0 = arith.constant 0 : i32
    %c0_i32_1 = arith.constant 0 : i32
    return %c0_i32, %c0_i32_0 : i32, i32
  }
  func.func @transform_5(%arg0: i32) -> (i32, i32) {
    %c0_i32 = arith.constant 0 : i32
    %c0_i32_0 = arith.constant 0 : i32
    %c0_i32_1 = arith.constant 0 : i32
    return %c0_i32, %c0_i32_0 : i32, i32
  }
  func.func @transform_6(%arg0: i32) -> (i32, i32) {
    %c0_i32 = arith.constant 0 : i32
    %c0_i32_0 = arith.constant 0 : i32
    %c0_i32_1 = arith.constant 0 : i32
    return %c0_i32, %c0_i32_0 : i32, i32
  }
  func.func @transform_7(%arg0: i32) -> (i32, i32) {
    %c0_i32 = arith.constant 0 : i32
    %c0_i32_0 = arith.constant 0 : i32
    return %arg0, %c0_i32 : i32, i32
  }
  func.func @transform_8(%arg0: i32) -> (i32, i32) {
    %c0_i32 = arith.constant 0 : i32
    %c0_i32_0 = arith.constant 0 : i32
    return %arg0, %c0_i32 : i32, i32
  }
}

module attributes {stable_mosaic.version = 14 : i64} {
  func.func @_t2_body(%arg0: i32, %arg1: memref<1x1024x128xf32, #tpu.memory_space<vmem>>, %arg2: memref<1x1024x128xf32, #tpu.memory_space<vmem>>, %arg3: memref<1x1024x8xf32, #tpu.memory_space<vmem>>, %arg4: memref<1x1024x8xf32, #tpu.memory_space<vmem>>, %arg5: memref<128x128xf32, #tpu.memory_space<vmem>>, %arg6: memref<1x128xf32, #tpu.memory_space<vmem>>, %arg7: memref<1024x128xf32, #tpu.memory_space<vmem>>) attributes {dimension_semantics = [#tpu.dimension_semantics<arbitrary>], iteration_bounds = array<i64: 10>, scalar_prefetch = 0 : i64, scratch_operands = 0 : i64, tpu.core_type = #tpu.core_type<tc>, window_params = [{transform_indices = @transform_0, window_bounds = array<i64: 1, 1024, 128>}, {transform_indices = @transform_1, window_bounds = array<i64: 1, 1024, 128>}, {transform_indices = @transform_2, window_bounds = array<i64: 1, 1024, 8>}, {transform_indices = @transform_3, window_bounds = array<i64: 1, 1024, 8>}, {pipeline_mode = #tpu.pipeline_mode<synchronous>, transform_indices = @transform_4, window_bounds = array<i64: 128, 128>}, {pipeline_mode = #tpu.pipeline_mode<synchronous>, transform_indices = @transform_5, window_bounds = array<i64: 1, 128>}, {transform_indices = @transform_6, window_bounds = array<i64: 1024, 128>}]} {
    %get3A = arith.constant 0 : index
    %get3A_0 = arith.constant 0 : index
    %get3A_1 = arith.constant 0 : index
    %get3A_2 = vector.load %arg3[%get3A, %get3A_0, %get3A_1] : memref<1x1024x8xf32, #tpu.memory_space<vmem>>, vector<1x1024x8xf32>
    %get3A_3 = arith.constant 0 : index
    %get3A_4 = arith.constant 0 : index
    %get3A_5 = arith.constant 0 : index
    %get3A_6 = vector.load %arg4[%get3A_3, %get3A_4, %get3A_5] : memref<1x1024x8xf32, #tpu.memory_space<vmem>>, vector<1x1024x8xf32>
    %slice3A = vector.extract_strided_slice %get3A_2 {offsets = [0, 0, 0], sizes = [1, 1024, 1], strides = [1, 1, 1]} : vector<1x1024x8xf32> to vector<1x1024x1xf32>
    %squeeze3A = vector.shape_cast %slice3A : vector<1x1024x1xf32> to vector<1024x1xf32>
    %slice3A_7 = vector.extract_strided_slice %get3A_6 {offsets = [0, 0, 0], sizes = [1, 1024, 1], strides = [1, 1, 1]} : vector<1x1024x8xf32> to vector<1x1024x1xf32>
    %squeeze3A_8 = vector.shape_cast %slice3A_7 : vector<1x1024x1xf32> to vector<1024x1xf32>
    %add3A = arith.addf %squeeze3A, %squeeze3A_8 : vector<1024x1xf32>
    %add3A_9 = arith.constant 1.000000e+00 : f32
    %add3A_10 = vector.broadcast %add3A_9 : f32 to vector<1024x1xf32>
    %add3A_11 = arith.addf %add3A, %add3A_10 : vector<1024x1xf32>
    %rsqrt3A = math.rsqrt %add3A_11 : vector<1024x1xf32>
    %get3A_12 = arith.constant 0 : index
    %get3A_13 = arith.constant 0 : index
    %get3A_14 = arith.constant 0 : index
    %get3A_15 = vector.load %arg1[%get3A_12, %get3A_13, %get3A_14] : memref<1x1024x128xf32, #tpu.memory_space<vmem>>, vector<1x1024x128xf32>
    %get3A_16 = arith.constant 0 : index
    %get3A_17 = arith.constant 0 : index
    %get3A_18 = arith.constant 0 : index
    %get3A_19 = vector.load %arg2[%get3A_16, %get3A_17, %get3A_18] : memref<1x1024x128xf32, #tpu.memory_space<vmem>>, vector<1x1024x128xf32>
    %squeeze3A_20 = vector.shape_cast %get3A_15 : vector<1x1024x128xf32> to vector<1024x128xf32>
    %squeeze3A_21 = vector.shape_cast %get3A_19 : vector<1x1024x128xf32> to vector<1024x128xf32>
    %add3A_22 = arith.addf %squeeze3A_20, %squeeze3A_21 : vector<1024x128xf32>
    %mul3A = vector.broadcast %rsqrt3A : vector<1024x1xf32> to vector<1024x128xf32>
    %mul3A_23 = arith.mulf %add3A_22, %mul3A : vector<1024x128xf32>
    %get3A_24 = arith.constant 0 : index
    %get3A_25 = arith.constant 0 : index
    %get3A_26 = vector.load %arg5[%get3A_24, %get3A_25] : memref<128x128xf32, #tpu.memory_space<vmem>>, vector<128x128xf32>
    %dot_general3A = arith.constant dense<0.000000e+00> : vector<1024x128xf32>
    %dot_general3A_27 = tpu.matmul %mul3A_23, %get3A_26, %dot_general3A {dimension_numbers = #tpu.dot_dimension_numbers<[1], [0], [0], [1], [0, 0, 1, 1], [], []>, transpose_lhs_hint = false} : vector<1024x128xf32>, vector<128x128xf32>, vector<1024x128xf32> -> vector<1024x128xf32>
    %get3A_28 = arith.constant 0 : index
    %get3A_29 = arith.constant 0 : index
    %get3A_30 = vector.load %arg6[%get3A_28, %get3A_29] : memref<1x128xf32, #tpu.memory_space<vmem>>, vector<1x128xf32>
    %add3A_31 = vector.broadcast %get3A_30 : vector<1x128xf32> to vector<1024x128xf32>
    %add3A_32 = arith.addf %dot_general3A_27, %add3A_31 : vector<1024x128xf32>
    %max3A = arith.constant 0.000000e+00 : f32
    %max3A_33 = vector.broadcast %max3A : f32 to vector<1024x128xf32>
    %max3A_34 = arith.maximumf %add3A_32, %max3A_33 : vector<1024x128xf32>
    %mul3A_35 = vector.broadcast %rsqrt3A : vector<1024x1xf32> to vector<1024x128xf32>
    %mul3A_36 = arith.mulf %max3A_34, %mul3A_35 : vector<1024x128xf32>
    %swap3A = arith.constant 0 : index
    %swap3A_37 = arith.constant 0 : index
    %swap3A_38 = vector.load %arg7[%swap3A, %swap3A_37] : memref<1024x128xf32, #tpu.memory_space<vmem>>, vector<1024x128xf32>
    tpu.vector_store %arg7[%swap3A, %swap3A_37], %mul3A_36 {strides = array<i32>} : memref<1024x128xf32, #tpu.memory_space<vmem>>, vector<1024x128xf32>,
    return
  }
  func.func @transform_0(%arg0: i32) -> (i32, i32, i32) {
    %c0_i32 = arith.constant 0 : i32
    %c0_i32_0 = arith.constant 0 : i32
    %c0_i32_1 = arith.constant 0 : i32
    return %c0_i32, %arg0, %c0_i32_0 : i32, i32, i32
  }
  func.func @transform_1(%arg0: i32) -> (i32, i32, i32) {
    %c1_i32 = arith.constant 1 : i32
    %c0_i32 = arith.constant 0 : i32
    %c0_i32_0 = arith.constant 0 : i32
    return %c1_i32, %arg0, %c0_i32 : i32, i32, i32
  }
  func.func @transform_2(%arg0: i32) -> (i32, i32, i32) {
    %c0_i32 = arith.constant 0 : i32
    %c0_i32_0 = arith.constant 0 : i32
    %c0_i32_1 = arith.constant 0 : i32
    return %c0_i32, %arg0, %c0_i32_0 : i32, i32, i32
  }
  func.func @transform_3(%arg0: i32) -> (i32, i32, i32) {
    %c1_i32 = arith.constant 1 : i32
    %c0_i32 = arith.constant 0 : i32
    %c0_i32_0 = arith.constant 0 : i32
    return %c1_i32, %arg0, %c0_i32 : i32, i32, i32
  }
  func.func @transform_4(%arg0: i32) -> (i32, i32) {
    %c0_i32 = arith.constant 0 : i32
    %c0_i32_0 = arith.constant 0 : i32
    %c0_i32_1 = arith.constant 0 : i32
    return %c0_i32, %c0_i32_0 : i32, i32
  }
  func.func @transform_5(%arg0: i32) -> (i32, i32) {
    %c0_i32 = arith.constant 0 : i32
    %c0_i32_0 = arith.constant 0 : i32
    %c0_i32_1 = arith.constant 0 : i32
    return %c0_i32, %c0_i32_0 : i32, i32
  }
  func.func @transform_6(%arg0: i32) -> (i32, i32) {
    %c0_i32 = arith.constant 0 : i32
    %c0_i32_0 = arith.constant 0 : i32
    return %arg0, %c0_i32 : i32, i32
  }
}

module attributes {stable_mosaic.version = 14 : i64} {
  func.func @_t3_body(%arg0: i32, %arg1: memref<1x1024x128xf32, #tpu.memory_space<vmem>>, %arg2: memref<1x1024x128xf32, #tpu.memory_space<vmem>>, %arg3: memref<1x1024x8xf32, #tpu.memory_space<vmem>>, %arg4: memref<1x1024x8xf32, #tpu.memory_space<vmem>>, %arg5: memref<1024x128xf32, #tpu.memory_space<vmem>>, %arg6: memref<128x128xf32, #tpu.memory_space<vmem>>, %arg7: memref<1x128xf32, #tpu.memory_space<vmem>>, %arg8: memref<128x1xf32, #tpu.memory_space<vmem>>, %arg9: memref<128x128xf32, #tpu.memory_space<vmem>>, %arg10: memref<1x128xf32, #tpu.memory_space<vmem>>, %arg11: memref<128x128xf32, #tpu.memory_space<vmem>>, %arg12: memref<1x128xf32, #tpu.memory_space<vmem>>, %arg13: memref<256x1024xf32, #tpu.memory_space<vmem>>, %arg14: memref<1024x256xf32, #tpu.memory_space<vmem>>, %arg15: memref<1024x128xf32, #tpu.memory_space<vmem>>) attributes {dimension_semantics = [#tpu.dimension_semantics<arbitrary>], iteration_bounds = array<i64: 10>, scalar_prefetch = 0 : i64, scratch_operands = 0 : i64, tpu.core_type = #tpu.core_type<tc>, window_params = [{transform_indices = @transform_0, window_bounds = array<i64: 1, 1024, 128>}, {transform_indices = @transform_1, window_bounds = array<i64: 1, 1024, 128>}, {transform_indices = @transform_2, window_bounds = array<i64: 1, 1024, 8>}, {transform_indices = @transform_3, window_bounds = array<i64: 1, 1024, 8>}, {transform_indices = @transform_4, window_bounds = array<i64: 1024, 128>}, {pipeline_mode = #tpu.pipeline_mode<synchronous>, transform_indices = @transform_5, window_bounds = array<i64: 128, 128>}, {pipeline_mode = #tpu.pipeline_mode<synchronous>, transform_indices = @transform_6, window_bounds = array<i64: 1, 128>}, {pipeline_mode = #tpu.pipeline_mode<synchronous>, transform_indices = @transform_7, window_bounds = array<i64: 128, 1>}, {pipeline_mode = #tpu.pipeline_mode<synchronous>, transform_indices = @transform_8, window_bounds = array<i64: 128, 128>}, {pipeline_mode = #tpu.pipeline_mode<synchronous>, transform_indices = @transform_9, window_bounds = array<i64: 1, 128>}, {pipeline_mode = #tpu.pipeline_mode<synchronous>, transform_indices = @transform_10, window_bounds = array<i64: 128, 128>}, {pipeline_mode = #tpu.pipeline_mode<synchronous>, transform_indices = @transform_11, window_bounds = array<i64: 1, 128>}, {pipeline_mode = #tpu.pipeline_mode<synchronous>, transform_indices = @transform_12, window_bounds = array<i64: 256, 1024>}, {pipeline_mode = #tpu.pipeline_mode<synchronous>, transform_indices = @transform_13, window_bounds = array<i64: 1024, 256>}, {transform_indices = @transform_14, window_bounds = array<i64: 1024, 128>}]} {
    %get3A = arith.constant 0 : index
    %get3A_0 = arith.constant 0 : index
    %get3A_1 = arith.constant 0 : index
    %get3A_2 = vector.load %arg3[%get3A, %get3A_0, %get3A_1] : memref<1x1024x8xf32, #tpu.memory_space<vmem>>, vector<1x1024x8xf32>
    %get3A_3 = arith.constant 0 : index
    %get3A_4 = arith.constant 0 : index
    %get3A_5 = arith.constant 0 : index
    %get3A_6 = vector.load %arg4[%get3A_3, %get3A_4, %get3A_5] : memref<1x1024x8xf32, #tpu.memory_space<vmem>>, vector<1x1024x8xf32>
    %slice3A = vector.extract_strided_slice %get3A_2 {offsets = [0, 0, 0], sizes = [1, 1024, 1], strides = [1, 1, 1]} : vector<1x1024x8xf32> to vector<1x1024x1xf32>
    %squeeze3A = vector.shape_cast %slice3A : vector<1x1024x1xf32> to vector<1024x1xf32>
    %slice3A_7 = vector.extract_strided_slice %get3A_6 {offsets = [0, 0, 0], sizes = [1, 1024, 1], strides = [1, 1, 1]} : vector<1x1024x8xf32> to vector<1x1024x1xf32>
    %squeeze3A_8 = vector.shape_cast %slice3A_7 : vector<1x1024x1xf32> to vector<1024x1xf32>
    %add3A = arith.addf %squeeze3A, %squeeze3A_8 : vector<1024x1xf32>
    %add3A_9 = arith.constant 1.000000e+00 : f32
    %add3A_10 = vector.broadcast %add3A_9 : f32 to vector<1024x1xf32>
    %add3A_11 = arith.addf %add3A, %add3A_10 : vector<1024x1xf32>
    %rsqrt3A = math.rsqrt %add3A_11 : vector<1024x1xf32>
    %get3A_12 = arith.constant 0 : index
    %get3A_13 = arith.constant 0 : index
    %get3A_14 = arith.constant 0 : index
    %get3A_15 = vector.load %arg1[%get3A_12, %get3A_13, %get3A_14] : memref<1x1024x128xf32, #tpu.memory_space<vmem>>, vector<1x1024x128xf32>
    %get3A_16 = arith.constant 0 : index
    %get3A_17 = arith.constant 0 : index
    %get3A_18 = arith.constant 0 : index
    %get3A_19 = vector.load %arg2[%get3A_16, %get3A_17, %get3A_18] : memref<1x1024x128xf32, #tpu.memory_space<vmem>>, vector<1x1024x128xf32>
    %squeeze3A_20 = vector.shape_cast %get3A_15 : vector<1x1024x128xf32> to vector<1024x128xf32>
    %squeeze3A_21 = vector.shape_cast %get3A_19 : vector<1x1024x128xf32> to vector<1024x128xf32>
    %add3A_22 = arith.addf %squeeze3A_20, %squeeze3A_21 : vector<1024x128xf32>
    %mul3A = vector.broadcast %rsqrt3A : vector<1024x1xf32> to vector<1024x128xf32>
    %mul3A_23 = arith.mulf %add3A_22, %mul3A : vector<1024x128xf32>
    %get3A_24 = arith.constant 0 : index
    %get3A_25 = arith.constant 0 : index
    %get3A_26 = vector.load %arg6[%get3A_24, %get3A_25] : memref<128x128xf32, #tpu.memory_space<vmem>>, vector<128x128xf32>
    %dot_general3A = arith.constant dense<0.000000e+00> : vector<1024x128xf32>
    %dot_general3A_27 = tpu.matmul %mul3A_23, %get3A_26, %dot_general3A {dimension_numbers = #tpu.dot_dimension_numbers<[1], [0], [0], [1], [0, 0, 1, 1], [], []>, transpose_lhs_hint = false} : vector<1024x128xf32>, vector<128x128xf32>, vector<1024x128xf32> -> vector<1024x128xf32>
    %get3A_28 = arith.constant 0 : index
    %get3A_29 = arith.constant 0 : index
    %get3A_30 = vector.load %arg7[%get3A_28, %get3A_29] : memref<1x128xf32, #tpu.memory_space<vmem>>, vector<1x128xf32>
    %add3A_31 = vector.broadcast %get3A_30 : vector<1x128xf32> to vector<1024x128xf32>
    %add3A_32 = arith.addf %dot_general3A_27, %add3A_31 : vector<1024x128xf32>
    %max3A = arith.constant 0.000000e+00 : f32
    %max3A_33 = vector.broadcast %max3A : f32 to vector<1024x128xf32>
    %max3A_34 = arith.maximumf %add3A_32, %max3A_33 : vector<1024x128xf32>
    %get3A_35 = arith.constant 0 : index
    %get3A_36 = arith.constant 0 : index
    %get3A_37 = vector.load %arg8[%get3A_35, %get3A_36] : memref<128x1xf32, #tpu.memory_space<vmem>>, vector<128x1xf32>
    %dot_general3A_38 = arith.constant dense<0.000000e+00> : vector<1024x1xf32>
    %dot_general3A_39 = tpu.matmul %max3A_34, %get3A_37, %dot_general3A_38 {dimension_numbers = #tpu.dot_dimension_numbers<[1], [0], [0], [1], [0, 0, 1, 1], [], []>, transpose_lhs_hint = false} : vector<1024x128xf32>, vector<128x1xf32>, vector<1024x1xf32> -> vector<1024x1xf32>
    %neg3A = arith.constant 0.000000e+00 : f32
    %neg3A_40 = vector.broadcast %neg3A : f32 to vector<1024x1xf32>
    %neg3A_41 = arith.subf %neg3A_40, %dot_general3A_39 : vector<1024x1xf32>
    %exp3A = math.exp %neg3A_41 : vector<1024x1xf32>
    %add3A_42 = arith.constant 1.000000e+00 : f32
    %add3A_43 = vector.broadcast %add3A_42 : f32 to vector<1024x1xf32>
    %add3A_44 = arith.addf %add3A_43, %exp3A : vector<1024x1xf32>
    %div3A = arith.constant 1.000000e+00 : f32
    %div3A_45 = vector.broadcast %div3A : f32 to vector<1024x1xf32>
    %div3A_46 = arith.divf %div3A_45, %add3A_44 : vector<1024x1xf32>
    %get3A_47 = arith.constant 0 : index
    %get3A_48 = arith.constant 0 : index
    %get3A_49 = vector.load %arg9[%get3A_47, %get3A_48] : memref<128x128xf32, #tpu.memory_space<vmem>>, vector<128x128xf32>
    %dot_general3A_50 = arith.constant dense<0.000000e+00> : vector<1024x128xf32>
    %dot_general3A_51 = tpu.matmul %max3A_34, %get3A_49, %dot_general3A_50 {dimension_numbers = #tpu.dot_dimension_numbers<[1], [0], [0], [1], [0, 0, 1, 1], [], []>, transpose_lhs_hint = false} : vector<1024x128xf32>, vector<128x128xf32>, vector<1024x128xf32> -> vector<1024x128xf32>
    %get3A_52 = arith.constant 0 : index
    %get3A_53 = arith.constant 0 : index
    %get3A_54 = vector.load %arg10[%get3A_52, %get3A_53] : memref<1x128xf32, #tpu.memory_space<vmem>>, vector<1x128xf32>
    %add3A_55 = vector.broadcast %get3A_54 : vector<1x128xf32> to vector<1024x128xf32>
    %add3A_56 = arith.addf %dot_general3A_51, %add3A_55 : vector<1024x128xf32>
    %max3A_57 = arith.constant 0.000000e+00 : f32
    %max3A_58 = vector.broadcast %max3A_57 : f32 to vector<1024x128xf32>
    %max3A_59 = arith.maximumf %add3A_56, %max3A_58 : vector<1024x128xf32>
    %get3A_60 = arith.constant 0 : index
    %get3A_61 = arith.constant 0 : index
    %get3A_62 = vector.load %arg13[%get3A_60, %get3A_61] : memref<256x1024xf32, #tpu.memory_space<vmem>>, vector<256x1024xf32>
    %dot_general3A_63 = arith.constant dense<0.000000e+00> : vector<256x128xf32>
    %dot_general3A_64 = tpu.matmul %get3A_62, %max3A_59, %dot_general3A_63 {dimension_numbers = #tpu.dot_dimension_numbers<[1], [0], [0], [1], [0, 0, 1, 1], [], []>, transpose_lhs_hint = false} : vector<256x1024xf32>, vector<1024x128xf32>, vector<256x128xf32> -> vector<256x128xf32>
    %get3A_65 = arith.constant 0 : index
    %get3A_66 = arith.constant 0 : index
    %get3A_67 = vector.load %arg13[%get3A_65, %get3A_66] : memref<256x1024xf32, #tpu.memory_space<vmem>>, vector<256x1024xf32>
    %dot_general3A_68 = arith.constant dense<0.000000e+00> : vector<256x1xf32>
    %dot_general3A_69 = tpu.matmul %get3A_67, %div3A_46, %dot_general3A_68 {dimension_numbers = #tpu.dot_dimension_numbers<[1], [0], [0], [1], [0, 0, 1, 1], [], []>, transpose_lhs_hint = false} : vector<256x1024xf32>, vector<1024x1xf32>, vector<256x1xf32> -> vector<256x1xf32>
    %mul3A_70 = arith.constant 2.500000e-01 : f32
    %mul3A_71 = vector.broadcast %mul3A_70 : f32 to vector<256x1xf32>
    %mul3A_72 = arith.mulf %dot_general3A_69, %mul3A_71 : vector<256x1xf32>
    %get3A_73 = arith.constant 0 : index
    %get3A_74 = arith.constant 0 : index
    %get3A_75 = vector.load %arg11[%get3A_73, %get3A_74] : memref<128x128xf32, #tpu.memory_space<vmem>>, vector<128x128xf32>
    %dot_general3A_76 = arith.constant dense<0.000000e+00> : vector<256x128xf32>
    %dot_general3A_77 = tpu.matmul %dot_general3A_64, %get3A_75, %dot_general3A_76 {dimension_numbers = #tpu.dot_dimension_numbers<[1], [0], [0], [1], [0, 0, 1, 1], [], []>, transpose_lhs_hint = false} : vector<256x128xf32>, vector<128x128xf32>, vector<256x128xf32> -> vector<256x128xf32>
    %get3A_78 = arith.constant 0 : index
    %get3A_79 = arith.constant 0 : index
    %get3A_80 = vector.load %arg12[%get3A_78, %get3A_79] : memref<1x128xf32, #tpu.memory_space<vmem>>, vector<1x128xf32>
    %add3A_81 = vector.broadcast %get3A_80 : vector<1x128xf32> to vector<256x128xf32>
    %add3A_82 = arith.addf %dot_general3A_77, %add3A_81 : vector<256x128xf32>
    %max3A_83 = arith.constant 0.000000e+00 : f32
    %max3A_84 = vector.broadcast %max3A_83 : f32 to vector<256x128xf32>
    %max3A_85 = arith.maximumf %add3A_82, %max3A_84 : vector<256x128xf32>
    %mul3A_86 = vector.broadcast %mul3A_72 : vector<256x1xf32> to vector<256x128xf32>
    %mul3A_87 = arith.mulf %max3A_85, %mul3A_86 : vector<256x128xf32>
    %get3A_88 = arith.constant 0 : index
    %get3A_89 = arith.constant 0 : index
    %get3A_90 = vector.load %arg14[%get3A_88, %get3A_89] : memref<1024x256xf32, #tpu.memory_space<vmem>>, vector<1024x256xf32>
    %dot_general3A_91 = arith.constant dense<0.000000e+00> : vector<1024x128xf32>
    %dot_general3A_92 = tpu.matmul %get3A_90, %mul3A_87, %dot_general3A_91 {dimension_numbers = #tpu.dot_dimension_numbers<[1], [0], [0], [1], [0, 0, 1, 1], [], []>, transpose_lhs_hint = false} : vector<1024x256xf32>, vector<256x128xf32>, vector<1024x128xf32> -> vector<1024x128xf32>
    %get3A_93 = arith.constant 0 : index
    %get3A_94 = arith.constant 0 : index
    %get3A_95 = vector.load %arg5[%get3A_93, %get3A_94] : memref<1024x128xf32, #tpu.memory_space<vmem>>, vector<1024x128xf32>
    %add3A_96 = arith.addf %dot_general3A_92, %get3A_95 : vector<1024x128xf32>
    %mul3A_97 = vector.broadcast %rsqrt3A : vector<1024x1xf32> to vector<1024x128xf32>
    %mul3A_98 = arith.mulf %add3A_96, %mul3A_97 : vector<1024x128xf32>
    %swap3A = arith.constant 0 : index
    %swap3A_99 = arith.constant 0 : index
    %swap3A_100 = vector.load %arg15[%swap3A, %swap3A_99] : memref<1024x128xf32, #tpu.memory_space<vmem>>, vector<1024x128xf32>
    tpu.vector_store %arg15[%swap3A, %swap3A_99], %mul3A_98 {strides = array<i32>} : memref<1024x128xf32, #tpu.memory_space<vmem>>, vector<1024x128xf32>,
    return
  }
  func.func @transform_0(%arg0: i32) -> (i32, i32, i32) {
    %c0_i32 = arith.constant 0 : i32
    %c0_i32_0 = arith.constant 0 : i32
    %c0_i32_1 = arith.constant 0 : i32
    return %c0_i32, %arg0, %c0_i32_0 : i32, i32, i32
  }
  func.func @transform_1(%arg0: i32) -> (i32, i32, i32) {
    %c1_i32 = arith.constant 1 : i32
    %c0_i32 = arith.constant 0 : i32
    %c0_i32_0 = arith.constant 0 : i32
    return %c1_i32, %arg0, %c0_i32 : i32, i32, i32
  }
  func.func @transform_2(%arg0: i32) -> (i32, i32, i32) {
    %c0_i32 = arith.constant 0 : i32
    %c0_i32_0 = arith.constant 0 : i32
    %c0_i32_1 = arith.constant 0 : i32
    return %c0_i32, %arg0, %c0_i32_0 : i32, i32, i32
  }
  func.func @transform_3(%arg0: i32) -> (i32, i32, i32) {
    %c1_i32 = arith.constant 1 : i32
    %c0_i32 = arith.constant 0 : i32
    %c0_i32_0 = arith.constant 0 : i32
    return %c1_i32, %arg0, %c0_i32 : i32, i32, i32
  }
  func.func @transform_4(%arg0: i32) -> (i32, i32) {
    %c0_i32 = arith.constant 0 : i32
    %c0_i32_0 = arith.constant 0 : i32
    return %arg0, %c0_i32 : i32, i32
  }
  func.func @transform_5(%arg0: i32) -> (i32, i32) {
    %c0_i32 = arith.constant 0 : i32
    %c0_i32_0 = arith.constant 0 : i32
    %c0_i32_1 = arith.constant 0 : i32
    return %c0_i32, %c0_i32_0 : i32, i32
  }
  func.func @transform_6(%arg0: i32) -> (i32, i32) {
    %c0_i32 = arith.constant 0 : i32
    %c0_i32_0 = arith.constant 0 : i32
    %c0_i32_1 = arith.constant 0 : i32
    return %c0_i32, %c0_i32_0 : i32, i32
  }
  func.func @transform_7(%arg0: i32) -> (i32, i32) {
    %c0_i32 = arith.constant 0 : i32
    %c0_i32_0 = arith.constant 0 : i32
    %c0_i32_1 = arith.constant 0 : i32
    return %c0_i32, %c0_i32_0 : i32, i32
  }
  func.func @transform_8(%arg0: i32) -> (i32, i32) {
    %c0_i32 = arith.constant 0 : i32
    %c0_i32_0 = arith.constant 0 : i32
    %c0_i32_1 = arith.constant 0 : i32
    return %c0_i32, %c0_i32_0 : i32, i32
  }
  func.func @transform_9(%arg0: i32) -> (i32, i32) {
    %c0_i32 = arith.constant 0 : i32
    %c0_i32_0 = arith.constant 0 : i32
    %c0_i32_1 = arith.constant 0 : i32
    return %c0_i32, %c0_i32_0 : i32, i32
  }
  func.func @transform_10(%arg0: i32) -> (i32, i32) {
    %c0_i32 = arith.constant 0 : i32
    %c0_i32_0 = arith.constant 0 : i32
    %c0_i32_1 = arith.constant 0 : i32
    return %c0_i32, %c0_i32_0 : i32, i32
  }
  func.func @transform_11(%arg0: i32) -> (i32, i32) {
    %c0_i32 = arith.constant 0 : i32
    %c0_i32_0 = arith.constant 0 : i32
    %c0_i32_1 = arith.constant 0 : i32
    return %c0_i32, %c0_i32_0 : i32, i32
  }
  func.func @transform_12(%arg0: i32) -> (i32, i32) {
    %c0_i32 = arith.constant 0 : i32
    %c0_i32_0 = arith.constant 0 : i32
    %c0_i32_1 = arith.constant 0 : i32
    return %c0_i32, %c0_i32_0 : i32, i32
  }
  func.func @transform_13(%arg0: i32) -> (i32, i32) {
    %c0_i32 = arith.constant 0 : i32
    %c0_i32_0 = arith.constant 0 : i32
    %c0_i32_1 = arith.constant 0 : i32
    return %c0_i32, %c0_i32_0 : i32, i32
  }
  func.func @transform_14(%arg0: i32) -> (i32, i32) {
    %c0_i32 = arith.constant 0 : i32
    %c0_i32_0 = arith.constant 0 : i32
    return %arg0, %c0_i32 : i32, i32
  }
}

module attributes {stable_mosaic.version = 14 : i64} {
  func.func @_t5_body(%arg0: i32, %arg1: memref<1x1024x128xf32, #tpu.memory_space<vmem>>, %arg2: memref<1x1024x128xf32, #tpu.memory_space<vmem>>, %arg3: memref<1x1024x8xf32, #tpu.memory_space<vmem>>, %arg4: memref<1x1024x8xf32, #tpu.memory_space<vmem>>, %arg5: memref<128x128xf32, #tpu.memory_space<vmem>>, %arg6: memref<1x128xf32, #tpu.memory_space<vmem>>, %arg7: memref<128x128xf32, #tpu.memory_space<vmem>>, %arg8: memref<1x128xf32, #tpu.memory_space<vmem>>, %arg9: memref<128x40xf32, #tpu.memory_space<vmem>>, %arg10: memref<1x40xf32, #tpu.memory_space<vmem>>, %arg11: memref<1024x40xf32, #tpu.memory_space<vmem>>) attributes {dimension_semantics = [#tpu.dimension_semantics<arbitrary>], iteration_bounds = array<i64: 10>, scalar_prefetch = 0 : i64, scratch_operands = 0 : i64, tpu.core_type = #tpu.core_type<tc>, window_params = [{transform_indices = @transform_0, window_bounds = array<i64: 1, 1024, 128>}, {transform_indices = @transform_1, window_bounds = array<i64: 1, 1024, 128>}, {transform_indices = @transform_2, window_bounds = array<i64: 1, 1024, 8>}, {transform_indices = @transform_3, window_bounds = array<i64: 1, 1024, 8>}, {pipeline_mode = #tpu.pipeline_mode<synchronous>, transform_indices = @transform_4, window_bounds = array<i64: 128, 128>}, {pipeline_mode = #tpu.pipeline_mode<synchronous>, transform_indices = @transform_5, window_bounds = array<i64: 1, 128>}, {pipeline_mode = #tpu.pipeline_mode<synchronous>, transform_indices = @transform_6, window_bounds = array<i64: 128, 128>}, {pipeline_mode = #tpu.pipeline_mode<synchronous>, transform_indices = @transform_7, window_bounds = array<i64: 1, 128>}, {pipeline_mode = #tpu.pipeline_mode<synchronous>, transform_indices = @transform_8, window_bounds = array<i64: 128, 40>}, {pipeline_mode = #tpu.pipeline_mode<synchronous>, transform_indices = @transform_9, window_bounds = array<i64: 1, 40>}, {transform_indices = @transform_10, window_bounds = array<i64: 1024, 40>}]} {
    %get3A = arith.constant 0 : index
    %get3A_0 = arith.constant 0 : index
    %get3A_1 = arith.constant 0 : index
    %get3A_2 = vector.load %arg3[%get3A, %get3A_0, %get3A_1] : memref<1x1024x8xf32, #tpu.memory_space<vmem>>, vector<1x1024x8xf32>
    %get3A_3 = arith.constant 0 : index
    %get3A_4 = arith.constant 0 : index
    %get3A_5 = arith.constant 0 : index
    %get3A_6 = vector.load %arg4[%get3A_3, %get3A_4, %get3A_5] : memref<1x1024x8xf32, #tpu.memory_space<vmem>>, vector<1x1024x8xf32>
    %slice3A = vector.extract_strided_slice %get3A_2 {offsets = [0, 0, 0], sizes = [1, 1024, 1], strides = [1, 1, 1]} : vector<1x1024x8xf32> to vector<1x1024x1xf32>
    %squeeze3A = vector.shape_cast %slice3A : vector<1x1024x1xf32> to vector<1024x1xf32>
    %slice3A_7 = vector.extract_strided_slice %get3A_6 {offsets = [0, 0, 0], sizes = [1, 1024, 1], strides = [1, 1, 1]} : vector<1x1024x8xf32> to vector<1x1024x1xf32>
    %squeeze3A_8 = vector.shape_cast %slice3A_7 : vector<1x1024x1xf32> to vector<1024x1xf32>
    %add3A = arith.addf %squeeze3A, %squeeze3A_8 : vector<1024x1xf32>
    %add3A_9 = arith.constant 1.000000e+00 : f32
    %add3A_10 = vector.broadcast %add3A_9 : f32 to vector<1024x1xf32>
    %add3A_11 = arith.addf %add3A, %add3A_10 : vector<1024x1xf32>
    %rsqrt3A = math.rsqrt %add3A_11 : vector<1024x1xf32>
    %get3A_12 = arith.constant 0 : index
    %get3A_13 = arith.constant 0 : index
    %get3A_14 = arith.constant 0 : index
    %get3A_15 = vector.load %arg1[%get3A_12, %get3A_13, %get3A_14] : memref<1x1024x128xf32, #tpu.memory_space<vmem>>, vector<1x1024x128xf32>
    %get3A_16 = arith.constant 0 : index
    %get3A_17 = arith.constant 0 : index
    %get3A_18 = arith.constant 0 : index
    %get3A_19 = vector.load %arg2[%get3A_16, %get3A_17, %get3A_18] : memref<1x1024x128xf32, #tpu.memory_space<vmem>>, vector<1x1024x128xf32>
    %squeeze3A_20 = vector.shape_cast %get3A_15 : vector<1x1024x128xf32> to vector<1024x128xf32>
    %squeeze3A_21 = vector.shape_cast %get3A_19 : vector<1x1024x128xf32> to vector<1024x128xf32>
    %add3A_22 = arith.addf %squeeze3A_20, %squeeze3A_21 : vector<1024x128xf32>
    %mul3A = vector.broadcast %rsqrt3A : vector<1024x1xf32> to vector<1024x128xf32>
    %mul3A_23 = arith.mulf %add3A_22, %mul3A : vector<1024x128xf32>
    %get3A_24 = arith.constant 0 : index
    %get3A_25 = arith.constant 0 : index
    %get3A_26 = vector.load %arg5[%get3A_24, %get3A_25] : memref<128x128xf32, #tpu.memory_space<vmem>>, vector<128x128xf32>
    %dot_general3A = arith.constant dense<0.000000e+00> : vector<1024x128xf32>
    %dot_general3A_27 = tpu.matmul %mul3A_23, %get3A_26, %dot_general3A {dimension_numbers = #tpu.dot_dimension_numbers<[1], [0], [0], [1], [0, 0, 1, 1], [], []>, transpose_lhs_hint = false} : vector<1024x128xf32>, vector<128x128xf32>, vector<1024x128xf32> -> vector<1024x128xf32>
    %get3A_28 = arith.constant 0 : index
    %get3A_29 = arith.constant 0 : index
    %get3A_30 = vector.load %arg6[%get3A_28, %get3A_29] : memref<1x128xf32, #tpu.memory_space<vmem>>, vector<1x128xf32>
    %add3A_31 = vector.broadcast %get3A_30 : vector<1x128xf32> to vector<1024x128xf32>
    %add3A_32 = arith.addf %dot_general3A_27, %add3A_31 : vector<1024x128xf32>
    %max3A = arith.constant 0.000000e+00 : f32
    %max3A_33 = vector.broadcast %max3A : f32 to vector<1024x128xf32>
    %max3A_34 = arith.maximumf %add3A_32, %max3A_33 : vector<1024x128xf32>
    %get3A_35 = arith.constant 0 : index
    %get3A_36 = arith.constant 0 : index
    %get3A_37 = vector.load %arg7[%get3A_35, %get3A_36] : memref<128x128xf32, #tpu.memory_space<vmem>>, vector<128x128xf32>
    %dot_general3A_38 = arith.constant dense<0.000000e+00> : vector<1024x128xf32>
    %dot_general3A_39 = tpu.matmul %max3A_34, %get3A_37, %dot_general3A_38 {dimension_numbers = #tpu.dot_dimension_numbers<[1], [0], [0], [1], [0, 0, 1, 1], [], []>, transpose_lhs_hint = false} : vector<1024x128xf32>, vector<128x128xf32>, vector<1024x128xf32> -> vector<1024x128xf32>
    %get3A_40 = arith.constant 0 : index
    %get3A_41 = arith.constant 0 : index
    %get3A_42 = vector.load %arg8[%get3A_40, %get3A_41] : memref<1x128xf32, #tpu.memory_space<vmem>>, vector<1x128xf32>
    %add3A_43 = vector.broadcast %get3A_42 : vector<1x128xf32> to vector<1024x128xf32>
    %add3A_44 = arith.addf %dot_general3A_39, %add3A_43 : vector<1024x128xf32>
    %max3A_45 = arith.constant 0.000000e+00 : f32
    %max3A_46 = vector.broadcast %max3A_45 : f32 to vector<1024x128xf32>
    %max3A_47 = arith.maximumf %add3A_44, %max3A_46 : vector<1024x128xf32>
    %get3A_48 = arith.constant 0 : index
    %get3A_49 = arith.constant 0 : index
    %get3A_50 = vector.load %arg9[%get3A_48, %get3A_49] : memref<128x40xf32, #tpu.memory_space<vmem>>, vector<128x40xf32>
    %dot_general3A_51 = arith.constant dense<0.000000e+00> : vector<1024x40xf32>
    %dot_general3A_52 = tpu.matmul %max3A_47, %get3A_50, %dot_general3A_51 {dimension_numbers = #tpu.dot_dimension_numbers<[1], [0], [0], [1], [0, 0, 1, 1], [], []>, transpose_lhs_hint = false} : vector<1024x128xf32>, vector<128x40xf32>, vector<1024x40xf32> -> vector<1024x40xf32>
    %get3A_53 = arith.constant 0 : index
    %get3A_54 = arith.constant 0 : index
    %get3A_55 = vector.load %arg10[%get3A_53, %get3A_54] : memref<1x40xf32, #tpu.memory_space<vmem>>, vector<1x40xf32>
    %add3A_56 = vector.broadcast %get3A_55 : vector<1x40xf32> to vector<1024x40xf32>
    %add3A_57 = arith.addf %dot_general3A_52, %add3A_56 : vector<1024x40xf32>
    %swap3A = arith.constant 0 : index
    %swap3A_58 = arith.constant 0 : index
    %swap3A_59 = vector.load %arg11[%swap3A, %swap3A_58] : memref<1024x40xf32, #tpu.memory_space<vmem>>, vector<1024x40xf32>
    tpu.vector_store %arg11[%swap3A, %swap3A_58], %add3A_57 {strides = array<i32>} : memref<1024x40xf32, #tpu.memory_space<vmem>>, vector<1024x40xf32>,
    return
  }
  func.func @transform_0(%arg0: i32) -> (i32, i32, i32) {
    %c0_i32 = arith.constant 0 : i32
    %c0_i32_0 = arith.constant 0 : i32
    %c0_i32_1 = arith.constant 0 : i32
    return %c0_i32, %arg0, %c0_i32_0 : i32, i32, i32
  }
  func.func @transform_1(%arg0: i32) -> (i32, i32, i32) {
    %c1_i32 = arith.constant 1 : i32
    %c0_i32 = arith.constant 0 : i32
    %c0_i32_0 = arith.constant 0 : i32
    return %c1_i32, %arg0, %c0_i32 : i32, i32, i32
  }
  func.func @transform_2(%arg0: i32) -> (i32, i32, i32) {
    %c0_i32 = arith.constant 0 : i32
    %c0_i32_0 = arith.constant 0 : i32
    %c0_i32_1 = arith.constant 0 : i32
    return %c0_i32, %arg0, %c0_i32_0 : i32, i32, i32
  }
  func.func @transform_3(%arg0: i32) -> (i32, i32, i32) {
    %c1_i32 = arith.constant 1 : i32
    %c0_i32 = arith.constant 0 : i32
    %c0_i32_0 = arith.constant 0 : i32
    return %c1_i32, %arg0, %c0_i32 : i32, i32, i32
  }
  func.func @transform_4(%arg0: i32) -> (i32, i32) {
    %c0_i32 = arith.constant 0 : i32
    %c0_i32_0 = arith.constant 0 : i32
    %c0_i32_1 = arith.constant 0 : i32
    return %c0_i32, %c0_i32_0 : i32, i32
  }
  func.func @transform_5(%arg0: i32) -> (i32, i32) {
    %c0_i32 = arith.constant 0 : i32
    %c0_i32_0 = arith.constant 0 : i32
    %c0_i32_1 = arith.constant 0 : i32
    return %c0_i32, %c0_i32_0 : i32, i32
  }
  func.func @transform_6(%arg0: i32) -> (i32, i32) {
    %c0_i32 = arith.constant 0 : i32
    %c0_i32_0 = arith.constant 0 : i32
    %c0_i32_1 = arith.constant 0 : i32
    return %c0_i32, %c0_i32_0 : i32, i32
  }
  func.func @transform_7(%arg0: i32) -> (i32, i32) {
    %c0_i32 = arith.constant 0 : i32
    %c0_i32_0 = arith.constant 0 : i32
    %c0_i32_1 = arith.constant 0 : i32
    return %c0_i32, %c0_i32_0 : i32, i32
  }
  func.func @transform_8(%arg0: i32) -> (i32, i32) {
    %c0_i32 = arith.constant 0 : i32
    %c0_i32_0 = arith.constant 0 : i32
    %c0_i32_1 = arith.constant 0 : i32
    return %c0_i32, %c0_i32_0 : i32, i32
  }
  func.func @transform_9(%arg0: i32) -> (i32, i32) {
    %c0_i32 = arith.constant 0 : i32
    %c0_i32_0 = arith.constant 0 : i32
    %c0_i32_1 = arith.constant 0 : i32
    return %c0_i32, %c0_i32_0 : i32, i32
  }
  func.func @transform_10(%arg0: i32) -> (i32, i32) {
    %c0_i32 = arith.constant 0 : i32
    %c0_i32_0 = arith.constant 0 : i32
    return %arg0, %c0_i32 : i32, i32
  }
}

</mosaic_0001>

<sc_bundles>
// kernel: kernel.12.cloned.1.call-start
scs
__scs_entry_jumppad:
0x0: {  	(pc) =	sbr.rel $0x88, $3  }
0x1: {  	(tag) =	ssettag $0x0;
	lr =	simm.s32 $0x1  }
0x2: {  	[smem:$0x3F8E] =	sst lr;
	_ =	strace $0xD0000000  }
0x3: {  	_ = 	snop  }
0x4: {  	_ = 	snop  }
0x5: {  	_ = 	snop  }
0x6: {  	_ = 	snop  }
0x7: {  	_ = 	snop  }
__scs_overlays_trampoline_lowered:
0x8: {  	[smem:$0x3F9D] =	sst s0  }
0x9: {  	[smem:$0x3F9E] =	sst s1  }
0xa: {  	[smem:$0x3F9F] =	sst s2  }
0xb: {  	[smem:$0x3FA0] =	sst s3  }
0xc: {  	[smem:$0x3FA1] =	sst s4  }
0xd: {  	[smem:$0x3FA2] =	sst s5  }
0xe: {  	[smem:$0x3FA3] =	sst s6  }
0xf: {  	[smem:$0x3FA4] =	sst s7  }
0x10: {  	[smem:$0x3FA5] =	sst s8  }
0x11: {  	[smem:$0x3FA6] =	sst s9;
	s0 =	simm.s32 @!p0 $0x0  }
0x12: {  	s1 =	sld [smem:$0x3F8C];
	s0 =	simm.s32 @p0 $0x1  }
0x13: {  	[smem:$0x3FA7] =	sst s0;
	s0 =	simm.s32 @!p1 $0x0  }
0x14: {  	s2 =	sld [smem:$0x3F8B];
	s0 =	simm.s32 @p1 $0x1  }
0x15: {  	[smem:$0x3FA8] =	sst s0;
	s0 =	simm.s32 @!p2 $0x0  }
0x16: {  	s3 =	sld [smem:$0x3FDB];
	s0 =	simm.s32 @p2 $0x1  }
0x17: {  	s4 =	simm.s32 $0x1BF5;
	[smem:$0x3FAA] =	sst s0  }
0x18: {  	s0 =	sld [smem:$0x3F8D];
	_ =	swait.ge [sflag:s4], $0x0  }
0x19: {  	s7 =	sld [smem:$0x3F8E]  }
0x1a: {  	s8 =	sadd.s32 $0xFFFFE003, lr  }
0x1b: {  	s9 =	sadd.s32 $0xFFFFFEF7, lr;
	s5 =	simm.s32 $0xFFFFFFFF;
	p2 =	slt.u32 s8, $0xFFFFF086  }
0x1c: {  	p1 =	slt.u32 s9, $0xF7A;
	s5 =	simm.s32 @!p2 $0x0  }
0x1d: {  	s5 =	simm.s32 @p1 $0x1;
	p0 =	seq.s32 s7, s2  }
0x1e: {  	s7 =	smul.u32 @!p0 $0xF7A, s2;
	p2 =	seq.s32 @!p0 s5, $0x0  }
0x1f: {  	s9 =	smul.u32 $0xF7A, s1;
	s8 =	simm.s32 @!p0 $0x1BF5;
	p2 =	por !p2, p0  }
0x20: {  	[sflag:s8] =	ssyncset.s32 @!p0 $0xFFFFF086;
	s6 =	sadd.s32 @!p0 s3, s7;
	s7 =	simm.s32 @!p0 $0x108  }
0x21: {  	s3 =	sadd.s32 s3, s9;
	s6 =	sadd.s32 @!p0 $0x88, s6;
	s7 =	simm.s32 @p2 $0x1082  }
0x22: {  	[simem:s7], [sflag:s8] =	dma.local @!p0 [hbm:s6], $0xF7A  }
0x23: {  	s9 =	sor.u32 $0xD0000000, s2;
	s6 =	simm.s32 $0x108;
	_ =	swait.ge @!p0 [sflag:s8], $0x0  }
0x24: {  	s3 =	sadd.s32 $0x88, s3;
	s6 =	simm.s32 @!p1 $0x1082;
	[sflag:s4] =	ssyncset.s32 $0xFFFFF086  }
0x25: {  	[simem:s6], [sflag:s4] =	dma.local [hbm:s3], $0xF7A  }
0x26: {  	[smem:$0x3F8E] =	sst s1;
	(tag) =	ssettag s2;
	_ =	strace s9  }
0x27: {  	s1 =	sld [smem:$0x3F9E]  }
0x28: {  	s2 =	sld [smem:$0x3F9F]  }
0x29: {  	s4 =	sld [smem:$0x3FA1]  }
0x2a: {  	p0 =	seq.s32 s5, $0x0;
	s5 =	sld [smem:$0x3FA2]  }
0x2b: {  	s6 =	sld [smem:$0x3FA3]  }
0x2c: {  	s7 =	sld [smem:$0x3FA4]  }
0x2d: {  	s3 =	simm.s32 $0x108;
	s8 =	sld [smem:$0x3FA5]  }
0x2e: {  	s3 =	simm.s32 @!p0 $0x1082;
	s9 =	sld [smem:$0x3FA6]  }
0x2f: {  	lr =	sadd.s32 s0, s3;
	s0 =	sld [smem:$0x3F9D]  }
0x30: {  	s3 =	sld [smem:$0x3FA0]  }
0x31: {  	[smem:$0x3FA9] =	sst s10  }
0x32: {  	s10 =	sld [smem:$0x3FA7];
	_ =	sdelay $0x3  }
0x33: {  	p0 =	seq.s32 s10, $0x1;
	s10 =	sld [smem:$0x3FA9];
	_ =	sdelay $0x3  }
0x34: {  	[smem:$0x3FA9] =	sst s10  }
0x35: {  	s10 =	sld [smem:$0x3FA8];
	_ =	sdelay $0x3  }
0x36: {  	p1 =	seq.s32 s10, $0x1;
	s10 =	sld [smem:$0x3FA9];
	_ =	sdelay $0x3  }
0x37: {  	[smem:$0x3FA9] =	sst s10  }
0x38: {  	s10 =	sld [smem:$0x3FAA]  }
0x39: {  	_ = 	snop;
	(pc) =	sbr.ind lr, $3  }
0x3a: {  	_ = 	snop  }
0x3b: {  	_ = 	snop  }
0x3c: {  	p2 =	seq.s32 s10, $0x1;
	s10 =	sld [smem:$0x3FA9]  }
0x3d: {  	_ =	shalt  }
0x3e: {  	_ =	shalt  }
0x3f: {  	_ =	shalt  }
0x40: {  	_ =	shalt  }
0x41: {  	_ =	shalt  }
0x42: {  	_ =	shalt  }
0x43: {  	_ =	shalt  }
0x44: {  	_ =	shalt  }
0x45: {  	_ =	shalt  }
0x46: {  	_ =	shalt  }
0x47: {  	_ =	shalt  }
0x48: {  	_ =	shalt  }
0x49: {  	_ =	shalt  }
0x4a: {  	_ =	shalt  }
0x4b: {  	_ =	shalt  }
0x4c: {  	_ =	shalt  }
0x4d: {  	_ =	shalt  }
0x4e: {  	_ =	shalt  }
0x4f: {  	_ =	shalt  }
0x50: {  	_ =	shalt  }
0x51: {  	_ =	shalt  }
0x52: {  	_ =	shalt  }
0x53: {  	_ =	shalt  }
0x54: {  	_ =	shalt  }
0x55: {  	_ =	shalt  }
0x56: {  	_ =	shalt  }
0x57: {  	_ =	shalt  }
0x58: {  	_ =	shalt  }
0x59: {  	_ =	shalt  }
0x5a: {  	_ =	shalt  }
0x5b: {  	_ =	shalt  }
0x5c: {  	_ =	shalt  }
0x5d: {  	_ =	shalt  }
0x5e: {  	_ =	shalt  }
0x5f: {  	_ =	shalt  }
0x60: {  	_ =	shalt  }
0x61: {  	_ =	shalt  }
0x62: {  	_ =	shalt  }
0x63: {  	_ =	shalt  }
0x64: {  	_ =	shalt  }
0x65: {  	_ =	shalt  }
0x66: {  	_ =	shalt  }
0x67: {  	_ =	shalt  }
0x68: {  	_ =	shalt  }
0x69: {  	_ =	shalt  }
0x6a: {  	_ =	shalt  }
0x6b: {  	_ =	shalt  }
0x6c: {  	_ =	shalt  }
0x6d: {  	_ =	shalt  }
0x6e: {  	_ =	shalt  }
0x6f: {  	_ =	shalt  }
0x70: {  	_ =	shalt  }
0x71: {  	_ =	shalt  }
0x72: {  	_ =	shalt  }
0x73: {  	_ =	shalt  }
0x74: {  	_ =	shalt  }
0x75: {  	_ =	shalt  }
0x76: {  	_ =	shalt  }
0x77: {  	_ =	shalt  }
0x78: {  	_ =	shalt  }
0x79: {  	_ =	shalt  }
0x7a: {  	_ =	shalt  }
0x7b: {  	_ =	shalt  }
0x7c: {  	_ =	shalt  }
0x7d: {  	_ =	shalt  }
0x7e: {  	_ =	shalt  }
0x7f: {  	_ =	shalt  }
0x80: {  	_ =	shalt  }
0x81: {  	_ =	shalt  }
0x82: {  	_ =	shalt  }
0x83: {  	_ =	shalt  }
0x84: {  	_ =	shalt  }
0x85: {  	_ =	shalt  }
0x86: {  	_ =	shalt  }
0x87: {  	_ =	shalt  }
.Lfunc_end0:
.L_simem_size_0:
called_computation_lowered:
.L_overlay_start_0:
0x88: {  	s2 =	sld [smem:$0x3FD9]  }
0x89: {  	s3 =	sld [smem:$0x3FFE];
	_ =	sdelay $0x1  }
0x8a: {  	s1 =	srdreg.scid  }
0x8b: {  	s0 =	sand.u32 $0x1, s1  }
0x8c: {  	s16 =	sshll.u32 s0, $0xA;
	s2 =	sadd.s32 s3, s2  }
0x8d: {  	s2 =	sadd.s32 s2, s16  }
0x8e: {  	[smem:$0x3FB5] =	sst s2  }
0x8f: {  	_ = 	snop  }
0x90: {  	(tm) =	ssettm $0x1  }
0x91: {  	s17 =	sld [smem:$0x3FFB];
	_ =	sdelay $0x3  }
0x92: {  	_ =	strace s17  }
0x93: {  	s2 =	sld [smem:$0x3FFC];
	_ =	sdelay $0x3  }
0x94: {  	_ =	strace s2  }
0x95: {  	s2 =	sld [smem:$0x3FFD];
	_ =	sdelay $0x3  }
0x96: {  	_ =	strace s2  }
0x97: {  	_ =	strace $0x8FFFFFFF  }
0x98: {  	s18 =	sld [smem:$0x3FDB];
	_ =	sdelay $0x1  }
0x99: {  	s19 =	simm.s32 $_scs_section_size  }
0x9a: {  	s4 =	simm.s32 $_size__tile_overlayer_lowered;
	s5 =	simm.s32 $_tile_overlayer_lowered  }
0x9b: {  	s22 =	simm.s32 $0x1BFF;
	s21 =	sshll.u32 s5, $0x1;
	s2 =	sadd.s32 s19, s18  }
0x9c: {  	s6 =	simm.s32 $0x0;
	s20 =	sshll.u32 s4, $0x1;
	s4 =	sadd.s32 s21, s2  }
0x9d: {  	[timem:s6], [sflag:s22] =	dma.local [hbm:s4], s20  }
0x9e: {  	_ =	swait.ge [sflag:s22], s20  }
0x9f: {  	s3 =	ssub.s32 $0x0, s20;
	[sflag:s22] =	ssyncset.done $0x0  }
0xa0: {  	[sflag:s22] =	ssyncadd.s32 s3;
	_ =	sdelay $0x1  }
0xa1: {  	s23 =	simm.s32 $0x1B8B  }
0xa2: {  	_ =	swait.ge [sflag:s23], $0x1  }
0xa3: {  	[sflag:s23] =	ssyncset.done $0x0  }
0xa4: {  	s25 =	simm.s32 $0x1B8E;
	s24 =	sld [smem:$0x3FFE];
	[sflag:s23] =	ssyncadd.s32 $0xFFFFFFFF  }
0xa5: {  	s26 =	simm.s32 $execute0_lowered;
	[smem:$0x3FD2] =	sst s25  }
0xa6: {  	s4 =	sshll.u32 s26, $0x1;
	_ =	strace $0x80000046;
	[dreg:$0x1] =	wrdreg $0xFFFFFFFF  }
0xa7: {  	s28 =	simm.s32 $_size_execute0_lowered;
	s2 =	sadd.s32 s2, s4;
	[dreg:$0x0] =	wrdreg $0x0  }
0xa8: {  	s4 =	sshll.u32 s28, $0x1;
	[dreg:$0x2] =	wrdreg s2  }
0xa9: {  	[dreg:$0x3] =	wrdreg s4  }
0xaa: {  	[dreg:$0x4] =	wrdreg $0xC0  }
0xab: {  	_ =	task [dreg:s6], $0x5FFFF  }
0xac: {  	[dreg:$0x1] =	wrdreg $0xFFFFFFFF  }
0xad: {  	[dreg:$0x0] =	wrdreg $0x60  }
0xae: {  	[dreg:$0x2] =	wrdreg s24  }
0xaf: {  	[dreg:$0x3] =	wrdreg $0x0  }
0xb0: {  	[dreg:$0x4] =	wrdreg $0x9  }
0xb1: {  	_ =	task.clear_ibuf [dreg:s6], $0x5FFFF;
	_ =	strace $0x90000046  }
0xb2: {  	s29 =	simm.s32 $0x9;
	_ =	strace $0x80000048  }
0xb3: {  	_ =	swait.ge [sflag:s29], $0x1  }
0xb4: {  	[sflag:s29] =	ssyncadd.s32 $0xFFFFFFFF  }
0xb5: {  	_ =	strace $0x90000048  }
0xb6: {  	_ =	sfence  }
0xb7: {  	s30 =	sld [smem:$0x0];
	_ =	sdelay $0x2  }
0xb8: {  	s31 =	sshll.u32 s1, $0xD;
	s1 =	sshrl.u32 s1, $0x2  }
0xb9: {  	s3 =	sand.u32 $0x4000, s31;
	s1 =	sadd.s32 s1, s30  }
0xba: {  	s0 =	sor.u32 s3, s0;
	s1 =	sshll.u32 s1, $0x11  }
0xbb: {  	s0 =	sor.u32 s1, s0  }
0xbc: {  	s0 =	sadd.s32 $0x8F2B, s0  }
0xbd: {  	[sflag:s0] =	ssyncadd.remote.s32 $0x1  }
0xbe: {  	_ =	sfence.sel $0xFFFF  }
0xbf: {  	[dreg:$0x0] =	wrdreg $0xFFFFFFFF;
	(pc) =	sbr.abs _section_cstart, $3  }
0xc0: {  	[dreg:$0x1] =	wrdreg $0xFFFFFFFF  }
0xc1: {  	_ =	task.clear_ibuf [dreg:s6], $0x2FFFF;
	_ =	strace $0x9FFFFFFF  }
0xc2: {  	(tm) =	ssettm $0x7FFFFFFF  }
0xc3: {  	_ =	shalt  }
tec
execute0_lowered:
.L_overlay_start_1:
0x0: {  	(tag) =	ssettag $0x1  }
0x1: {  	s1 =	srdreg.scid;
	s6 =	rddreg [dreg:$0x0]  }
0x2: {  	s0 =	stileid.u32;
	s2 =	rddreg [dreg:$0x1];
	s3 =	simm.s32 $0x0  }
0x3: {  	s13 =	simm.s32 $0x16800;
	s14 =	simm.s32 $0x80;
	s15 =	simm.s32 $0x14080  }
0x4: {  	s16 =	simm.s32 $0x14100;
	s17 =	simm.s32 $0x14180;
	s18 =	simm.s32 $0x1  }
0x5: {  	s19 =	simm.s32 $0x0;
	s5 =	sand.u32 $0x1, s1;
	s8 =	smul.u32 $0x14000, s0  }
0x6: {  	s26 =	sshll.u32 s0, $0x1;
	[smem:$0x7FF] =	sst s3;
	s10 =	smul.u32 $0x50000, s0  }
0x7: {  	s31 =	sshll.u32 s0, $0x6;
	s1 =	sor.u32 s5, s26;
	s7 =	smul.u32 $0x140000, s5  }
0x8: {  	s28 =	ssub.s32 $0x2, s5;
	s5 =	sadd.s32 $0xE800, s6;
	s4 =	smul.u32 $0x500, s1  }
0x9: {  	s1 =	rddreg [dreg:$0x2];
	_ =	strace $0x80000047;
	s29 =	sshrl.u32 s28, $0x1  }
0xa: {  	s30 =	sshrl.u32 s10, $0x2;
	s7 =	sadd.s32 s8, s7;
	s12 =	ssub.s32 s28, s29  }
0xb: {  	s10 =	sadd.s32 s30, s2;
	s9 =	sadd.s32 s4, s6;
	s7 =	sshrl.u32 s7, $0x3  }
0xc: {  	s4 =	sadd.s32 $0x11000, s6;
	s10 =	sshrl.u32 s10, $0x3;
	s11 =	sadd.s32 s7, s6  }
0xd: {  	s6 =	sor.u32 $0x1C02, s31;
	s7 =	sadd.s32 $0x4800, s9;
	s9 =	smax.u32 s12, $0x1  }
0xe: {  	s12 =	simm.s32 $0x14000;
	s8 =	sadd.s32 $0x11800, s11;
	s11 =	simm.s32 $0x2  }
.LBB2_1:
0xf: {  	[spmem:s10], [sflag:s6] =	dma.local [hbm:s5], $0x2800  }
0x10: {  	_ =	swait.ge [sflag:s11], $0x2800  }
0x11: {  	[sflag:s11] =	ssyncset.done $0x0  }
0x12: {  	[sflag:s11] =	ssyncadd.s32 $0xFFFFD800  }
0x13: {  	[tilespmem:s12], [sflag:$0x2] =	stream.linear.gather [hbm4b:s7+s3], $0x2800, $0x38;
	[tilespmem:$0x1A800] =	vst v63  }
0x14: {  	_ =	swait.ge [sflag:s11], $0x2800  }
0x15: {  	[sflag:s11] =	ssyncset.done $0x0  }
0x16: {  	[sflag:s11] =	ssyncadd.s32 $0xFFFFD800  }
0x17: {  	[tilespmem:s13], [sflag:$0x2] =	stream.linear.gather [hbm4b:s4+s3], $0x4000, $0x38;
	[tilespmem:$0x1A800] =	vst v63  }
0x18: {  	_ =	swait.ge [sflag:s11], $0x4000  }
0x19: {  	[sflag:s11] =	ssyncset.done $0x0  }
0x1a: {  	[sflag:s11] =	ssyncadd.s32 $0xFFFFC000  }
0x1b: {  	[bflag:$0x0] =	sbarrier.arrive $0xFFFF  }
0x1c: {  	[spmem:s2] =	stream.indirect.scatter.add.f32 [tilespmem:s13], [sflag:$0x1], $0x80, s12, s14, $0xb8;
	[tilespmem:$0x1A800] =	vst v63  }
0x1d: {  	_ = 	snop  }
0x1e: {  	[spmem:s2] =	stream.indirect.scatter.add.f32 [tilespmem:s13], [sflag:$0x1], $0x80, s15, s14, $0xb8;
	[tilespmem:$0x1A800] =	vst v63  }
0x1f: {  	_ = 	snop  }
0x20: {  	[spmem:s2] =	stream.indirect.scatter.add.f32 [tilespmem:s13], [sflag:$0x1], $0x80, s16, s14, $0xb8;
	[tilespmem:$0x1A800] =	vst v63  }
0x21: {  	_ = 	snop  }
0x22: {  	[spmem:s2] =	stream.indirect.scatter.add.f32 [tilespmem:s13], [sflag:$0x1], $0x80, s17, s14, $0xb8;
	[tilespmem:$0x1A800] =	vst v63  }
0x23: {  	s20 =	simm.s32 $0x14200  }
0x24: {  	[spmem:s2] =	stream.indirect.scatter.add.f32 [tilespmem:s13], [sflag:$0x1], $0x80, s20, s14, $0xb8;
	[tilespmem:$0x1A800] =	vst v63  }
0x25: {  	s20 =	simm.s32 $0xA00;
	_ =	swait.ge [sflag:s18], $0x4000  }
.LBB2_2:
0x26: {  	s21 =	sshra.s32 s20, $0x2;
	[sflag:s18] =	ssyncset.done $0x0;
	p0 =	sne.s32 s20, $0x9E00  }
.Ltmp0:
0x27: {  	s21 =	sadd.s32 $0x14000, s21;
	[sflag:s18] =	ssyncadd.s32 $0xFFFFC000;
	(pc) =	sbr.rel @p0 .LBB2_2-.Ltmp0, $3  }
0x28: {  	[spmem:s2] =	stream.indirect.scatter.add.f32 [tilespmem:s13], [sflag:$0x1], $0x80, s21, s14, $0xb8;
	[tilespmem:$0x1A800] =	vst v63  }
0x29: {  	s20 =	sadd.s32 $0x200, s20;
	_ =	sdelay $0x1  }
0x2a: {  	_ =	swait.ge [sflag:s18], $0x4000  }
0x2b: {  	[sflag:s18] =	ssyncset.done $0x0  }
0x2c: {  	[sflag:s18] =	ssyncadd.s32 $0xFFFFC000  }
0x2d: {  	_ =	swait.ge [sflag:s18], $0x4000  }
0x2e: {  	[sflag:s18] =	ssyncset.done $0x0  }
0x2f: {  	[sflag:s18] =	ssyncadd.s32 $0xFFFFC000  }
0x30: {  	_ =	swait.ge [sflag:s18], $0x4000  }
0x31: {  	[sflag:s18] =	ssyncset.done $0x0  }
0x32: {  	[sflag:s18] =	ssyncadd.s32 $0xFFFFC000  }
0x33: {  	_ =	swait.ge [sflag:s18], $0x4000  }
0x34: {  	[sflag:s18] =	ssyncset.done $0x0  }
0x35: {  	[sflag:s18] =	ssyncadd.s32 $0xFFFFC000  }
0x36: {  	_ =	swait.ge [sflag:s18], $0x4000  }
0x37: {  	s19 =	sadd.s32 $0x1, s19;
	[sflag:s18] =	ssyncset.done $0x0  }
0x38: {  	p0 =	sne.s32 s19, s9;
	[sflag:s18] =	ssyncadd.s32 $0xFFFFC000  }
.Ltmp1:
0x39: {  	[bflag:$0x0] =	sbarrier.arrive $0xFFFF;
	(pc) =	sbr.rel @p0 .LBB2_1-.Ltmp1, $4  }
0x3a: {  	[hbm:s8], [sflag:s6] =	dma.local [spmem:s10], $0x2800  }
0x3b: {  	_ =	swait.ge [sflag:s11], $0x2800  }
0x3c: {  	[sflag:s11] =	ssyncset.done $0x0  }
0x3d: {  	[sflag:s11] =	ssyncadd.s32 $0xFFFFD800  }
0x3e: {  	_ =	sfence.sel $0x180000  }
0x3f: {  	[bflag:$0x0] =	sbarrier.arrive $0xFFFF  }
0x40: {  	p0 =	sne.s32 s0, $0x0;
	_ =	strace $0x90000047  }
0x41: {  	s0 =	sadd.s32 @!p0 $0x100000, s1;
	[bflag:$0x2] =	sbarrier.arrive $0xFFFF  }
0x42: {  	[sflag:s0] =	ssyncadd.tile.s32 @!p0 $0x1;
	_ =	shalt  }
.Lfunc_end2:
_tile_overlayer_lowered:
.L_overlay_start_2:
0x43: {  	(tag) =	ssettag $0x2  }
0x44: {  	s0 =	rddreg [dreg:$0x0];
	s2 =	stileid.u32  }
0x45: {  	s1 =	rddreg [dreg:$0x1];
	p0 =	sne.s32 s2, $0x0  }
0x46: {  	s3 =	rddreg [dreg:$0x2];
	[bflag:$0x3] =	sbarrier.arrive $0xFFFF;
	s2 =	simm.s32 @!p0 $0x1C02  }
0x47: {  	[timem:s3], [sflag:s2] =	dma.local @!p0 [hbm:s0], s1  }
0x48: {  	s0 =	simm.s32 @!p0 $0x2  }
0x49: {  	_ =	swait.ge @!p0 [sflag:s0], s1  }
0x4a: {  	s1 =	ssub.s32 @!p0 $0x0, s1;
	[sflag:s0] =	ssyncset.done @!p0 $0x0  }
0x4b: {  	[sflag:s0] =	ssyncadd.s32 @!p0 s1  }
0x4c: {  	[bflag:$0x3] =	sbarrier.arrive $0xFFFF  }
0x4d: {  	_ =	shalt  }

// kernel: kernel.15.cloned.1.call-start
scs
__scs_entry_jumppad:
0x0: {  	(pc) =	sbr.rel $0x88, $3  }
0x1: {  	(tag) =	ssettag $0x0;
	lr =	simm.s32 $0x1  }
0x2: {  	[smem:$0x3F8E] =	sst lr;
	_ =	strace $0xD0000000  }
0x3: {  	_ = 	snop  }
0x4: {  	_ = 	snop  }
0x5: {  	_ = 	snop  }
0x6: {  	_ = 	snop  }
0x7: {  	_ = 	snop  }
__scs_overlays_trampoline_lowered:
0x8: {  	[smem:$0x3F9D] =	sst s0  }
0x9: {  	[smem:$0x3F9E] =	sst s1  }
0xa: {  	[smem:$0x3F9F] =	sst s2  }
0xb: {  	[smem:$0x3FA0] =	sst s3  }
0xc: {  	[smem:$0x3FA1] =	sst s4  }
0xd: {  	[smem:$0x3FA2] =	sst s5  }
0xe: {  	[smem:$0x3FA3] =	sst s6  }
0xf: {  	[smem:$0x3FA4] =	sst s7  }
0x10: {  	[smem:$0x3FA5] =	sst s8  }
0x11: {  	[smem:$0x3FA6] =	sst s9;
	s0 =	simm.s32 @!p0 $0x0  }
0x12: {  	s1 =	sld [smem:$0x3F8C];
	s0 =	simm.s32 @p0 $0x1  }
0x13: {  	[smem:$0x3FA7] =	sst s0;
	s0 =	simm.s32 @!p1 $0x0  }
0x14: {  	s2 =	sld [smem:$0x3F8B];
	s0 =	simm.s32 @p1 $0x1  }
0x15: {  	[smem:$0x3FA8] =	sst s0;
	s0 =	simm.s32 @!p2 $0x0  }
0x16: {  	s3 =	sld [smem:$0x3FDB];
	s0 =	simm.s32 @p2 $0x1  }
0x17: {  	s4 =	simm.s32 $0x1BF5;
	[smem:$0x3FAA] =	sst s0  }
0x18: {  	s0 =	sld [smem:$0x3F8D];
	_ =	swait.ge [sflag:s4], $0x0  }
0x19: {  	s7 =	sld [smem:$0x3F8E]  }
0x1a: {  	s8 =	sadd.s32 $0xFFFFE003, lr  }
0x1b: {  	s9 =	sadd.s32 $0xFFFFFEF7, lr;
	s5 =	simm.s32 $0xFFFFFFFF;
	p2 =	slt.u32 s8, $0xFFFFF086  }
0x1c: {  	p1 =	slt.u32 s9, $0xF7A;
	s5 =	simm.s32 @!p2 $0x0  }
0x1d: {  	s5 =	simm.s32 @p1 $0x1;
	p0 =	seq.s32 s7, s2  }
0x1e: {  	s7 =	smul.u32 @!p0 $0xF7A, s2;
	p2 =	seq.s32 @!p0 s5, $0x0  }
0x1f: {  	s9 =	smul.u32 $0xF7A, s1;
	s8 =	simm.s32 @!p0 $0x1BF5;
	p2 =	por !p2, p0  }
0x20: {  	[sflag:s8] =	ssyncset.s32 @!p0 $0xFFFFF086;
	s6 =	sadd.s32 @!p0 s3, s7;
	s7 =	simm.s32 @!p0 $0x108  }
0x21: {  	s3 =	sadd.s32 s3, s9;
	s6 =	sadd.s32 @!p0 $0x88, s6;
	s7 =	simm.s32 @p2 $0x1082  }
0x22: {  	[simem:s7], [sflag:s8] =	dma.local @!p0 [hbm:s6], $0xF7A  }
0x23: {  	s9 =	sor.u32 $0xD0000000, s2;
	s6 =	simm.s32 $0x108;
	_ =	swait.ge @!p0 [sflag:s8], $0x0  }
0x24: {  	s3 =	sadd.s32 $0x88, s3;
	s6 =	simm.s32 @!p1 $0x1082;
	[sflag:s4] =	ssyncset.s32 $0xFFFFF086  }
0x25: {  	[simem:s6], [sflag:s4] =	dma.local [hbm:s3], $0xF7A  }
0x26: {  	[smem:$0x3F8E] =	sst s1;
	(tag) =	ssettag s2;
	_ =	strace s9  }
0x27: {  	s1 =	sld [smem:$0x3F9E]  }
0x28: {  	s2 =	sld [smem:$0x3F9F]  }
0x29: {  	s4 =	sld [smem:$0x3FA1]  }
0x2a: {  	p0 =	seq.s32 s5, $0x0;
	s5 =	sld [smem:$0x3FA2]  }
0x2b: {  	s6 =	sld [smem:$0x3FA3]  }
0x2c: {  	s7 =	sld [smem:$0x3FA4]  }
0x2d: {  	s3 =	simm.s32 $0x108;
	s8 =	sld [smem:$0x3FA5]  }
0x2e: {  	s3 =	simm.s32 @!p0 $0x1082;
	s9 =	sld [smem:$0x3FA6]  }
0x2f: {  	lr =	sadd.s32 s0, s3;
	s0 =	sld [smem:$0x3F9D]  }
0x30: {  	s3 =	sld [smem:$0x3FA0]  }
0x31: {  	[smem:$0x3FA9] =	sst s10  }
0x32: {  	s10 =	sld [smem:$0x3FA7];
	_ =	sdelay $0x3  }
0x33: {  	p0 =	seq.s32 s10, $0x1;
	s10 =	sld [smem:$0x3FA9];
	_ =	sdelay $0x3  }
0x34: {  	[smem:$0x3FA9] =	sst s10  }
0x35: {  	s10 =	sld [smem:$0x3FA8];
	_ =	sdelay $0x3  }
0x36: {  	p1 =	seq.s32 s10, $0x1;
	s10 =	sld [smem:$0x3FA9];
	_ =	sdelay $0x3  }
0x37: {  	[smem:$0x3FA9] =	sst s10  }
0x38: {  	s10 =	sld [smem:$0x3FAA]  }
0x39: {  	_ = 	snop;
	(pc) =	sbr.ind lr, $3  }
0x3a: {  	_ = 	snop  }
0x3b: {  	_ = 	snop  }
0x3c: {  	p2 =	seq.s32 s10, $0x1;
	s10 =	sld [smem:$0x3FA9]  }
0x3d: {  	_ =	shalt  }
0x3e: {  	_ =	shalt  }
0x3f: {  	_ =	shalt  }
0x40: {  	_ =	shalt  }
0x41: {  	_ =	shalt  }
0x42: {  	_ =	shalt  }
0x43: {  	_ =	shalt  }
0x44: {  	_ =	shalt  }
0x45: {  	_ =	shalt  }
0x46: {  	_ =	shalt  }
0x47: {  	_ =	shalt  }
0x48: {  	_ =	shalt  }
0x49: {  	_ =	shalt  }
0x4a: {  	_ =	shalt  }
0x4b: {  	_ =	shalt  }
0x4c: {  	_ =	shalt  }
0x4d: {  	_ =	shalt  }
0x4e: {  	_ =	shalt  }
0x4f: {  	_ =	shalt  }
0x50: {  	_ =	shalt  }
0x51: {  	_ =	shalt  }
0x52: {  	_ =	shalt  }
0x53: {  	_ =	shalt  }
0x54: {  	_ =	shalt  }
0x55: {  	_ =	shalt  }
0x56: {  	_ =	shalt  }
0x57: {  	_ =	shalt  }
0x58: {  	_ =	shalt  }
0x59: {  	_ =	shalt  }
0x5a: {  	_ =	shalt  }
0x5b: {  	_ =	shalt  }
0x5c: {  	_ =	shalt  }
0x5d: {  	_ =	shalt  }
0x5e: {  	_ =	shalt  }
0x5f: {  	_ =	shalt  }
0x60: {  	_ =	shalt  }
0x61: {  	_ =	shalt  }
0x62: {  	_ =	shalt  }
0x63: {  	_ =	shalt  }
0x64: {  	_ =	shalt  }
0x65: {  	_ =	shalt  }
0x66: {  	_ =	shalt  }
0x67: {  	_ =	shalt  }
0x68: {  	_ =	shalt  }
0x69: {  	_ =	shalt  }
0x6a: {  	_ =	shalt  }
0x6b: {  	_ =	shalt  }
0x6c: {  	_ =	shalt  }
0x6d: {  	_ =	shalt  }
0x6e: {  	_ =	shalt  }
0x6f: {  	_ =	shalt  }
0x70: {  	_ =	shalt  }
0x71: {  	_ =	shalt  }
0x72: {  	_ =	shalt  }
0x73: {  	_ =	shalt  }
0x74: {  	_ =	shalt  }
0x75: {  	_ =	shalt  }
0x76: {  	_ =	shalt  }
0x77: {  	_ =	shalt  }
0x78: {  	_ =	shalt  }
0x79: {  	_ =	shalt  }
0x7a: {  	_ =	shalt  }
0x7b: {  	_ =	shalt  }
0x7c: {  	_ =	shalt  }
0x7d: {  	_ =	shalt  }
0x7e: {  	_ =	shalt  }
0x7f: {  	_ =	shalt  }
0x80: {  	_ =	shalt  }
0x81: {  	_ =	shalt  }
0x82: {  	_ =	shalt  }
0x83: {  	_ =	shalt  }
0x84: {  	_ =	shalt  }
0x85: {  	_ =	shalt  }
0x86: {  	_ =	shalt  }
0x87: {  	_ =	shalt  }
.Lfunc_end0:
.L_simem_size_0:
called_computation.1_lowered:
.L_overlay_start_0:
0x88: {  	s2 =	sld [smem:$0x3FD9]  }
0x89: {  	s3 =	sld [smem:$0x3FFE];
	_ =	sdelay $0x1  }
0x8a: {  	s1 =	srdreg.scid  }
0x8b: {  	s0 =	sand.u32 $0x1, s1  }
0x8c: {  	s17 =	sshll.u32 s0, $0xA;
	s2 =	sadd.s32 s3, s2  }
0x8d: {  	s2 =	sadd.s32 s2, s17  }
0x8e: {  	[smem:$0x3FB5] =	sst s2  }
0x8f: {  	_ = 	snop  }
0x90: {  	s2 =	sld [smem:$0x3FD0];
	(tm) =	ssettm $0x1  }
0x91: {  	s18 =	sld [smem:$0x3FFB];
	_ =	sdelay $0x3  }
0x92: {  	_ =	strace s18  }
0x93: {  	s3 =	sld [smem:$0x3FFC];
	_ =	sdelay $0x3  }
0x94: {  	_ =	strace s3  }
0x95: {  	s3 =	sld [smem:$0x3FFD];
	_ =	sdelay $0x3  }
0x96: {  	_ =	strace s3  }
0x97: {  	_ =	strace $0x8FFFFFFF  }
0x98: {  	s19 =	sld [smem:$0x3FDB];
	_ =	sdelay $0x1  }
0x99: {  	s4 =	simm.s32 $_scs_section_size  }
0x9a: {  	s5 =	simm.s32 $_size__tile_overlayer_lowered;
	s6 =	simm.s32 $_tile_overlayer_lowered  }
0x9b: {  	s22 =	simm.s32 $0x1BFF;
	s21 =	sshll.u32 s6, $0x1;
	s3 =	sadd.s32 s4, s19  }
0x9c: {  	s7 =	simm.s32 $0x0;
	s20 =	sshll.u32 s5, $0x1;
	s5 =	sadd.s32 s21, s3  }
0x9d: {  	[timem:s7], [sflag:s22] =	dma.local [hbm:s5], s20  }
0x9e: {  	_ =	swait.ge [sflag:s22], s20  }
0x9f: {  	s4 =	ssub.s32 $0x0, s20;
	[sflag:s22] =	ssyncset.done $0x0  }
0xa0: {  	[sflag:s22] =	ssyncadd.s32 s4;
	_ =	sdelay $0x1  }
0xa1: {  	s23 =	simm.s32 $0x1B8B  }
0xa2: {  	_ =	swait.ge [sflag:s23], $0x1  }
0xa3: {  	[sflag:s23] =	ssyncset.done $0x0  }
0xa4: {  	s25 =	simm.s32 $0x1B8E;
	s24 =	sld [smem:$0x3FFE];
	[sflag:s23] =	ssyncadd.s32 $0xFFFFFFFF  }
0xa5: {  	s26 =	simm.s32 $execute0_lowered;
	[smem:$0x3FD2] =	sst s25  }
0xa6: {  	s5 =	sshll.u32 s26, $0x1;
	_ =	strace $0x80000049;
	[dreg:$0x1] =	wrdreg $0xFFFFFFFF  }
0xa7: {  	s28 =	simm.s32 $_size_execute0_lowered;
	s3 =	sadd.s32 s3, s5;
	[dreg:$0x0] =	wrdreg $0x0  }
0xa8: {  	s5 =	sshll.u32 s28, $0x1;
	[dreg:$0x2] =	wrdreg s3  }
0xa9: {  	[dreg:$0x3] =	wrdreg s5  }
0xaa: {  	[dreg:$0x4] =	wrdreg $0xC0  }
0xab: {  	_ =	task [dreg:s7], $0x5FFFF  }
0xac: {  	[dreg:$0x1] =	wrdreg $0xFFFFFFFF  }
0xad: {  	[dreg:$0x0] =	wrdreg $0x60  }
0xae: {  	[dreg:$0x2] =	wrdreg s24  }
0xaf: {  	[dreg:$0x3] =	wrdreg s2  }
0xb0: {  	[dreg:$0x4] =	wrdreg $0x0  }
0xb1: {  	[dreg:$0x5] =	wrdreg $0x9  }
0xb2: {  	_ =	task.clear_ibuf [dreg:s7], $0x6FFFF;
	_ =	strace $0x90000049  }
0xb3: {  	s29 =	simm.s32 $0x9;
	_ =	strace $0x8000004B  }
0xb4: {  	_ =	swait.ge [sflag:s29], $0x1  }
0xb5: {  	[sflag:s29] =	ssyncadd.s32 $0xFFFFFFFF  }
0xb6: {  	_ =	strace $0x9000004B  }
0xb7: {  	_ =	sfence  }
0xb8: {  	s30 =	sld [smem:$0x0];
	_ =	sdelay $0x2  }
0xb9: {  	s31 =	sshll.u32 s1, $0xD;
	s1 =	sshrl.u32 s1, $0x2  }
0xba: {  	s3 =	sand.u32 $0x4000, s31;
	s1 =	sadd.s32 s1, s30  }
0xbb: {  	s0 =	sor.u32 s3, s0;
	s1 =	sshll.u32 s1, $0x11  }
0xbc: {  	s0 =	sor.u32 s1, s0  }
0xbd: {  	s0 =	sadd.s32 $0x8F2B, s0  }
0xbe: {  	[sflag:s0] =	ssyncadd.remote.s32 $0x1  }
0xbf: {  	_ =	sfence.sel $0xFFFF  }
0xc0: {  	[dreg:$0x0] =	wrdreg $0xFFFFFFFF;
	(pc) =	sbr.abs _section_cstart, $3  }
0xc1: {  	[dreg:$0x1] =	wrdreg $0xFFFFFFFF  }
0xc2: {  	_ =	task.clear_ibuf [dreg:s7], $0x2FFFF;
	_ =	strace $0x9FFFFFFF  }
0xc3: {  	(tm) =	ssettm $0x7FFFFFFF  }
tec
execute0_lowered:
.L_overlay_start_1:
0x0: {  	(tag) =	ssettag $0x1  }
0x1: {  	s6 =	rddreg [dreg:$0x0]  }
0x2: {  	s8 =	rddreg [dreg:$0x1]  }
0x3: {  	s1 =	rddreg [dreg:$0x2]  }
0x4: {  	s0 =	rddreg [dreg:$0x3];
	s3 =	simm.s32 $0x0;
	s4 =	srdreg.scid  }
0x5: {  	s2 =	stileid.u32;
	s16 =	simm.s32 $0x16800;
	s17 =	simm.s32 $0x14080  }
0x6: {  	s18 =	simm.s32 $0x1A800;
	s21 =	simm.s32 $0x1;
	s22 =	simm.s32 $0x2  }
0x7: {  	s23 =	simm.s32 $0x16700;
	s24 =	simm.s32 $0x16780;
	s25 =	simm.s32 $0x0  }
0x8: {  	[smem:$0x7FF] =	sst s3;
	s7 =	sand.u32 $0x1, s4;
	s5 =	sshll.u32 s2, $0x1  }
0x9: {  	s4 =	sadd.s32 $0x61800, s6;
	s10 =	smul.u32 $0x14000, s2;
	s12 =	sadd.s32 $0x4800, s6  }
0xa: {  	s14 =	smul.u32 $0x50000, s2;
	s19 =	sshll.u32 s2, $0x6;
	_ =	strace $0x8000004A  }
0xb: {  	s9 =	smul.u32 $0x140000, s7;
	s11 =	sor.u32 s7, s5;
	s5 =	sadd.s32 $0xE800, s6  }
0xc: {  	s7 =	ssub.s32 $0x2, s7;
	s19 =	sor.u32 $0x1C03, s19;
	s13 =	smul.u32 $0x500, s11  }
0xd: {  	s28 =	smul.u32 $0x2800, s11;
	s29 =	sshrl.u32 s7, $0x1;
	s31 =	sshrl.u32 s14, $0x2  }
0xe: {  	s14 =	simm.s32 $0x15400;
	s9 =	sadd.s32 s10, s9;
	s11 =	ssub.s32 s7, s29  }
0xf: {  	s20 =	sadd.s32 s31, s1;
	s9 =	sshrl.u32 s9, $0x3;
	s30 =	sshrl.u32 s28, $0x3  }
0x10: {  	s7 =	sadd.s32 s12, s13;
	s11 =	smax.u32 s11, $0x1;
	s20 =	sshrl.u32 s20, $0x3  }
0x11: {  	s15 =	sadd.s32 s9, s6;
	s6 =	sadd.s32 s8, s13;
	s10 =	sadd.s32 $0x280, s30  }
0x12: {  	s13 =	simm.s32 $0x3;
	s8 =	sadd.s32 s8, s10;
	s9 =	sadd.s32 s12, s10  }
0x13: {  	s10 =	sadd.s32 $0x89800, s15;
	s12 =	simm.s32 $0x14000;
	s15 =	simm.s32 $0x80  }
.LBB2_1:
0x14: {  	[tilespmem:s12], [sflag:$0x3] =	stream.linear.gather [hbm4b:s6+s3], $0x1400, $0x38;
	[tilespmem:$0x1E800] =	vst v63  }
0x15: {  	_ =	swait.ge [sflag:s13], $0x1400  }
0x16: {  	[sflag:s13] =	ssyncset.done $0x0  }
0x17: {  	[sflag:s13] =	ssyncadd.s32 $0xFFFFEC00  }
0x18: {  	[tilespmem:s14], [sflag:$0x3] =	stream.linear.gather [hbm4b:s7+s3], $0x1400, $0x38;
	[tilespmem:$0x1E800] =	vst v63  }
0x19: {  	_ =	swait.ge [sflag:s13], $0x1400  }
0x1a: {  	[sflag:s13] =	ssyncset.done $0x0  }
0x1b: {  	[sflag:s13] =	ssyncadd.s32 $0xFFFFEC00  }
0x1c: {  	[tilespmem:s16], [sflag:$0x1] =	stream.indirect.gather [hbm4b:s4+s15], $0x80, s12, s15, $0xb8;
	[tilespmem:$0x1E800] =	vst v63  }
0x1d: {  	_ = 	snop  }
0x1e: {  	[tilespmem:s18], [sflag:$0x2] =	stream.indirect.gather [hbm4b:s4+s15], $0x80, s17, s15, $0xb8;
	[tilespmem:$0x1E800] =	vst v63  }
0x1f: {  	[spmem:s20], [sflag:s19] =	dma.local [hbm:s5], $0x2800  }
0x20: {  	_ =	swait.ge [sflag:s13], $0x2800  }
0x21: {  	[sflag:s13] =	ssyncset.done $0x0  }
0x22: {  	[sflag:s13] =	ssyncadd.s32 $0xFFFFD800  }
0x23: {  	[bflag:$0x0] =	sbarrier.arrive $0xFFFF  }
0x24: {  	_ =	swait.ge [sflag:s21], $0x4000  }
0x25: {  	[sflag:s21] =	ssyncset.done $0x0  }
0x26: {  	s26 =	simm.s32 $0x15400;
	[sflag:s21] =	ssyncadd.s32 $0xFFFFC000  }
0x27: {  	[spmem:s1] =	stream.indirect.scatter.add.f32 [tilespmem:s16], [sflag:$0x3], $0x80, s26, s15, $0xb8;
	[tilespmem:$0x1E800] =	vst v63  }
0x28: {  	_ =	swait.ge [sflag:s13], $0x4000  }
0x29: {  	[sflag:s13] =	ssyncset.done $0x0  }
0x2a: {  	s30 =	simm.s32 $0x14100;
	[sflag:s13] =	ssyncadd.s32 $0xFFFFC000  }
0x2b: {  	[tilespmem:s16], [sflag:$0x1] =	stream.indirect.gather [hbm4b:s4+s15], $0x80, s30, s15, $0xb8;
	[tilespmem:$0x1E800] =	vst v63  }
0x2c: {  	_ =	swait.ge [sflag:s22], $0x4000  }
0x2d: {  	[sflag:s22] =	ssyncset.done $0x0  }
0x2e: {  	s31 =	simm.s32 $0x15480;
	[sflag:s22] =	ssyncadd.s32 $0xFFFFC000  }
0x2f: {  	[spmem:s1] =	stream.indirect.scatter.add.f32 [tilespmem:s18], [sflag:$0x3], $0x80, s31, s15, $0xb8;
	[tilespmem:$0x1E800] =	vst v63  }
0x30: {  	_ =	swait.ge [sflag:s13], $0x4000  }
0x31: {  	[sflag:s13] =	ssyncset.done $0x0  }
0x32: {  	s28 =	simm.s32 $0x14180;
	s26 =	simm.s32 $0x400;
	[sflag:s13] =	ssyncadd.s32 $0xFFFFC000  }
.LBB2_2:
0x33: {  	[tilespmem:s18], [sflag:$0x2] =	stream.indirect.gather [hbm4b:s4+s15], $0x80, s28, s15, $0xb8;
	[tilespmem:$0x1E800] =	vst v63  }
0x34: {  	s28 =	smov.u32 s26  }
0x35: {  	p0 =	sne.s32 s26, $0x4800;
	s26 =	sadd.s32 $0x400, s26;
	_ =	swait.ge [sflag:s21], $0x4000  }
0x36: {  	s28 =	sshra.s32 s28, $0x2;
	[sflag:s21] =	ssyncset.done $0x0  }
0x37: {  	s29 =	sadd.s32 $0x15400, s28;
	[sflag:s21] =	ssyncadd.s32 $0xFFFFC000  }
0x38: {  	[spmem:s1] =	stream.indirect.scatter.add.f32 [tilespmem:s16], [sflag:$0x3], $0x80, s29, s15, $0xb8;
	[tilespmem:$0x1E800] =	vst v63  }
0x39: {  	_ =	swait.ge [sflag:s13], $0x4000  }
0x3a: {  	[sflag:s13] =	ssyncset.done $0x0  }
0x3b: {  	s29 =	sadd.s32 $0x14100, s28;
	[sflag:s13] =	ssyncadd.s32 $0xFFFFC000  }
0x3c: {  	[tilespmem:s16], [sflag:$0x1] =	stream.indirect.gather [hbm4b:s4+s15], $0x80, s29, s15, $0xb8;
	[tilespmem:$0x1E800] =	vst v63  }
0x3d: {  	_ =	swait.ge [sflag:s22], $0x4000  }
0x3e: {  	[sflag:s22] =	ssyncset.done $0x0  }
.Ltmp0:
0x3f: {  	s29 =	sadd.s32 $0x15480, s28;
	[sflag:s22] =	ssyncadd.s32 $0xFFFFC000;
	(pc) =	sbr.rel @p0 .LBB2_2-.Ltmp0, $4  }
0x40: {  	[spmem:s1] =	stream.indirect.scatter.add.f32 [tilespmem:s18], [sflag:$0x3], $0x80, s29, s15, $0xb8;
	[tilespmem:$0x1E800] =	vst v63  }
0x41: {  	_ =	swait.ge [sflag:s13], $0x4000  }
0x42: {  	[sflag:s13] =	ssyncset.done $0x0  }
0x43: {  	s28 =	sadd.s32 $0x14180, s28;
	[sflag:s13] =	ssyncadd.s32 $0xFFFFC000  }
0x44: {  	[tilespmem:s18], [sflag:$0x2] =	stream.indirect.gather [hbm4b:s4+s15], $0x80, s28, s15, $0xb8;
	[tilespmem:$0x1E800] =	vst v63  }
0x45: {  	_ =	swait.ge [sflag:s21], $0x4000  }
0x46: {  	[sflag:s21] =	ssyncset.done $0x0  }
0x47: {  	[sflag:s21] =	ssyncadd.s32 $0xFFFFC000  }
0x48: {  	[spmem:s1] =	stream.indirect.scatter.add.f32 [tilespmem:s16], [sflag:$0x3], $0x80, s23, s15, $0xb8;
	[tilespmem:$0x1E800] =	vst v63  }
0x49: {  	_ =	swait.ge [sflag:s13], $0x4000  }
0x4a: {  	[sflag:s13] =	ssyncset.done $0x0  }
0x4b: {  	[sflag:s13] =	ssyncadd.s32 $0xFFFFC000  }
0x4c: {  	_ =	swait.ge [sflag:s22], $0x4000  }
0x4d: {  	[sflag:s22] =	ssyncset.done $0x0  }
0x4e: {  	[sflag:s22] =	ssyncadd.s32 $0xFFFFC000  }
0x4f: {  	[spmem:s1] =	stream.indirect.scatter.add.f32 [tilespmem:s18], [sflag:$0x3], $0x80, s24, s15, $0xb8;
	[tilespmem:$0x1E800] =	vst v63  }
0x50: {  	_ =	swait.ge [sflag:s13], $0x4000  }
0x51: {  	[sflag:s13] =	ssyncset.done $0x0  }
0x52: {  	s26 =	simm.s32 $0x0;
	[sflag:s13] =	ssyncadd.s32 $0xFFFFC000  }
0x53: {  	[tilespmem:s12], [sflag:$0x3] =	stream.linear.gather [hbm4b:s8+s26], $0x1400, $0x38;
	[tilespmem:$0x1E800] =	vst v63  }
0x54: {  	_ =	swait.ge [sflag:s13], $0x1400  }
0x55: {  	[sflag:s13] =	ssyncset.done $0x0  }
0x56: {  	[sflag:s13] =	ssyncadd.s32 $0xFFFFEC00  }
0x57: {  	[tilespmem:s14], [sflag:$0x3] =	stream.linear.gather [hbm4b:s9+s26], $0x1400, $0x38;
	[tilespmem:$0x1E800] =	vst v63  }
0x58: {  	_ =	swait.ge [sflag:s13], $0x1400  }
0x59: {  	[sflag:s13] =	ssyncset.done $0x0  }
0x5a: {  	[sflag:s13] =	ssyncadd.s32 $0xFFFFEC00  }
0x5b: {  	[tilespmem:s16], [sflag:$0x1] =	stream.indirect.gather [hbm4b:s4+s15], $0x80, s12, s15, $0xb8;
	[tilespmem:$0x1E800] =	vst v63  }
0x5c: {  	_ = 	snop  }
0x5d: {  	[tilespmem:s18], [sflag:$0x2] =	stream.indirect.gather [hbm4b:s4+s15], $0x80, s17, s15, $0xb8;
	[tilespmem:$0x1E800] =	vst v63  }
0x5e: {  	_ =	swait.ge [sflag:s21], $0x4000  }
0x5f: {  	[sflag:s21] =	ssyncset.done $0x0  }
0x60: {  	s29 =	simm.s32 $0x15400;
	[sflag:s21] =	ssyncadd.s32 $0xFFFFC000  }
0x61: {  	[spmem:s1] =	stream.indirect.scatter.add.f32 [tilespmem:s16], [sflag:$0x3], $0x80, s29, s15, $0xb8;
	[tilespmem:$0x1E800] =	vst v63  }
0x62: {  	_ =	swait.ge [sflag:s13], $0x4000  }
0x63: {  	[sflag:s13] =	ssyncset.done $0x0  }
0x64: {  	s30 =	simm.s32 $0x14100;
	[sflag:s13] =	ssyncadd.s32 $0xFFFFC000  }
0x65: {  	[tilespmem:s16], [sflag:$0x1] =	stream.indirect.gather [hbm4b:s4+s15], $0x80, s30, s15, $0xb8;
	[tilespmem:$0x1E800] =	vst v63  }
0x66: {  	_ =	swait.ge [sflag:s22], $0x4000  }
0x67: {  	[sflag:s22] =	ssyncset.done $0x0  }
0x68: {  	s31 =	simm.s32 $0x15480;
	[sflag:s22] =	ssyncadd.s32 $0xFFFFC000  }
0x69: {  	[spmem:s1] =	stream.indirect.scatter.add.f32 [tilespmem:s18], [sflag:$0x3], $0x80, s31, s15, $0xb8;
	[tilespmem:$0x1E800] =	vst v63  }
0x6a: {  	_ =	swait.ge [sflag:s13], $0x4000  }
0x6b: {  	[sflag:s13] =	ssyncset.done $0x0  }
0x6c: {  	s28 =	simm.s32 $0x14180;
	s26 =	simm.s32 $0x400;
	[sflag:s13] =	ssyncadd.s32 $0xFFFFC000  }
.LBB2_4:
0x6d: {  	[tilespmem:s18], [sflag:$0x2] =	stream.indirect.gather [hbm4b:s4+s15], $0x80, s28, s15, $0xb8;
	[tilespmem:$0x1E800] =	vst v63  }
0x6e: {  	s28 =	smov.u32 s26  }
0x6f: {  	p0 =	sne.s32 s26, $0x4800;
	s26 =	sadd.s32 $0x400, s26;
	_ =	swait.ge [sflag:s21], $0x4000  }
0x70: {  	s28 =	sshra.s32 s28, $0x2;
	[sflag:s21] =	ssyncset.done $0x0  }
0x71: {  	s29 =	sadd.s32 $0x15400, s28;
	[sflag:s21] =	ssyncadd.s32 $0xFFFFC000  }
0x72: {  	[spmem:s1] =	stream.indirect.scatter.add.f32 [tilespmem:s16], [sflag:$0x3], $0x80, s29, s15, $0xb8;
	[tilespmem:$0x1E800] =	vst v63  }
0x73: {  	_ =	swait.ge [sflag:s13], $0x4000  }
0x74: {  	[sflag:s13] =	ssyncset.done $0x0  }
0x75: {  	s29 =	sadd.s32 $0x14100, s28;
	[sflag:s13] =	ssyncadd.s32 $0xFFFFC000  }
0x76: {  	[tilespmem:s16], [sflag:$0x1] =	stream.indirect.gather [hbm4b:s4+s15], $0x80, s29, s15, $0xb8;
	[tilespmem:$0x1E800] =	vst v63  }
0x77: {  	_ =	swait.ge [sflag:s22], $0x4000  }
0x78: {  	[sflag:s22] =	ssyncset.done $0x0  }
.Ltmp1:
0x79: {  	s29 =	sadd.s32 $0x15480, s28;
	[sflag:s22] =	ssyncadd.s32 $0xFFFFC000;
	(pc) =	sbr.rel @p0 .LBB2_4-.Ltmp1, $4  }
0x7a: {  	[spmem:s1] =	stream.indirect.scatter.add.f32 [tilespmem:s18], [sflag:$0x3], $0x80, s29, s15, $0xb8;
	[tilespmem:$0x1E800] =	vst v63  }
0x7b: {  	_ =	swait.ge [sflag:s13], $0x4000  }
0x7c: {  	[sflag:s13] =	ssyncset.done $0x0  }
0x7d: {  	s28 =	sadd.s32 $0x14180, s28;
	[sflag:s13] =	ssyncadd.s32 $0xFFFFC000  }
0x7e: {  	[tilespmem:s18], [sflag:$0x2] =	stream.indirect.gather [hbm4b:s4+s15], $0x80, s28, s15, $0xb8;
	[tilespmem:$0x1E800] =	vst v63  }
0x7f: {  	_ =	swait.ge [sflag:s21], $0x4000  }
0x80: {  	[sflag:s21] =	ssyncset.done $0x0  }
0x81: {  	[sflag:s21] =	ssyncadd.s32 $0xFFFFC000  }
0x82: {  	[spmem:s1] =	stream.indirect.scatter.add.f32 [tilespmem:s16], [sflag:$0x3], $0x80, s23, s15, $0xb8;
	[tilespmem:$0x1E800] =	vst v63  }
0x83: {  	_ =	swait.ge [sflag:s13], $0x4000  }
0x84: {  	[sflag:s13] =	ssyncset.done $0x0  }
0x85: {  	[sflag:s13] =	ssyncadd.s32 $0xFFFFC000  }
0x86: {  	_ =	swait.ge [sflag:s22], $0x4000  }
0x87: {  	[sflag:s22] =	ssyncset.done $0x0  }
0x88: {  	[sflag:s22] =	ssyncadd.s32 $0xFFFFC000  }
0x89: {  	[spmem:s1] =	stream.indirect.scatter.add.f32 [tilespmem:s18], [sflag:$0x3], $0x80, s24, s15, $0xb8;
	[tilespmem:$0x1E800] =	vst v63  }
0x8a: {  	_ =	swait.ge [sflag:s13], $0x4000  }
0x8b: {  	s25 =	sadd.s32 $0x1, s25;
	[sflag:s13] =	ssyncset.done $0x0  }
0x8c: {  	p0 =	sne.s32 s25, s11;
	[sflag:s13] =	ssyncadd.s32 $0xFFFFC000  }
.Ltmp2:
0x8d: {  	[bflag:$0x0] =	sbarrier.arrive $0xFFFF;
	(pc) =	sbr.rel @p0 .LBB2_1-.Ltmp2, $4  }
0x8e: {  	[hbm:s10], [sflag:s19] =	dma.local [spmem:s20], $0x2800  }
0x8f: {  	_ =	swait.ge [sflag:s13], $0x2800  }
0x90: {  	[sflag:s13] =	ssyncset.done $0x0  }
0x91: {  	[sflag:s13] =	ssyncadd.s32 $0xFFFFD800  }
0x92: {  	_ =	sfence.sel $0x180000  }
0x93: {  	[bflag:$0x0] =	sbarrier.arrive $0xFFFF  }
0x94: {  	p0 =	sne.s32 s2, $0x0;
	_ =	strace $0x9000004A  }
0x95: {  	s0 =	sadd.s32 @!p0 $0x100000, s0;
	[bflag:$0x2] =	sbarrier.arrive $0xFFFF  }
0x96: {  	[sflag:s0] =	ssyncadd.tile.s32 @!p0 $0x1;
	_ =	shalt  }
.Lfunc_end2:
_tile_overlayer_lowered:
.L_overlay_start_2:
0x97: {  	(tag) =	ssettag $0x2  }
0x98: {  	s0 =	rddreg [dreg:$0x0];
	s2 =	stileid.u32  }
0x99: {  	s1 =	rddreg [dreg:$0x1];
	p0 =	sne.s32 s2, $0x0  }
0x9a: {  	s3 =	rddreg [dreg:$0x2];
	[bflag:$0x3] =	sbarrier.arrive $0xFFFF;
	s2 =	simm.s32 @!p0 $0x1C03  }
0x9b: {  	[timem:s3], [sflag:s2] =	dma.local @!p0 [hbm:s0], s1  }
0x9c: {  	s0 =	simm.s32 @!p0 $0x3  }
0x9d: {  	_ =	swait.ge @!p0 [sflag:s0], s1  }
0x9e: {  	s1 =	ssub.s32 @!p0 $0x0, s1;
	[sflag:s0] =	ssyncset.done @!p0 $0x0  }
0x9f: {  	[sflag:s0] =	ssyncadd.s32 @!p0 s1  }
0xa0: {  	[bflag:$0x3] =	sbarrier.arrive $0xFFFF  }
0xa1: {  	_ =	shalt  }

// kernel: kernel.18.cloned.1.call-start
scs
__scs_entry_jumppad:
0x0: {  	(pc) =	sbr.rel $0x88, $3  }
0x1: {  	(tag) =	ssettag $0x0;
	lr =	simm.s32 $0x1  }
0x2: {  	[smem:$0x3F8E] =	sst lr;
	_ =	strace $0xD0000000  }
0x3: {  	_ = 	snop  }
0x4: {  	_ = 	snop  }
0x5: {  	_ = 	snop  }
0x6: {  	_ = 	snop  }
0x7: {  	_ = 	snop  }
__scs_overlays_trampoline_lowered:
0x8: {  	[smem:$0x3F9D] =	sst s0  }
0x9: {  	[smem:$0x3F9E] =	sst s1  }
0xa: {  	[smem:$0x3F9F] =	sst s2  }
0xb: {  	[smem:$0x3FA0] =	sst s3  }
0xc: {  	[smem:$0x3FA1] =	sst s4  }
0xd: {  	[smem:$0x3FA2] =	sst s5  }
0xe: {  	[smem:$0x3FA3] =	sst s6  }
0xf: {  	[smem:$0x3FA4] =	sst s7  }
0x10: {  	[smem:$0x3FA5] =	sst s8  }
0x11: {  	[smem:$0x3FA6] =	sst s9;
	s0 =	simm.s32 @!p0 $0x0  }
0x12: {  	s1 =	sld [smem:$0x3F8C];
	s0 =	simm.s32 @p0 $0x1  }
0x13: {  	[smem:$0x3FA7] =	sst s0;
	s0 =	simm.s32 @!p1 $0x0  }
0x14: {  	s2 =	sld [smem:$0x3F8B];
	s0 =	simm.s32 @p1 $0x1  }
0x15: {  	[smem:$0x3FA8] =	sst s0;
	s0 =	simm.s32 @!p2 $0x0  }
0x16: {  	s3 =	sld [smem:$0x3FDB];
	s0 =	simm.s32 @p2 $0x1  }
0x17: {  	s4 =	simm.s32 $0x1BF5;
	[smem:$0x3FAA] =	sst s0  }
0x18: {  	s0 =	sld [smem:$0x3F8D];
	_ =	swait.ge [sflag:s4], $0x0  }
0x19: {  	s7 =	sld [smem:$0x3F8E]  }
0x1a: {  	s8 =	sadd.s32 $0xFFFFE003, lr  }
0x1b: {  	s9 =	sadd.s32 $0xFFFFFEF7, lr;
	s5 =	simm.s32 $0xFFFFFFFF;
	p2 =	slt.u32 s8, $0xFFFFF086  }
0x1c: {  	p1 =	slt.u32 s9, $0xF7A;
	s5 =	simm.s32 @!p2 $0x0  }
0x1d: {  	s5 =	simm.s32 @p1 $0x1;
	p0 =	seq.s32 s7, s2  }
0x1e: {  	s7 =	smul.u32 @!p0 $0xF7A, s2;
	p2 =	seq.s32 @!p0 s5, $0x0  }
0x1f: {  	s9 =	smul.u32 $0xF7A, s1;
	s8 =	simm.s32 @!p0 $0x1BF5;
	p2 =	por !p2, p0  }
0x20: {  	[sflag:s8] =	ssyncset.s32 @!p0 $0xFFFFF086;
	s6 =	sadd.s32 @!p0 s3, s7;
	s7 =	simm.s32 @!p0 $0x108  }
0x21: {  	s3 =	sadd.s32 s3, s9;
	s6 =	sadd.s32 @!p0 $0x88, s6;
	s7 =	simm.s32 @p2 $0x1082  }
0x22: {  	[simem:s7], [sflag:s8] =	dma.local @!p0 [hbm:s6], $0xF7A  }
0x23: {  	s9 =	sor.u32 $0xD0000000, s2;
	s6 =	simm.s32 $0x108;
	_ =	swait.ge @!p0 [sflag:s8], $0x0  }
0x24: {  	s3 =	sadd.s32 $0x88, s3;
	s6 =	simm.s32 @!p1 $0x1082;
	[sflag:s4] =	ssyncset.s32 $0xFFFFF086  }
0x25: {  	[simem:s6], [sflag:s4] =	dma.local [hbm:s3], $0xF7A  }
0x26: {  	[smem:$0x3F8E] =	sst s1;
	(tag) =	ssettag s2;
	_ =	strace s9  }
0x27: {  	s1 =	sld [smem:$0x3F9E]  }
0x28: {  	s2 =	sld [smem:$0x3F9F]  }
0x29: {  	s4 =	sld [smem:$0x3FA1]  }
0x2a: {  	p0 =	seq.s32 s5, $0x0;
	s5 =	sld [smem:$0x3FA2]  }
0x2b: {  	s6 =	sld [smem:$0x3FA3]  }
0x2c: {  	s7 =	sld [smem:$0x3FA4]  }
0x2d: {  	s3 =	simm.s32 $0x108;
	s8 =	sld [smem:$0x3FA5]  }
0x2e: {  	s3 =	simm.s32 @!p0 $0x1082;
	s9 =	sld [smem:$0x3FA6]  }
0x2f: {  	lr =	sadd.s32 s0, s3;
	s0 =	sld [smem:$0x3F9D]  }
0x30: {  	s3 =	sld [smem:$0x3FA0]  }
0x31: {  	[smem:$0x3FA9] =	sst s10  }
0x32: {  	s10 =	sld [smem:$0x3FA7];
	_ =	sdelay $0x3  }
0x33: {  	p0 =	seq.s32 s10, $0x1;
	s10 =	sld [smem:$0x3FA9];
	_ =	sdelay $0x3  }
0x34: {  	[smem:$0x3FA9] =	sst s10  }
0x35: {  	s10 =	sld [smem:$0x3FA8];
	_ =	sdelay $0x3  }
0x36: {  	p1 =	seq.s32 s10, $0x1;
	s10 =	sld [smem:$0x3FA9];
	_ =	sdelay $0x3  }
0x37: {  	[smem:$0x3FA9] =	sst s10  }
0x38: {  	s10 =	sld [smem:$0x3FAA]  }
0x39: {  	_ = 	snop;
	(pc) =	sbr.ind lr, $3  }
0x3a: {  	_ = 	snop  }
0x3b: {  	_ = 	snop  }
0x3c: {  	p2 =	seq.s32 s10, $0x1;
	s10 =	sld [smem:$0x3FA9]  }
0x3d: {  	_ =	shalt  }
0x3e: {  	_ =	shalt  }
0x3f: {  	_ =	shalt  }
0x40: {  	_ =	shalt  }
0x41: {  	_ =	shalt  }
0x42: {  	_ =	shalt  }
0x43: {  	_ =	shalt  }
0x44: {  	_ =	shalt  }
0x45: {  	_ =	shalt  }
0x46: {  	_ =	shalt  }
0x47: {  	_ =	shalt  }
0x48: {  	_ =	shalt  }
0x49: {  	_ =	shalt  }
0x4a: {  	_ =	shalt  }
0x4b: {  	_ =	shalt  }
0x4c: {  	_ =	shalt  }
0x4d: {  	_ =	shalt  }
0x4e: {  	_ =	shalt  }
0x4f: {  	_ =	shalt  }
0x50: {  	_ =	shalt  }
0x51: {  	_ =	shalt  }
0x52: {  	_ =	shalt  }
0x53: {  	_ =	shalt  }
0x54: {  	_ =	shalt  }
0x55: {  	_ =	shalt  }
0x56: {  	_ =	shalt  }
0x57: {  	_ =	shalt  }
0x58: {  	_ =	shalt  }
0x59: {  	_ =	shalt  }
0x5a: {  	_ =	shalt  }
0x5b: {  	_ =	shalt  }
0x5c: {  	_ =	shalt  }
0x5d: {  	_ =	shalt  }
0x5e: {  	_ =	shalt  }
0x5f: {  	_ =	shalt  }
0x60: {  	_ =	shalt  }
0x61: {  	_ =	shalt  }
0x62: {  	_ =	shalt  }
0x63: {  	_ =	shalt  }
0x64: {  	_ =	shalt  }
0x65: {  	_ =	shalt  }
0x66: {  	_ =	shalt  }
0x67: {  	_ =	shalt  }
0x68: {  	_ =	shalt  }
0x69: {  	_ =	shalt  }
0x6a: {  	_ =	shalt  }
0x6b: {  	_ =	shalt  }
0x6c: {  	_ =	shalt  }
0x6d: {  	_ =	shalt  }
0x6e: {  	_ =	shalt  }
0x6f: {  	_ =	shalt  }
0x70: {  	_ =	shalt  }
0x71: {  	_ =	shalt  }
0x72: {  	_ =	shalt  }
0x73: {  	_ =	shalt  }
0x74: {  	_ =	shalt  }
0x75: {  	_ =	shalt  }
0x76: {  	_ =	shalt  }
0x77: {  	_ =	shalt  }
0x78: {  	_ =	shalt  }
0x79: {  	_ =	shalt  }
0x7a: {  	_ =	shalt  }
0x7b: {  	_ =	shalt  }
0x7c: {  	_ =	shalt  }
0x7d: {  	_ =	shalt  }
0x7e: {  	_ =	shalt  }
0x7f: {  	_ =	shalt  }
0x80: {  	_ =	shalt  }
0x81: {  	_ =	shalt  }
0x82: {  	_ =	shalt  }
0x83: {  	_ =	shalt  }
0x84: {  	_ =	shalt  }
0x85: {  	_ =	shalt  }
0x86: {  	_ =	shalt  }
0x87: {  	_ =	shalt  }
.Lfunc_end0:
.L_simem_size_0:
called_computation.2_lowered:
.L_overlay_start_0:
0x88: {  	s2 =	sld [smem:$0x3FD9]  }
0x89: {  	s3 =	sld [smem:$0x3FFE];
	_ =	sdelay $0x1  }
0x8a: {  	s1 =	srdreg.scid  }
0x8b: {  	s0 =	sand.u32 $0x1, s1  }
0x8c: {  	s17 =	sshll.u32 s0, $0xA;
	s2 =	sadd.s32 s3, s2  }
0x8d: {  	s2 =	sadd.s32 s2, s17  }
0x8e: {  	[smem:$0x3FB5] =	sst s2  }
0x8f: {  	_ = 	snop  }
0x90: {  	s2 =	sld [smem:$0x3FD0];
	(tm) =	ssettm $0x1  }
0x91: {  	s18 =	sld [smem:$0x3FFB];
	_ =	sdelay $0x3  }
0x92: {  	_ =	strace s18  }
0x93: {  	s3 =	sld [smem:$0x3FFC];
	_ =	sdelay $0x3  }
0x94: {  	_ =	strace s3  }
0x95: {  	s3 =	sld [smem:$0x3FFD];
	_ =	sdelay $0x3  }
0x96: {  	_ =	strace s3  }
0x97: {  	_ =	strace $0x8FFFFFFF  }
0x98: {  	s19 =	sld [smem:$0x3FDB];
	_ =	sdelay $0x1  }
0x99: {  	s4 =	simm.s32 $_scs_section_size  }
0x9a: {  	s5 =	simm.s32 $_size__tile_overlayer_lowered;
	s6 =	simm.s32 $_tile_overlayer_lowered  }
0x9b: {  	s22 =	simm.s32 $0x1BFF;
	s21 =	sshll.u32 s6, $0x1;
	s3 =	sadd.s32 s4, s19  }
0x9c: {  	s7 =	simm.s32 $0x0;
	s20 =	sshll.u32 s5, $0x1;
	s5 =	sadd.s32 s21, s3  }
0x9d: {  	[timem:s7], [sflag:s22] =	dma.local [hbm:s5], s20  }
0x9e: {  	_ =	swait.ge [sflag:s22], s20  }
0x9f: {  	s4 =	ssub.s32 $0x0, s20;
	[sflag:s22] =	ssyncset.done $0x0  }
0xa0: {  	[sflag:s22] =	ssyncadd.s32 s4;
	_ =	sdelay $0x1  }
0xa1: {  	s23 =	simm.s32 $0x1B8B  }
0xa2: {  	_ =	swait.ge [sflag:s23], $0x1  }
0xa3: {  	[sflag:s23] =	ssyncset.done $0x0  }
0xa4: {  	s25 =	simm.s32 $0x1B8E;
	s24 =	sld [smem:$0x3FFE];
	[sflag:s23] =	ssyncadd.s32 $0xFFFFFFFF  }
0xa5: {  	s26 =	simm.s32 $execute0_lowered;
	[smem:$0x3FD2] =	sst s25  }
0xa6: {  	s5 =	sshll.u32 s26, $0x1;
	_ =	strace $0x8000004C;
	[dreg:$0x1] =	wrdreg $0xFFFFFFFF  }
0xa7: {  	s28 =	simm.s32 $_size_execute0_lowered;
	s3 =	sadd.s32 s3, s5;
	[dreg:$0x0] =	wrdreg $0x0  }
0xa8: {  	s5 =	sshll.u32 s28, $0x1;
	[dreg:$0x2] =	wrdreg s3  }
0xa9: {  	[dreg:$0x3] =	wrdreg s5  }
0xaa: {  	[dreg:$0x4] =	wrdreg $0xC0  }
0xab: {  	_ =	task [dreg:s7], $0x5FFFF  }
0xac: {  	[dreg:$0x1] =	wrdreg $0xFFFFFFFF  }
0xad: {  	[dreg:$0x0] =	wrdreg $0x60  }
0xae: {  	[dreg:$0x2] =	wrdreg s24  }
0xaf: {  	[dreg:$0x3] =	wrdreg s2  }
0xb0: {  	[dreg:$0x4] =	wrdreg $0x0  }
0xb1: {  	[dreg:$0x5] =	wrdreg $0x9  }
0xb2: {  	_ =	task.clear_ibuf [dreg:s7], $0x6FFFF;
	_ =	strace $0x9000004C  }
0xb3: {  	s29 =	simm.s32 $0x9;
	_ =	strace $0x8000004E  }
0xb4: {  	_ =	swait.ge [sflag:s29], $0x1  }
0xb5: {  	[sflag:s29] =	ssyncadd.s32 $0xFFFFFFFF  }
0xb6: {  	_ =	strace $0x9000004E  }
0xb7: {  	_ =	sfence  }
0xb8: {  	s30 =	sld [smem:$0x0];
	_ =	sdelay $0x2  }
0xb9: {  	s31 =	sshll.u32 s1, $0xD;
	s1 =	sshrl.u32 s1, $0x2  }
0xba: {  	s3 =	sand.u32 $0x4000, s31;
	s1 =	sadd.s32 s1, s30  }
0xbb: {  	s0 =	sor.u32 s3, s0;
	s1 =	sshll.u32 s1, $0x11  }
0xbc: {  	s0 =	sor.u32 s1, s0  }
0xbd: {  	s0 =	sadd.s32 $0x8F2B, s0  }
0xbe: {  	[sflag:s0] =	ssyncadd.remote.s32 $0x1  }
0xbf: {  	_ =	sfence.sel $0xFFFF  }
0xc0: {  	[dreg:$0x0] =	wrdreg $0xFFFFFFFF;
	(pc) =	sbr.abs _section_cstart, $3  }
0xc1: {  	[dreg:$0x1] =	wrdreg $0xFFFFFFFF  }
0xc2: {  	_ =	task.clear_ibuf [dreg:s7], $0x2FFFF;
	_ =	strace $0x9FFFFFFF  }
0xc3: {  	(tm) =	ssettm $0x7FFFFFFF  }
tec
execute0_lowered:
.L_overlay_start_1:
0x0: {  	(tag) =	ssettag $0x1  }
0x1: {  	s6 =	rddreg [dreg:$0x0]  }
0x2: {  	s8 =	rddreg [dreg:$0x1]  }
0x3: {  	s1 =	rddreg [dreg:$0x2]  }
0x4: {  	s0 =	rddreg [dreg:$0x3];
	s3 =	simm.s32 $0x0;
	s4 =	srdreg.scid  }
0x5: {  	s2 =	stileid.u32;
	s16 =	simm.s32 $0x16800;
	s17 =	simm.s32 $0x14080  }
0x6: {  	s18 =	simm.s32 $0x1A800;
	s21 =	simm.s32 $0x1;
	s22 =	simm.s32 $0x2  }
0x7: {  	s23 =	simm.s32 $0x16700;
	s24 =	simm.s32 $0x16780;
	s25 =	simm.s32 $0x0  }
0x8: {  	[smem:$0x7FF] =	sst s3;
	s7 =	sand.u32 $0x1, s4;
	s5 =	sshll.u32 s2, $0x1  }
0x9: {  	s4 =	sadd.s32 $0x61800, s6;
	s10 =	smul.u32 $0x14000, s2;
	s12 =	sadd.s32 $0x4800, s6  }
0xa: {  	s14 =	smul.u32 $0x50000, s2;
	s19 =	sshll.u32 s2, $0x6;
	_ =	strace $0x8000004D  }
0xb: {  	s9 =	smul.u32 $0x140000, s7;
	s11 =	sor.u32 s7, s5;
	s5 =	sadd.s32 $0xE800, s6  }
0xc: {  	s7 =	ssub.s32 $0x2, s7;
	s19 =	sor.u32 $0x1C03, s19;
	s13 =	smul.u32 $0x500, s11  }
0xd: {  	s28 =	smul.u32 $0x2800, s11;
	s29 =	sshrl.u32 s7, $0x1;
	s31 =	sshrl.u32 s14, $0x2  }
0xe: {  	s14 =	simm.s32 $0x15400;
	s9 =	sadd.s32 s10, s9;
	s11 =	ssub.s32 s7, s29  }
0xf: {  	s20 =	sadd.s32 s31, s1;
	s9 =	sshrl.u32 s9, $0x3;
	s30 =	sshrl.u32 s28, $0x3  }
0x10: {  	s7 =	sadd.s32 s12, s13;
	s11 =	smax.u32 s11, $0x1;
	s20 =	sshrl.u32 s20, $0x3  }
0x11: {  	s15 =	sadd.s32 s9, s6;
	s6 =	sadd.s32 s8, s13;
	s10 =	sadd.s32 $0x280, s30  }
0x12: {  	s13 =	simm.s32 $0x3;
	s8 =	sadd.s32 s8, s10;
	s9 =	sadd.s32 s12, s10  }
0x13: {  	s10 =	sadd.s32 $0x89800, s15;
	s12 =	simm.s32 $0x14000;
	s15 =	simm.s32 $0x80  }
.LBB2_1:
0x14: {  	[tilespmem:s12], [sflag:$0x3] =	stream.linear.gather [hbm4b:s6+s3], $0x1400, $0x38;
	[tilespmem:$0x1E800] =	vst v63  }
0x15: {  	_ =	swait.ge [sflag:s13], $0x1400  }
0x16: {  	[sflag:s13] =	ssyncset.done $0x0  }
0x17: {  	[sflag:s13] =	ssyncadd.s32 $0xFFFFEC00  }
0x18: {  	[tilespmem:s14], [sflag:$0x3] =	stream.linear.gather [hbm4b:s7+s3], $0x1400, $0x38;
	[tilespmem:$0x1E800] =	vst v63  }
0x19: {  	_ =	swait.ge [sflag:s13], $0x1400  }
0x1a: {  	[sflag:s13] =	ssyncset.done $0x0  }
0x1b: {  	[sflag:s13] =	ssyncadd.s32 $0xFFFFEC00  }
0x1c: {  	[tilespmem:s16], [sflag:$0x1] =	stream.indirect.gather [hbm4b:s4+s15], $0x80, s12, s15, $0xb8;
	[tilespmem:$0x1E800] =	vst v63  }
0x1d: {  	_ = 	snop  }
0x1e: {  	[tilespmem:s18], [sflag:$0x2] =	stream.indirect.gather [hbm4b:s4+s15], $0x80, s17, s15, $0xb8;
	[tilespmem:$0x1E800] =	vst v63  }
0x1f: {  	[spmem:s20], [sflag:s19] =	dma.local [hbm:s5], $0x2800  }
0x20: {  	_ =	swait.ge [sflag:s13], $0x2800  }
0x21: {  	[sflag:s13] =	ssyncset.done $0x0  }
0x22: {  	[sflag:s13] =	ssyncadd.s32 $0xFFFFD800  }
0x23: {  	[bflag:$0x0] =	sbarrier.arrive $0xFFFF  }
0x24: {  	_ =	swait.ge [sflag:s21], $0x4000  }
0x25: {  	[sflag:s21] =	ssyncset.done $0x0  }
0x26: {  	s26 =	simm.s32 $0x15400;
	[sflag:s21] =	ssyncadd.s32 $0xFFFFC000  }
0x27: {  	[spmem:s1] =	stream.indirect.scatter.add.f32 [tilespmem:s16], [sflag:$0x3], $0x80, s26, s15, $0xb8;
	[tilespmem:$0x1E800] =	vst v63  }
0x28: {  	_ =	swait.ge [sflag:s13], $0x4000  }
0x29: {  	[sflag:s13] =	ssyncset.done $0x0  }
0x2a: {  	s30 =	simm.s32 $0x14100;
	[sflag:s13] =	ssyncadd.s32 $0xFFFFC000  }
0x2b: {  	[tilespmem:s16], [sflag:$0x1] =	stream.indirect.gather [hbm4b:s4+s15], $0x80, s30, s15, $0xb8;
	[tilespmem:$0x1E800] =	vst v63  }
0x2c: {  	_ =	swait.ge [sflag:s22], $0x4000  }
0x2d: {  	[sflag:s22] =	ssyncset.done $0x0  }
0x2e: {  	s31 =	simm.s32 $0x15480;
	[sflag:s22] =	ssyncadd.s32 $0xFFFFC000  }
0x2f: {  	[spmem:s1] =	stream.indirect.scatter.add.f32 [tilespmem:s18], [sflag:$0x3], $0x80, s31, s15, $0xb8;
	[tilespmem:$0x1E800] =	vst v63  }
0x30: {  	_ =	swait.ge [sflag:s13], $0x4000  }
0x31: {  	[sflag:s13] =	ssyncset.done $0x0  }
0x32: {  	s28 =	simm.s32 $0x14180;
	s26 =	simm.s32 $0x400;
	[sflag:s13] =	ssyncadd.s32 $0xFFFFC000  }
.LBB2_2:
0x33: {  	[tilespmem:s18], [sflag:$0x2] =	stream.indirect.gather [hbm4b:s4+s15], $0x80, s28, s15, $0xb8;
	[tilespmem:$0x1E800] =	vst v63  }
0x34: {  	s28 =	smov.u32 s26  }
0x35: {  	p0 =	sne.s32 s26, $0x4800;
	s26 =	sadd.s32 $0x400, s26;
	_ =	swait.ge [sflag:s21], $0x4000  }
0x36: {  	s28 =	sshra.s32 s28, $0x2;
	[sflag:s21] =	ssyncset.done $0x0  }
0x37: {  	s29 =	sadd.s32 $0x15400, s28;
	[sflag:s21] =	ssyncadd.s32 $0xFFFFC000  }
0x38: {  	[spmem:s1] =	stream.indirect.scatter.add.f32 [tilespmem:s16], [sflag:$0x3], $0x80, s29, s15, $0xb8;
	[tilespmem:$0x1E800] =	vst v63  }
0x39: {  	_ =	swait.ge [sflag:s13], $0x4000  }
0x3a: {  	[sflag:s13] =	ssyncset.done $0x0  }
0x3b: {  	s29 =	sadd.s32 $0x14100, s28;
	[sflag:s13] =	ssyncadd.s32 $0xFFFFC000  }
0x3c: {  	[tilespmem:s16], [sflag:$0x1] =	stream.indirect.gather [hbm4b:s4+s15], $0x80, s29, s15, $0xb8;
	[tilespmem:$0x1E800] =	vst v63  }
0x3d: {  	_ =	swait.ge [sflag:s22], $0x4000  }
0x3e: {  	[sflag:s22] =	ssyncset.done $0x0  }
.Ltmp0:
0x3f: {  	s29 =	sadd.s32 $0x15480, s28;
	[sflag:s22] =	ssyncadd.s32 $0xFFFFC000;
	(pc) =	sbr.rel @p0 .LBB2_2-.Ltmp0, $4  }
0x40: {  	[spmem:s1] =	stream.indirect.scatter.add.f32 [tilespmem:s18], [sflag:$0x3], $0x80, s29, s15, $0xb8;
	[tilespmem:$0x1E800] =	vst v63  }
0x41: {  	_ =	swait.ge [sflag:s13], $0x4000  }
0x42: {  	[sflag:s13] =	ssyncset.done $0x0  }
0x43: {  	s28 =	sadd.s32 $0x14180, s28;
	[sflag:s13] =	ssyncadd.s32 $0xFFFFC000  }
0x44: {  	[tilespmem:s18], [sflag:$0x2] =	stream.indirect.gather [hbm4b:s4+s15], $0x80, s28, s15, $0xb8;
	[tilespmem:$0x1E800] =	vst v63  }
0x45: {  	_ =	swait.ge [sflag:s21], $0x4000  }
0x46: {  	[sflag:s21] =	ssyncset.done $0x0  }
0x47: {  	[sflag:s21] =	ssyncadd.s32 $0xFFFFC000  }
0x48: {  	[spmem:s1] =	stream.indirect.scatter.add.f32 [tilespmem:s16], [sflag:$0x3], $0x80, s23, s15, $0xb8;
	[tilespmem:$0x1E800] =	vst v63  }
0x49: {  	_ =	swait.ge [sflag:s13], $0x4000  }
0x4a: {  	[sflag:s13] =	ssyncset.done $0x0  }
0x4b: {  	[sflag:s13] =	ssyncadd.s32 $0xFFFFC000  }
0x4c: {  	_ =	swait.ge [sflag:s22], $0x4000  }
0x4d: {  	[sflag:s22] =	ssyncset.done $0x0  }
0x4e: {  	[sflag:s22] =	ssyncadd.s32 $0xFFFFC000  }
0x4f: {  	[spmem:s1] =	stream.indirect.scatter.add.f32 [tilespmem:s18], [sflag:$0x3], $0x80, s24, s15, $0xb8;
	[tilespmem:$0x1E800] =	vst v63  }
0x50: {  	_ =	swait.ge [sflag:s13], $0x4000  }
0x51: {  	[sflag:s13] =	ssyncset.done $0x0  }
0x52: {  	s26 =	simm.s32 $0x0;
	[sflag:s13] =	ssyncadd.s32 $0xFFFFC000  }
0x53: {  	[tilespmem:s12], [sflag:$0x3] =	stream.linear.gather [hbm4b:s8+s26], $0x1400, $0x38;
	[tilespmem:$0x1E800] =	vst v63  }
0x54: {  	_ =	swait.ge [sflag:s13], $0x1400  }
0x55: {  	[sflag:s13] =	ssyncset.done $0x0  }
0x56: {  	[sflag:s13] =	ssyncadd.s32 $0xFFFFEC00  }
0x57: {  	[tilespmem:s14], [sflag:$0x3] =	stream.linear.gather [hbm4b:s9+s26], $0x1400, $0x38;
	[tilespmem:$0x1E800] =	vst v63  }
0x58: {  	_ =	swait.ge [sflag:s13], $0x1400  }
0x59: {  	[sflag:s13] =	ssyncset.done $0x0  }
0x5a: {  	[sflag:s13] =	ssyncadd.s32 $0xFFFFEC00  }
0x5b: {  	[tilespmem:s16], [sflag:$0x1] =	stream.indirect.gather [hbm4b:s4+s15], $0x80, s12, s15, $0xb8;
	[tilespmem:$0x1E800] =	vst v63  }
0x5c: {  	_ = 	snop  }
0x5d: {  	[tilespmem:s18], [sflag:$0x2] =	stream.indirect.gather [hbm4b:s4+s15], $0x80, s17, s15, $0xb8;
	[tilespmem:$0x1E800] =	vst v63  }
0x5e: {  	_ =	swait.ge [sflag:s21], $0x4000  }
0x5f: {  	[sflag:s21] =	ssyncset.done $0x0  }
0x60: {  	s29 =	simm.s32 $0x15400;
	[sflag:s21] =	ssyncadd.s32 $0xFFFFC000  }
0x61: {  	[spmem:s1] =	stream.indirect.scatter.add.f32 [tilespmem:s16], [sflag:$0x3], $0x80, s29, s15, $0xb8;
	[tilespmem:$0x1E800] =	vst v63  }
0x62: {  	_ =	swait.ge [sflag:s13], $0x4000  }
0x63: {  	[sflag:s13] =	ssyncset.done $0x0  }
0x64: {  	s30 =	simm.s32 $0x14100;
	[sflag:s13] =	ssyncadd.s32 $0xFFFFC000  }
0x65: {  	[tilespmem:s16], [sflag:$0x1] =	stream.indirect.gather [hbm4b:s4+s15], $0x80, s30, s15, $0xb8;
	[tilespmem:$0x1E800] =	vst v63  }
0x66: {  	_ =	swait.ge [sflag:s22], $0x4000  }
0x67: {  	[sflag:s22] =	ssyncset.done $0x0  }
0x68: {  	s31 =	simm.s32 $0x15480;
	[sflag:s22] =	ssyncadd.s32 $0xFFFFC000  }
0x69: {  	[spmem:s1] =	stream.indirect.scatter.add.f32 [tilespmem:s18], [sflag:$0x3], $0x80, s31, s15, $0xb8;
	[tilespmem:$0x1E800] =	vst v63  }
0x6a: {  	_ =	swait.ge [sflag:s13], $0x4000  }
0x6b: {  	[sflag:s13] =	ssyncset.done $0x0  }
0x6c: {  	s28 =	simm.s32 $0x14180;
	s26 =	simm.s32 $0x400;
	[sflag:s13] =	ssyncadd.s32 $0xFFFFC000  }
.LBB2_4:
0x6d: {  	[tilespmem:s18], [sflag:$0x2] =	stream.indirect.gather [hbm4b:s4+s15], $0x80, s28, s15, $0xb8;
	[tilespmem:$0x1E800] =	vst v63  }
0x6e: {  	s28 =	smov.u32 s26  }
0x6f: {  	p0 =	sne.s32 s26, $0x4800;
	s26 =	sadd.s32 $0x400, s26;
	_ =	swait.ge [sflag:s21], $0x4000  }
0x70: {  	s28 =	sshra.s32 s28, $0x2;
	[sflag:s21] =	ssyncset.done $0x0  }
0x71: {  	s29 =	sadd.s32 $0x15400, s28;
	[sflag:s21] =	ssyncadd.s32 $0xFFFFC000  }
0x72: {  	[spmem:s1] =	stream.indirect.scatter.add.f32 [tilespmem:s16], [sflag:$0x3], $0x80, s29, s15, $0xb8;
	[tilespmem:$0x1E800] =	vst v63  }
0x73: {  	_ =	swait.ge [sflag:s13], $0x4000  }
0x74: {  	[sflag:s13] =	ssyncset.done $0x0  }
0x75: {  	s29 =	sadd.s32 $0x14100, s28;
	[sflag:s13] =	ssyncadd.s32 $0xFFFFC000  }
0x76: {  	[tilespmem:s16], [sflag:$0x1] =	stream.indirect.gather [hbm4b:s4+s15], $0x80, s29, s15, $0xb8;
	[tilespmem:$0x1E800] =	vst v63  }
0x77: {  	_ =	swait.ge [sflag:s22], $0x4000  }
0x78: {  	[sflag:s22] =	ssyncset.done $0x0  }
.Ltmp1:
0x79: {  	s29 =	sadd.s32 $0x15480, s28;
	[sflag:s22] =	ssyncadd.s32 $0xFFFFC000;
	(pc) =	sbr.rel @p0 .LBB2_4-.Ltmp1, $4  }
0x7a: {  	[spmem:s1] =	stream.indirect.scatter.add.f32 [tilespmem:s18], [sflag:$0x3], $0x80, s29, s15, $0xb8;
	[tilespmem:$0x1E800] =	vst v63  }
0x7b: {  	_ =	swait.ge [sflag:s13], $0x4000  }
0x7c: {  	[sflag:s13] =	ssyncset.done $0x0  }
0x7d: {  	s28 =	sadd.s32 $0x14180, s28;
	[sflag:s13] =	ssyncadd.s32 $0xFFFFC000  }
0x7e: {  	[tilespmem:s18], [sflag:$0x2] =	stream.indirect.gather [hbm4b:s4+s15], $0x80, s28, s15, $0xb8;
	[tilespmem:$0x1E800] =	vst v63  }
0x7f: {  	_ =	swait.ge [sflag:s21], $0x4000  }
0x80: {  	[sflag:s21] =	ssyncset.done $0x0  }
0x81: {  	[sflag:s21] =	ssyncadd.s32 $0xFFFFC000  }
0x82: {  	[spmem:s1] =	stream.indirect.scatter.add.f32 [tilespmem:s16], [sflag:$0x3], $0x80, s23, s15, $0xb8;
	[tilespmem:$0x1E800] =	vst v63  }
0x83: {  	_ =	swait.ge [sflag:s13], $0x4000  }
0x84: {  	[sflag:s13] =	ssyncset.done $0x0  }
0x85: {  	[sflag:s13] =	ssyncadd.s32 $0xFFFFC000  }
0x86: {  	_ =	swait.ge [sflag:s22], $0x4000  }
0x87: {  	[sflag:s22] =	ssyncset.done $0x0  }
0x88: {  	[sflag:s22] =	ssyncadd.s32 $0xFFFFC000  }
0x89: {  	[spmem:s1] =	stream.indirect.scatter.add.f32 [tilespmem:s18], [sflag:$0x3], $0x80, s24, s15, $0xb8;
	[tilespmem:$0x1E800] =	vst v63  }
0x8a: {  	_ =	swait.ge [sflag:s13], $0x4000  }
0x8b: {  	s25 =	sadd.s32 $0x1, s25;
	[sflag:s13] =	ssyncset.done $0x0  }
0x8c: {  	p0 =	sne.s32 s25, s11;
	[sflag:s13] =	ssyncadd.s32 $0xFFFFC000  }
.Ltmp2:
0x8d: {  	[bflag:$0x0] =	sbarrier.arrive $0xFFFF;
	(pc) =	sbr.rel @p0 .LBB2_1-.Ltmp2, $4  }
0x8e: {  	[hbm:s10], [sflag:s19] =	dma.local [spmem:s20], $0x2800  }
0x8f: {  	_ =	swait.ge [sflag:s13], $0x2800  }
0x90: {  	[sflag:s13] =	ssyncset.done $0x0  }
0x91: {  	[sflag:s13] =	ssyncadd.s32 $0xFFFFD800  }
0x92: {  	_ =	sfence.sel $0x180000  }
0x93: {  	[bflag:$0x0] =	sbarrier.arrive $0xFFFF  }
0x94: {  	p0 =	sne.s32 s2, $0x0;
	_ =	strace $0x9000004D  }
0x95: {  	s0 =	sadd.s32 @!p0 $0x100000, s0;
	[bflag:$0x2] =	sbarrier.arrive $0xFFFF  }
0x96: {  	[sflag:s0] =	ssyncadd.tile.s32 @!p0 $0x1;
	_ =	shalt  }
.Lfunc_end2:
_tile_overlayer_lowered:
.L_overlay_start_2:
0x97: {  	(tag) =	ssettag $0x2  }
0x98: {  	s0 =	rddreg [dreg:$0x0];
	s2 =	stileid.u32  }
0x99: {  	s1 =	rddreg [dreg:$0x1];
	p0 =	sne.s32 s2, $0x0  }
0x9a: {  	s3 =	rddreg [dreg:$0x2];
	[bflag:$0x3] =	sbarrier.arrive $0xFFFF;
	s2 =	simm.s32 @!p0 $0x1C03  }
0x9b: {  	[timem:s3], [sflag:s2] =	dma.local @!p0 [hbm:s0], s1  }
0x9c: {  	s0 =	simm.s32 @!p0 $0x3  }
0x9d: {  	_ =	swait.ge @!p0 [sflag:s0], s1  }
0x9e: {  	s1 =	ssub.s32 @!p0 $0x0, s1;
	[sflag:s0] =	ssyncset.done @!p0 $0x0  }
0x9f: {  	[sflag:s0] =	ssyncadd.s32 @!p0 s1  }
0xa0: {  	[bflag:$0x3] =	sbarrier.arrive $0xFFFF  }
0xa1: {  	_ =	shalt  }

// kernel: kernel.21.cloned.1.call-start
scs
__scs_entry_jumppad:
0x0: {  	(pc) =	sbr.rel $0x88, $3  }
0x1: {  	(tag) =	ssettag $0x0;
	lr =	simm.s32 $0x1  }
0x2: {  	[smem:$0x3F8E] =	sst lr;
	_ =	strace $0xD0000000  }
0x3: {  	_ = 	snop  }
0x4: {  	_ = 	snop  }
0x5: {  	_ = 	snop  }
0x6: {  	_ = 	snop  }
0x7: {  	_ = 	snop  }
__scs_overlays_trampoline_lowered:
0x8: {  	[smem:$0x3F9D] =	sst s0  }
0x9: {  	[smem:$0x3F9E] =	sst s1  }
0xa: {  	[smem:$0x3F9F] =	sst s2  }
0xb: {  	[smem:$0x3FA0] =	sst s3  }
0xc: {  	[smem:$0x3FA1] =	sst s4  }
0xd: {  	[smem:$0x3FA2] =	sst s5  }
0xe: {  	[smem:$0x3FA3] =	sst s6  }
0xf: {  	[smem:$0x3FA4] =	sst s7  }
0x10: {  	[smem:$0x3FA5] =	sst s8  }
0x11: {  	[smem:$0x3FA6] =	sst s9;
	s0 =	simm.s32 @!p0 $0x0  }
0x12: {  	s1 =	sld [smem:$0x3F8C];
	s0 =	simm.s32 @p0 $0x1  }
0x13: {  	[smem:$0x3FA7] =	sst s0;
	s0 =	simm.s32 @!p1 $0x0  }
0x14: {  	s2 =	sld [smem:$0x3F8B];
	s0 =	simm.s32 @p1 $0x1  }
0x15: {  	[smem:$0x3FA8] =	sst s0;
	s0 =	simm.s32 @!p2 $0x0  }
0x16: {  	s3 =	sld [smem:$0x3FDB];
	s0 =	simm.s32 @p2 $0x1  }
0x17: {  	s4 =	simm.s32 $0x1BF5;
	[smem:$0x3FAA] =	sst s0  }
0x18: {  	s0 =	sld [smem:$0x3F8D];
	_ =	swait.ge [sflag:s4], $0x0  }
0x19: {  	s7 =	sld [smem:$0x3F8E]  }
0x1a: {  	s8 =	sadd.s32 $0xFFFFE003, lr  }
0x1b: {  	s9 =	sadd.s32 $0xFFFFFEF7, lr;
	s5 =	simm.s32 $0xFFFFFFFF;
	p2 =	slt.u32 s8, $0xFFFFF086  }
0x1c: {  	p1 =	slt.u32 s9, $0xF7A;
	s5 =	simm.s32 @!p2 $0x0  }
0x1d: {  	s5 =	simm.s32 @p1 $0x1;
	p0 =	seq.s32 s7, s2  }
0x1e: {  	s7 =	smul.u32 @!p0 $0xF7A, s2;
	p2 =	seq.s32 @!p0 s5, $0x0  }
0x1f: {  	s9 =	smul.u32 $0xF7A, s1;
	s8 =	simm.s32 @!p0 $0x1BF5;
	p2 =	por !p2, p0  }
0x20: {  	[sflag:s8] =	ssyncset.s32 @!p0 $0xFFFFF086;
	s6 =	sadd.s32 @!p0 s3, s7;
	s7 =	simm.s32 @!p0 $0x108  }
0x21: {  	s3 =	sadd.s32 s3, s9;
	s6 =	sadd.s32 @!p0 $0x88, s6;
	s7 =	simm.s32 @p2 $0x1082  }
0x22: {  	[simem:s7], [sflag:s8] =	dma.local @!p0 [hbm:s6], $0xF7A  }
0x23: {  	s9 =	sor.u32 $0xD0000000, s2;
	s6 =	simm.s32 $0x108;
	_ =	swait.ge @!p0 [sflag:s8], $0x0  }
0x24: {  	s3 =	sadd.s32 $0x88, s3;
	s6 =	simm.s32 @!p1 $0x1082;
	[sflag:s4] =	ssyncset.s32 $0xFFFFF086  }
0x25: {  	[simem:s6], [sflag:s4] =	dma.local [hbm:s3], $0xF7A  }
0x26: {  	[smem:$0x3F8E] =	sst s1;
	(tag) =	ssettag s2;
	_ =	strace s9  }
0x27: {  	s1 =	sld [smem:$0x3F9E]  }
0x28: {  	s2 =	sld [smem:$0x3F9F]  }
0x29: {  	s4 =	sld [smem:$0x3FA1]  }
0x2a: {  	p0 =	seq.s32 s5, $0x0;
	s5 =	sld [smem:$0x3FA2]  }
0x2b: {  	s6 =	sld [smem:$0x3FA3]  }
0x2c: {  	s7 =	sld [smem:$0x3FA4]  }
0x2d: {  	s3 =	simm.s32 $0x108;
	s8 =	sld [smem:$0x3FA5]  }
0x2e: {  	s3 =	simm.s32 @!p0 $0x1082;
	s9 =	sld [smem:$0x3FA6]  }
0x2f: {  	lr =	sadd.s32 s0, s3;
	s0 =	sld [smem:$0x3F9D]  }
0x30: {  	s3 =	sld [smem:$0x3FA0]  }
0x31: {  	[smem:$0x3FA9] =	sst s10  }
0x32: {  	s10 =	sld [smem:$0x3FA7];
	_ =	sdelay $0x3  }
0x33: {  	p0 =	seq.s32 s10, $0x1;
	s10 =	sld [smem:$0x3FA9];
	_ =	sdelay $0x3  }
0x34: {  	[smem:$0x3FA9] =	sst s10  }
0x35: {  	s10 =	sld [smem:$0x3FA8];
	_ =	sdelay $0x3  }
0x36: {  	p1 =	seq.s32 s10, $0x1;
	s10 =	sld [smem:$0x3FA9];
	_ =	sdelay $0x3  }
0x37: {  	[smem:$0x3FA9] =	sst s10  }
0x38: {  	s10 =	sld [smem:$0x3FAA]  }
0x39: {  	_ = 	snop;
	(pc) =	sbr.ind lr, $3  }
0x3a: {  	_ = 	snop  }
0x3b: {  	_ = 	snop  }
0x3c: {  	p2 =	seq.s32 s10, $0x1;
	s10 =	sld [smem:$0x3FA9]  }
0x3d: {  	_ =	shalt  }
0x3e: {  	_ =	shalt  }
0x3f: {  	_ =	shalt  }
0x40: {  	_ =	shalt  }
0x41: {  	_ =	shalt  }
0x42: {  	_ =	shalt  }
0x43: {  	_ =	shalt  }
0x44: {  	_ =	shalt  }
0x45: {  	_ =	shalt  }
0x46: {  	_ =	shalt  }
0x47: {  	_ =	shalt  }
0x48: {  	_ =	shalt  }
0x49: {  	_ =	shalt  }
0x4a: {  	_ =	shalt  }
0x4b: {  	_ =	shalt  }
0x4c: {  	_ =	shalt  }
0x4d: {  	_ =	shalt  }
0x4e: {  	_ =	shalt  }
0x4f: {  	_ =	shalt  }
0x50: {  	_ =	shalt  }
0x51: {  	_ =	shalt  }
0x52: {  	_ =	shalt  }
0x53: {  	_ =	shalt  }
0x54: {  	_ =	shalt  }
0x55: {  	_ =	shalt  }
0x56: {  	_ =	shalt  }
0x57: {  	_ =	shalt  }
0x58: {  	_ =	shalt  }
0x59: {  	_ =	shalt  }
0x5a: {  	_ =	shalt  }
0x5b: {  	_ =	shalt  }
0x5c: {  	_ =	shalt  }
0x5d: {  	_ =	shalt  }
0x5e: {  	_ =	shalt  }
0x5f: {  	_ =	shalt  }
0x60: {  	_ =	shalt  }
0x61: {  	_ =	shalt  }
0x62: {  	_ =	shalt  }
0x63: {  	_ =	shalt  }
0x64: {  	_ =	shalt  }
0x65: {  	_ =	shalt  }
0x66: {  	_ =	shalt  }
0x67: {  	_ =	shalt  }
0x68: {  	_ =	shalt  }
0x69: {  	_ =	shalt  }
0x6a: {  	_ =	shalt  }
0x6b: {  	_ =	shalt  }
0x6c: {  	_ =	shalt  }
0x6d: {  	_ =	shalt  }
0x6e: {  	_ =	shalt  }
0x6f: {  	_ =	shalt  }
0x70: {  	_ =	shalt  }
0x71: {  	_ =	shalt  }
0x72: {  	_ =	shalt  }
0x73: {  	_ =	shalt  }
0x74: {  	_ =	shalt  }
0x75: {  	_ =	shalt  }
0x76: {  	_ =	shalt  }
0x77: {  	_ =	shalt  }
0x78: {  	_ =	shalt  }
0x79: {  	_ =	shalt  }
0x7a: {  	_ =	shalt  }
0x7b: {  	_ =	shalt  }
0x7c: {  	_ =	shalt  }
0x7d: {  	_ =	shalt  }
0x7e: {  	_ =	shalt  }
0x7f: {  	_ =	shalt  }
0x80: {  	_ =	shalt  }
0x81: {  	_ =	shalt  }
0x82: {  	_ =	shalt  }
0x83: {  	_ =	shalt  }
0x84: {  	_ =	shalt  }
0x85: {  	_ =	shalt  }
0x86: {  	_ =	shalt  }
0x87: {  	_ =	shalt  }
.Lfunc_end0:
.L_simem_size_0:
called_computation.3_lowered:
.L_overlay_start_0:
0x88: {  	s2 =	sld [smem:$0x3FD9]  }
0x89: {  	s3 =	sld [smem:$0x3FFE];
	_ =	sdelay $0x1  }
0x8a: {  	s1 =	srdreg.scid  }
0x8b: {  	s0 =	sand.u32 $0x1, s1  }
0x8c: {  	s17 =	sshll.u32 s0, $0xA;
	s2 =	sadd.s32 s3, s2  }
0x8d: {  	s2 =	sadd.s32 s2, s17  }
0x8e: {  	[smem:$0x3FB5] =	sst s2  }
0x8f: {  	_ = 	snop  }
0x90: {  	s2 =	sld [smem:$0x3FD0];
	(tm) =	ssettm $0x1  }
0x91: {  	s18 =	sld [smem:$0x3FFB];
	_ =	sdelay $0x3  }
0x92: {  	_ =	strace s18  }
0x93: {  	s3 =	sld [smem:$0x3FFC];
	_ =	sdelay $0x3  }
0x94: {  	_ =	strace s3  }
0x95: {  	s3 =	sld [smem:$0x3FFD];
	_ =	sdelay $0x3  }
0x96: {  	_ =	strace s3  }
0x97: {  	_ =	strace $0x8FFFFFFF  }
0x98: {  	s19 =	sld [smem:$0x3FDB];
	_ =	sdelay $0x1  }
0x99: {  	s4 =	simm.s32 $_scs_section_size  }
0x9a: {  	s5 =	simm.s32 $_size__tile_overlayer_lowered;
	s6 =	simm.s32 $_tile_overlayer_lowered  }
0x9b: {  	s22 =	simm.s32 $0x1BFF;
	s21 =	sshll.u32 s6, $0x1;
	s3 =	sadd.s32 s4, s19  }
0x9c: {  	s7 =	simm.s32 $0x0;
	s20 =	sshll.u32 s5, $0x1;
	s5 =	sadd.s32 s21, s3  }
0x9d: {  	[timem:s7], [sflag:s22] =	dma.local [hbm:s5], s20  }
0x9e: {  	_ =	swait.ge [sflag:s22], s20  }
0x9f: {  	s4 =	ssub.s32 $0x0, s20;
	[sflag:s22] =	ssyncset.done $0x0  }
0xa0: {  	[sflag:s22] =	ssyncadd.s32 s4;
	_ =	sdelay $0x1  }
0xa1: {  	s23 =	simm.s32 $0x1B8B  }
0xa2: {  	_ =	swait.ge [sflag:s23], $0x1  }
0xa3: {  	[sflag:s23] =	ssyncset.done $0x0  }
0xa4: {  	s25 =	simm.s32 $0x1B8E;
	s24 =	sld [smem:$0x3FFE];
	[sflag:s23] =	ssyncadd.s32 $0xFFFFFFFF  }
0xa5: {  	s26 =	simm.s32 $execute0_lowered;
	[smem:$0x3FD2] =	sst s25  }
0xa6: {  	s5 =	sshll.u32 s26, $0x1;
	_ =	strace $0x8000004F;
	[dreg:$0x1] =	wrdreg $0xFFFFFFFF  }
0xa7: {  	s28 =	simm.s32 $_size_execute0_lowered;
	s3 =	sadd.s32 s3, s5;
	[dreg:$0x0] =	wrdreg $0x0  }
0xa8: {  	s5 =	sshll.u32 s28, $0x1;
	[dreg:$0x2] =	wrdreg s3  }
0xa9: {  	[dreg:$0x3] =	wrdreg s5  }
0xaa: {  	[dreg:$0x4] =	wrdreg $0xC0  }
0xab: {  	_ =	task [dreg:s7], $0x5FFFF  }
0xac: {  	[dreg:$0x1] =	wrdreg $0xFFFFFFFF  }
0xad: {  	[dreg:$0x0] =	wrdreg $0x60  }
0xae: {  	[dreg:$0x2] =	wrdreg s24  }
0xaf: {  	[dreg:$0x3] =	wrdreg s2  }
0xb0: {  	[dreg:$0x4] =	wrdreg $0x0  }
0xb1: {  	[dreg:$0x5] =	wrdreg $0x9  }
0xb2: {  	_ =	task.clear_ibuf [dreg:s7], $0x6FFFF;
	_ =	strace $0x9000004F  }
0xb3: {  	s29 =	simm.s32 $0x9;
	_ =	strace $0x80000051  }
0xb4: {  	_ =	swait.ge [sflag:s29], $0x1  }
0xb5: {  	[sflag:s29] =	ssyncadd.s32 $0xFFFFFFFF  }
0xb6: {  	_ =	strace $0x90000051  }
0xb7: {  	_ =	sfence  }
0xb8: {  	s30 =	sld [smem:$0x0];
	_ =	sdelay $0x2  }
0xb9: {  	s31 =	sshll.u32 s1, $0xD;
	s1 =	sshrl.u32 s1, $0x2  }
0xba: {  	s3 =	sand.u32 $0x4000, s31;
	s1 =	sadd.s32 s1, s30  }
0xbb: {  	s0 =	sor.u32 s3, s0;
	s1 =	sshll.u32 s1, $0x11  }
0xbc: {  	s0 =	sor.u32 s1, s0  }
0xbd: {  	s0 =	sadd.s32 $0x8F2B, s0  }
0xbe: {  	[sflag:s0] =	ssyncadd.remote.s32 $0x1  }
0xbf: {  	_ =	sfence.sel $0xFFFF  }
0xc0: {  	[dreg:$0x0] =	wrdreg $0xFFFFFFFF;
	(pc) =	sbr.abs _section_cstart, $3  }
0xc1: {  	[dreg:$0x1] =	wrdreg $0xFFFFFFFF  }
0xc2: {  	_ =	task.clear_ibuf [dreg:s7], $0x2FFFF;
	_ =	strace $0x9FFFFFFF  }
0xc3: {  	(tm) =	ssettm $0x7FFFFFFF  }
tec
execute0_lowered:
.L_overlay_start_1:
0x0: {  	(tag) =	ssettag $0x1  }
0x1: {  	s6 =	rddreg [dreg:$0x0]  }
0x2: {  	s8 =	rddreg [dreg:$0x1]  }
0x3: {  	s1 =	rddreg [dreg:$0x2]  }
0x4: {  	s0 =	rddreg [dreg:$0x3];
	s3 =	simm.s32 $0x0;
	s4 =	srdreg.scid  }
0x5: {  	s2 =	stileid.u32;
	s16 =	simm.s32 $0x16800;
	s17 =	simm.s32 $0x14080  }
0x6: {  	s18 =	simm.s32 $0x1A800;
	s21 =	simm.s32 $0x1;
	s22 =	simm.s32 $0x2  }
0x7: {  	s23 =	simm.s32 $0x16700;
	s24 =	simm.s32 $0x16780;
	s25 =	simm.s32 $0x0  }
0x8: {  	[smem:$0x7FF] =	sst s3;
	s7 =	sand.u32 $0x1, s4;
	s5 =	sshll.u32 s2, $0x1  }
0x9: {  	s4 =	sadd.s32 $0x61800, s6;
	s10 =	smul.u32 $0x14000, s2;
	s12 =	sadd.s32 $0x4800, s6  }
0xa: {  	s14 =	smul.u32 $0x50000, s2;
	s19 =	sshll.u32 s2, $0x6;
	_ =	strace $0x80000050  }
0xb: {  	s9 =	smul.u32 $0x140000, s7;
	s11 =	sor.u32 s7, s5;
	s5 =	sadd.s32 $0xE800, s6  }
0xc: {  	s7 =	ssub.s32 $0x2, s7;
	s19 =	sor.u32 $0x1C03, s19;
	s13 =	smul.u32 $0x500, s11  }
0xd: {  	s28 =	smul.u32 $0x2800, s11;
	s29 =	sshrl.u32 s7, $0x1;
	s31 =	sshrl.u32 s14, $0x2  }
0xe: {  	s14 =	simm.s32 $0x15400;
	s9 =	sadd.s32 s10, s9;
	s11 =	ssub.s32 s7, s29  }
0xf: {  	s20 =	sadd.s32 s31, s1;
	s9 =	sshrl.u32 s9, $0x3;
	s30 =	sshrl.u32 s28, $0x3  }
0x10: {  	s7 =	sadd.s32 s12, s13;
	s11 =	smax.u32 s11, $0x1;
	s20 =	sshrl.u32 s20, $0x3  }
0x11: {  	s15 =	sadd.s32 s9, s6;
	s6 =	sadd.s32 s8, s13;
	s10 =	sadd.s32 $0x280, s30  }
0x12: {  	s13 =	simm.s32 $0x3;
	s8 =	sadd.s32 s8, s10;
	s9 =	sadd.s32 s12, s10  }
0x13: {  	s10 =	sadd.s32 $0x89800, s15;
	s12 =	simm.s32 $0x14000;
	s15 =	simm.s32 $0x80  }
.LBB2_1:
0x14: {  	[tilespmem:s12], [sflag:$0x3] =	stream.linear.gather [hbm4b:s6+s3], $0x1400, $0x38;
	[tilespmem:$0x1E800] =	vst v63  }
0x15: {  	_ =	swait.ge [sflag:s13], $0x1400  }
0x16: {  	[sflag:s13] =	ssyncset.done $0x0  }
0x17: {  	[sflag:s13] =	ssyncadd.s32 $0xFFFFEC00  }
0x18: {  	[tilespmem:s14], [sflag:$0x3] =	stream.linear.gather [hbm4b:s7+s3], $0x1400, $0x38;
	[tilespmem:$0x1E800] =	vst v63  }
0x19: {  	_ =	swait.ge [sflag:s13], $0x1400  }
0x1a: {  	[sflag:s13] =	ssyncset.done $0x0  }
0x1b: {  	[sflag:s13] =	ssyncadd.s32 $0xFFFFEC00  }
0x1c: {  	[tilespmem:s16], [sflag:$0x1] =	stream.indirect.gather [hbm4b:s4+s15], $0x80, s12, s15, $0xb8;
	[tilespmem:$0x1E800] =	vst v63  }
0x1d: {  	_ = 	snop  }
0x1e: {  	[tilespmem:s18], [sflag:$0x2] =	stream.indirect.gather [hbm4b:s4+s15], $0x80, s17, s15, $0xb8;
	[tilespmem:$0x1E800] =	vst v63  }
0x1f: {  	[spmem:s20], [sflag:s19] =	dma.local [hbm:s5], $0x2800  }
0x20: {  	_ =	swait.ge [sflag:s13], $0x2800  }
0x21: {  	[sflag:s13] =	ssyncset.done $0x0  }
0x22: {  	[sflag:s13] =	ssyncadd.s32 $0xFFFFD800  }
0x23: {  	[bflag:$0x0] =	sbarrier.arrive $0xFFFF  }
0x24: {  	_ =	swait.ge [sflag:s21], $0x4000  }
0x25: {  	[sflag:s21] =	ssyncset.done $0x0  }
0x26: {  	s26 =	simm.s32 $0x15400;
	[sflag:s21] =	ssyncadd.s32 $0xFFFFC000  }
0x27: {  	[spmem:s1] =	stream.indirect.scatter.add.f32 [tilespmem:s16], [sflag:$0x3], $0x80, s26, s15, $0xb8;
	[tilespmem:$0x1E800] =	vst v63  }
0x28: {  	_ =	swait.ge [sflag:s13], $0x4000  }
0x29: {  	[sflag:s13] =	ssyncset.done $0x0  }
0x2a: {  	s30 =	simm.s32 $0x14100;
	[sflag:s13] =	ssyncadd.s32 $0xFFFFC000  }
0x2b: {  	[tilespmem:s16], [sflag:$0x1] =	stream.indirect.gather [hbm4b:s4+s15], $0x80, s30, s15, $0xb8;
	[tilespmem:$0x1E800] =	vst v63  }
0x2c: {  	_ =	swait.ge [sflag:s22], $0x4000  }
0x2d: {  	[sflag:s22] =	ssyncset.done $0x0  }
0x2e: {  	s31 =	simm.s32 $0x15480;
	[sflag:s22] =	ssyncadd.s32 $0xFFFFC000  }
0x2f: {  	[spmem:s1] =	stream.indirect.scatter.add.f32 [tilespmem:s18], [sflag:$0x3], $0x80, s31, s15, $0xb8;
	[tilespmem:$0x1E800] =	vst v63  }
0x30: {  	_ =	swait.ge [sflag:s13], $0x4000  }
0x31: {  	[sflag:s13] =	ssyncset.done $0x0  }
0x32: {  	s28 =	simm.s32 $0x14180;
	s26 =	simm.s32 $0x400;
	[sflag:s13] =	ssyncadd.s32 $0xFFFFC000  }
.LBB2_2:
0x33: {  	[tilespmem:s18], [sflag:$0x2] =	stream.indirect.gather [hbm4b:s4+s15], $0x80, s28, s15, $0xb8;
	[tilespmem:$0x1E800] =	vst v63  }
0x34: {  	s28 =	smov.u32 s26  }
0x35: {  	p0 =	sne.s32 s26, $0x4800;
	s26 =	sadd.s32 $0x400, s26;
	_ =	swait.ge [sflag:s21], $0x4000  }
0x36: {  	s28 =	sshra.s32 s28, $0x2;
	[sflag:s21] =	ssyncset.done $0x0  }
0x37: {  	s29 =	sadd.s32 $0x15400, s28;
	[sflag:s21] =	ssyncadd.s32 $0xFFFFC000  }
0x38: {  	[spmem:s1] =	stream.indirect.scatter.add.f32 [tilespmem:s16], [sflag:$0x3], $0x80, s29, s15, $0xb8;
	[tilespmem:$0x1E800] =	vst v63  }
0x39: {  	_ =	swait.ge [sflag:s13], $0x4000  }
0x3a: {  	[sflag:s13] =	ssyncset.done $0x0  }
0x3b: {  	s29 =	sadd.s32 $0x14100, s28;
	[sflag:s13] =	ssyncadd.s32 $0xFFFFC000  }
0x3c: {  	[tilespmem:s16], [sflag:$0x1] =	stream.indirect.gather [hbm4b:s4+s15], $0x80, s29, s15, $0xb8;
	[tilespmem:$0x1E800] =	vst v63  }
0x3d: {  	_ =	swait.ge [sflag:s22], $0x4000  }
0x3e: {  	[sflag:s22] =	ssyncset.done $0x0  }
.Ltmp0:
0x3f: {  	s29 =	sadd.s32 $0x15480, s28;
	[sflag:s22] =	ssyncadd.s32 $0xFFFFC000;
	(pc) =	sbr.rel @p0 .LBB2_2-.Ltmp0, $4  }
0x40: {  	[spmem:s1] =	stream.indirect.scatter.add.f32 [tilespmem:s18], [sflag:$0x3], $0x80, s29, s15, $0xb8;
	[tilespmem:$0x1E800] =	vst v63  }
0x41: {  	_ =	swait.ge [sflag:s13], $0x4000  }
0x42: {  	[sflag:s13] =	ssyncset.done $0x0  }
0x43: {  	s28 =	sadd.s32 $0x14180, s28;
	[sflag:s13] =	ssyncadd.s32 $0xFFFFC000  }
0x44: {  	[tilespmem:s18], [sflag:$0x2] =	stream.indirect.gather [hbm4b:s4+s15], $0x80, s28, s15, $0xb8;
	[tilespmem:$0x1E800] =	vst v63  }
0x45: {  	_ =	swait.ge [sflag:s21], $0x4000  }
0x46: {  	[sflag:s21] =	ssyncset.done $0x0  }
0x47: {  	[sflag:s21] =	ssyncadd.s32 $0xFFFFC000  }
0x48: {  	[spmem:s1] =	stream.indirect.scatter.add.f32 [tilespmem:s16], [sflag:$0x3], $0x80, s23, s15, $0xb8;
	[tilespmem:$0x1E800] =	vst v63  }
0x49: {  	_ =	swait.ge [sflag:s13], $0x4000  }
0x4a: {  	[sflag:s13] =	ssyncset.done $0x0  }
0x4b: {  	[sflag:s13] =	ssyncadd.s32 $0xFFFFC000  }
0x4c: {  	_ =	swait.ge [sflag:s22], $0x4000  }
0x4d: {  	[sflag:s22] =	ssyncset.done $0x0  }
0x4e: {  	[sflag:s22] =	ssyncadd.s32 $0xFFFFC000  }
0x4f: {  	[spmem:s1] =	stream.indirect.scatter.add.f32 [tilespmem:s18], [sflag:$0x3], $0x80, s24, s15, $0xb8;
	[tilespmem:$0x1E800] =	vst v63  }
0x50: {  	_ =	swait.ge [sflag:s13], $0x4000  }
0x51: {  	[sflag:s13] =	ssyncset.done $0x0  }
0x52: {  	s26 =	simm.s32 $0x0;
	[sflag:s13] =	ssyncadd.s32 $0xFFFFC000  }
0x53: {  	[tilespmem:s12], [sflag:$0x3] =	stream.linear.gather [hbm4b:s8+s26], $0x1400, $0x38;
	[tilespmem:$0x1E800] =	vst v63  }
0x54: {  	_ =	swait.ge [sflag:s13], $0x1400  }
0x55: {  	[sflag:s13] =	ssyncset.done $0x0  }
0x56: {  	[sflag:s13] =	ssyncadd.s32 $0xFFFFEC00  }
0x57: {  	[tilespmem:s14], [sflag:$0x3] =	stream.linear.gather [hbm4b:s9+s26], $0x1400, $0x38;
	[tilespmem:$0x1E800] =	vst v63  }
0x58: {  	_ =	swait.ge [sflag:s13], $0x1400  }
0x59: {  	[sflag:s13] =	ssyncset.done $0x0  }
0x5a: {  	[sflag:s13] =	ssyncadd.s32 $0xFFFFEC00  }
0x5b: {  	[tilespmem:s16], [sflag:$0x1] =	stream.indirect.gather [hbm4b:s4+s15], $0x80, s12, s15, $0xb8;
	[tilespmem:$0x1E800] =	vst v63  }
0x5c: {  	_ = 	snop  }
0x5d: {  	[tilespmem:s18], [sflag:$0x2] =	stream.indirect.gather [hbm4b:s4+s15], $0x80, s17, s15, $0xb8;
	[tilespmem:$0x1E800] =	vst v63  }
0x5e: {  	_ =	swait.ge [sflag:s21], $0x4000  }
0x5f: {  	[sflag:s21] =	ssyncset.done $0x0  }
0x60: {  	s29 =	simm.s32 $0x15400;
	[sflag:s21] =	ssyncadd.s32 $0xFFFFC000  }
0x61: {  	[spmem:s1] =	stream.indirect.scatter.add.f32 [tilespmem:s16], [sflag:$0x3], $0x80, s29, s15, $0xb8;
	[tilespmem:$0x1E800] =	vst v63  }
0x62: {  	_ =	swait.ge [sflag:s13], $0x4000  }
0x63: {  	[sflag:s13] =	ssyncset.done $0x0  }
0x64: {  	s30 =	simm.s32 $0x14100;
	[sflag:s13] =	ssyncadd.s32 $0xFFFFC000  }
0x65: {  	[tilespmem:s16], [sflag:$0x1] =	stream.indirect.gather [hbm4b:s4+s15], $0x80, s30, s15, $0xb8;
	[tilespmem:$0x1E800] =	vst v63  }
0x66: {  	_ =	swait.ge [sflag:s22], $0x4000  }
0x67: {  	[sflag:s22] =	ssyncset.done $0x0  }
0x68: {  	s31 =	simm.s32 $0x15480;
	[sflag:s22] =	ssyncadd.s32 $0xFFFFC000  }
0x69: {  	[spmem:s1] =	stream.indirect.scatter.add.f32 [tilespmem:s18], [sflag:$0x3], $0x80, s31, s15, $0xb8;
	[tilespmem:$0x1E800] =	vst v63  }
0x6a: {  	_ =	swait.ge [sflag:s13], $0x4000  }
0x6b: {  	[sflag:s13] =	ssyncset.done $0x0  }
0x6c: {  	s28 =	simm.s32 $0x14180;
	s26 =	simm.s32 $0x400;
	[sflag:s13] =	ssyncadd.s32 $0xFFFFC000  }
.LBB2_4:
0x6d: {  	[tilespmem:s18], [sflag:$0x2] =	stream.indirect.gather [hbm4b:s4+s15], $0x80, s28, s15, $0xb8;
	[tilespmem:$0x1E800] =	vst v63  }
0x6e: {  	s28 =	smov.u32 s26  }
0x6f: {  	p0 =	sne.s32 s26, $0x4800;
	s26 =	sadd.s32 $0x400, s26;
	_ =	swait.ge [sflag:s21], $0x4000  }
0x70: {  	s28 =	sshra.s32 s28, $0x2;
	[sflag:s21] =	ssyncset.done $0x0  }
0x71: {  	s29 =	sadd.s32 $0x15400, s28;
	[sflag:s21] =	ssyncadd.s32 $0xFFFFC000  }
0x72: {  	[spmem:s1] =	stream.indirect.scatter.add.f32 [tilespmem:s16], [sflag:$0x3], $0x80, s29, s15, $0xb8;
	[tilespmem:$0x1E800] =	vst v63  }
0x73: {  	_ =	swait.ge [sflag:s13], $0x4000  }
0x74: {  	[sflag:s13] =	ssyncset.done $0x0  }
0x75: {  	s29 =	sadd.s32 $0x14100, s28;
	[sflag:s13] =	ssyncadd.s32 $0xFFFFC000  }
0x76: {  	[tilespmem:s16], [sflag:$0x1] =	stream.indirect.gather [hbm4b:s4+s15], $0x80, s29, s15, $0xb8;
	[tilespmem:$0x1E800] =	vst v63  }
0x77: {  	_ =	swait.ge [sflag:s22], $0x4000  }
0x78: {  	[sflag:s22] =	ssyncset.done $0x0  }
.Ltmp1:
0x79: {  	s29 =	sadd.s32 $0x15480, s28;
	[sflag:s22] =	ssyncadd.s32 $0xFFFFC000;
	(pc) =	sbr.rel @p0 .LBB2_4-.Ltmp1, $4  }
0x7a: {  	[spmem:s1] =	stream.indirect.scatter.add.f32 [tilespmem:s18], [sflag:$0x3], $0x80, s29, s15, $0xb8;
	[tilespmem:$0x1E800] =	vst v63  }
0x7b: {  	_ =	swait.ge [sflag:s13], $0x4000  }
0x7c: {  	[sflag:s13] =	ssyncset.done $0x0  }
0x7d: {  	s28 =	sadd.s32 $0x14180, s28;
	[sflag:s13] =	ssyncadd.s32 $0xFFFFC000  }
0x7e: {  	[tilespmem:s18], [sflag:$0x2] =	stream.indirect.gather [hbm4b:s4+s15], $0x80, s28, s15, $0xb8;
	[tilespmem:$0x1E800] =	vst v63  }
0x7f: {  	_ =	swait.ge [sflag:s21], $0x4000  }
0x80: {  	[sflag:s21] =	ssyncset.done $0x0  }
0x81: {  	[sflag:s21] =	ssyncadd.s32 $0xFFFFC000  }
0x82: {  	[spmem:s1] =	stream.indirect.scatter.add.f32 [tilespmem:s16], [sflag:$0x3], $0x80, s23, s15, $0xb8;
	[tilespmem:$0x1E800] =	vst v63  }
0x83: {  	_ =	swait.ge [sflag:s13], $0x4000  }
0x84: {  	[sflag:s13] =	ssyncset.done $0x0  }
0x85: {  	[sflag:s13] =	ssyncadd.s32 $0xFFFFC000  }
0x86: {  	_ =	swait.ge [sflag:s22], $0x4000  }
0x87: {  	[sflag:s22] =	ssyncset.done $0x0  }
0x88: {  	[sflag:s22] =	ssyncadd.s32 $0xFFFFC000  }
0x89: {  	[spmem:s1] =	stream.indirect.scatter.add.f32 [tilespmem:s18], [sflag:$0x3], $0x80, s24, s15, $0xb8;
	[tilespmem:$0x1E800] =	vst v63  }
0x8a: {  	_ =	swait.ge [sflag:s13], $0x4000  }
0x8b: {  	s25 =	sadd.s32 $0x1, s25;
	[sflag:s13] =	ssyncset.done $0x0  }
0x8c: {  	p0 =	sne.s32 s25, s11;
	[sflag:s13] =	ssyncadd.s32 $0xFFFFC000  }
.Ltmp2:
0x8d: {  	[bflag:$0x0] =	sbarrier.arrive $0xFFFF;
	(pc) =	sbr.rel @p0 .LBB2_1-.Ltmp2, $4  }
0x8e: {  	[hbm:s10], [sflag:s19] =	dma.local [spmem:s20], $0x2800  }
0x8f: {  	_ =	swait.ge [sflag:s13], $0x2800  }
0x90: {  	[sflag:s13] =	ssyncset.done $0x0  }
0x91: {  	[sflag:s13] =	ssyncadd.s32 $0xFFFFD800  }
0x92: {  	_ =	sfence.sel $0x180000  }
0x93: {  	[bflag:$0x0] =	sbarrier.arrive $0xFFFF  }
0x94: {  	p0 =	sne.s32 s2, $0x0;
	_ =	strace $0x90000050  }
0x95: {  	s0 =	sadd.s32 @!p0 $0x100000, s0;
	[bflag:$0x2] =	sbarrier.arrive $0xFFFF  }
0x96: {  	[sflag:s0] =	ssyncadd.tile.s32 @!p0 $0x1;
	_ =	shalt  }
.Lfunc_end2:
_tile_overlayer_lowered:
.L_overlay_start_2:
0x97: {  	(tag) =	ssettag $0x2  }
0x98: {  	s0 =	rddreg [dreg:$0x0];
	s2 =	stileid.u32  }
0x99: {  	s1 =	rddreg [dreg:$0x1];
	p0 =	sne.s32 s2, $0x0  }
0x9a: {  	s3 =	rddreg [dreg:$0x2];
	[bflag:$0x3] =	sbarrier.arrive $0xFFFF;
	s2 =	simm.s32 @!p0 $0x1C03  }
0x9b: {  	[timem:s3], [sflag:s2] =	dma.local @!p0 [hbm:s0], s1  }
0x9c: {  	s0 =	simm.s32 @!p0 $0x3  }
0x9d: {  	_ =	swait.ge @!p0 [sflag:s0], s1  }
0x9e: {  	s1 =	ssub.s32 @!p0 $0x0, s1;
	[sflag:s0] =	ssyncset.done @!p0 $0x0  }
0x9f: {  	[sflag:s0] =	ssyncadd.s32 @!p0 s1  }
0xa0: {  	[bflag:$0x3] =	sbarrier.arrive $0xFFFF  }
0xa1: {  	_ =	shalt  }

// kernel: kernel.24.cloned.1.call-start
scs
__scs_entry_jumppad:
0x0: {  	(pc) =	sbr.rel $0x88, $3  }
0x1: {  	(tag) =	ssettag $0x0;
	lr =	simm.s32 $0x1  }
0x2: {  	[smem:$0x3F8E] =	sst lr;
	_ =	strace $0xD0000000  }
0x3: {  	_ = 	snop  }
0x4: {  	_ = 	snop  }
0x5: {  	_ = 	snop  }
0x6: {  	_ = 	snop  }
0x7: {  	_ = 	snop  }
__scs_overlays_trampoline_lowered:
0x8: {  	[smem:$0x3F9D] =	sst s0  }
0x9: {  	[smem:$0x3F9E] =	sst s1  }
0xa: {  	[smem:$0x3F9F] =	sst s2  }
0xb: {  	[smem:$0x3FA0] =	sst s3  }
0xc: {  	[smem:$0x3FA1] =	sst s4  }
0xd: {  	[smem:$0x3FA2] =	sst s5  }
0xe: {  	[smem:$0x3FA3] =	sst s6  }
0xf: {  	[smem:$0x3FA4] =	sst s7  }
0x10: {  	[smem:$0x3FA5] =	sst s8  }
0x11: {  	[smem:$0x3FA6] =	sst s9;
	s0 =	simm.s32 @!p0 $0x0  }
0x12: {  	s1 =	sld [smem:$0x3F8C];
	s0 =	simm.s32 @p0 $0x1  }
0x13: {  	[smem:$0x3FA7] =	sst s0;
	s0 =	simm.s32 @!p1 $0x0  }
0x14: {  	s2 =	sld [smem:$0x3F8B];
	s0 =	simm.s32 @p1 $0x1  }
0x15: {  	[smem:$0x3FA8] =	sst s0;
	s0 =	simm.s32 @!p2 $0x0  }
0x16: {  	s3 =	sld [smem:$0x3FDB];
	s0 =	simm.s32 @p2 $0x1  }
0x17: {  	s4 =	simm.s32 $0x1BF5;
	[smem:$0x3FAA] =	sst s0  }
0x18: {  	s0 =	sld [smem:$0x3F8D];
	_ =	swait.ge [sflag:s4], $0x0  }
0x19: {  	s7 =	sld [smem:$0x3F8E]  }
0x1a: {  	s8 =	sadd.s32 $0xFFFFE003, lr  }
0x1b: {  	s9 =	sadd.s32 $0xFFFFFEF7, lr;
	s5 =	simm.s32 $0xFFFFFFFF;
	p2 =	slt.u32 s8, $0xFFFFF086  }
0x1c: {  	p1 =	slt.u32 s9, $0xF7A;
	s5 =	simm.s32 @!p2 $0x0  }
0x1d: {  	s5 =	simm.s32 @p1 $0x1;
	p0 =	seq.s32 s7, s2  }
0x1e: {  	s7 =	smul.u32 @!p0 $0xF7A, s2;
	p2 =	seq.s32 @!p0 s5, $0x0  }
0x1f: {  	s9 =	smul.u32 $0xF7A, s1;
	s8 =	simm.s32 @!p0 $0x1BF5;
	p2 =	por !p2, p0  }
0x20: {  	[sflag:s8] =	ssyncset.s32 @!p0 $0xFFFFF086;
	s6 =	sadd.s32 @!p0 s3, s7;
	s7 =	simm.s32 @!p0 $0x108  }
0x21: {  	s3 =	sadd.s32 s3, s9;
	s6 =	sadd.s32 @!p0 $0x88, s6;
	s7 =	simm.s32 @p2 $0x1082  }
0x22: {  	[simem:s7], [sflag:s8] =	dma.local @!p0 [hbm:s6], $0xF7A  }
0x23: {  	s9 =	sor.u32 $0xD0000000, s2;
	s6 =	simm.s32 $0x108;
	_ =	swait.ge @!p0 [sflag:s8], $0x0  }
0x24: {  	s3 =	sadd.s32 $0x88, s3;
	s6 =	simm.s32 @!p1 $0x1082;
	[sflag:s4] =	ssyncset.s32 $0xFFFFF086  }
0x25: {  	[simem:s6], [sflag:s4] =	dma.local [hbm:s3], $0xF7A  }
0x26: {  	[smem:$0x3F8E] =	sst s1;
	(tag) =	ssettag s2;
	_ =	strace s9  }
0x27: {  	s1 =	sld [smem:$0x3F9E]  }
0x28: {  	s2 =	sld [smem:$0x3F9F]  }
0x29: {  	s4 =	sld [smem:$0x3FA1]  }
0x2a: {  	p0 =	seq.s32 s5, $0x0;
	s5 =	sld [smem:$0x3FA2]  }
0x2b: {  	s6 =	sld [smem:$0x3FA3]  }
0x2c: {  	s7 =	sld [smem:$0x3FA4]  }
0x2d: {  	s3 =	simm.s32 $0x108;
	s8 =	sld [smem:$0x3FA5]  }
0x2e: {  	s3 =	simm.s32 @!p0 $0x1082;
	s9 =	sld [smem:$0x3FA6]  }
0x2f: {  	lr =	sadd.s32 s0, s3;
	s0 =	sld [smem:$0x3F9D]  }
0x30: {  	s3 =	sld [smem:$0x3FA0]  }
0x31: {  	[smem:$0x3FA9] =	sst s10  }
0x32: {  	s10 =	sld [smem:$0x3FA7];
	_ =	sdelay $0x3  }
0x33: {  	p0 =	seq.s32 s10, $0x1;
	s10 =	sld [smem:$0x3FA9];
	_ =	sdelay $0x3  }
0x34: {  	[smem:$0x3FA9] =	sst s10  }
0x35: {  	s10 =	sld [smem:$0x3FA8];
	_ =	sdelay $0x3  }
0x36: {  	p1 =	seq.s32 s10, $0x1;
	s10 =	sld [smem:$0x3FA9];
	_ =	sdelay $0x3  }
0x37: {  	[smem:$0x3FA9] =	sst s10  }
0x38: {  	s10 =	sld [smem:$0x3FAA]  }
0x39: {  	_ = 	snop;
	(pc) =	sbr.ind lr, $3  }
0x3a: {  	_ = 	snop  }
0x3b: {  	_ = 	snop  }
0x3c: {  	p2 =	seq.s32 s10, $0x1;
	s10 =	sld [smem:$0x3FA9]  }
0x3d: {  	_ =	shalt  }
0x3e: {  	_ =	shalt  }
0x3f: {  	_ =	shalt  }
0x40: {  	_ =	shalt  }
0x41: {  	_ =	shalt  }
0x42: {  	_ =	shalt  }
0x43: {  	_ =	shalt  }
0x44: {  	_ =	shalt  }
0x45: {  	_ =	shalt  }
0x46: {  	_ =	shalt  }
0x47: {  	_ =	shalt  }
0x48: {  	_ =	shalt  }
0x49: {  	_ =	shalt  }
0x4a: {  	_ =	shalt  }
0x4b: {  	_ =	shalt  }
0x4c: {  	_ =	shalt  }
0x4d: {  	_ =	shalt  }
0x4e: {  	_ =	shalt  }
0x4f: {  	_ =	shalt  }
0x50: {  	_ =	shalt  }
0x51: {  	_ =	shalt  }
0x52: {  	_ =	shalt  }
0x53: {  	_ =	shalt  }
0x54: {  	_ =	shalt  }
0x55: {  	_ =	shalt  }
0x56: {  	_ =	shalt  }
0x57: {  	_ =	shalt  }
0x58: {  	_ =	shalt  }
0x59: {  	_ =	shalt  }
0x5a: {  	_ =	shalt  }
0x5b: {  	_ =	shalt  }
0x5c: {  	_ =	shalt  }
0x5d: {  	_ =	shalt  }
0x5e: {  	_ =	shalt  }
0x5f: {  	_ =	shalt  }
0x60: {  	_ =	shalt  }
0x61: {  	_ =	shalt  }
0x62: {  	_ =	shalt  }
0x63: {  	_ =	shalt  }
0x64: {  	_ =	shalt  }
0x65: {  	_ =	shalt  }
0x66: {  	_ =	shalt  }
0x67: {  	_ =	shalt  }
0x68: {  	_ =	shalt  }
0x69: {  	_ =	shalt  }
0x6a: {  	_ =	shalt  }
0x6b: {  	_ =	shalt  }
0x6c: {  	_ =	shalt  }
0x6d: {  	_ =	shalt  }
0x6e: {  	_ =	shalt  }
0x6f: {  	_ =	shalt  }
0x70: {  	_ =	shalt  }
0x71: {  	_ =	shalt  }
0x72: {  	_ =	shalt  }
0x73: {  	_ =	shalt  }
0x74: {  	_ =	shalt  }
0x75: {  	_ =	shalt  }
0x76: {  	_ =	shalt  }
0x77: {  	_ =	shalt  }
0x78: {  	_ =	shalt  }
0x79: {  	_ =	shalt  }
0x7a: {  	_ =	shalt  }
0x7b: {  	_ =	shalt  }
0x7c: {  	_ =	shalt  }
0x7d: {  	_ =	shalt  }
0x7e: {  	_ =	shalt  }
0x7f: {  	_ =	shalt  }
0x80: {  	_ =	shalt  }
0x81: {  	_ =	shalt  }
0x82: {  	_ =	shalt  }
0x83: {  	_ =	shalt  }
0x84: {  	_ =	shalt  }
0x85: {  	_ =	shalt  }
0x86: {  	_ =	shalt  }
0x87: {  	_ =	shalt  }
.Lfunc_end0:
.L_simem_size_0:
called_computation.4_lowered:
.L_overlay_start_0:
0x88: {  	s2 =	sld [smem:$0x3FD9]  }
0x89: {  	s3 =	sld [smem:$0x3FFE];
	_ =	sdelay $0x1  }
0x8a: {  	s1 =	srdreg.scid  }
0x8b: {  	s0 =	sand.u32 $0x1, s1  }
0x8c: {  	s17 =	sshll.u32 s0, $0xA;
	s2 =	sadd.s32 s3, s2  }
0x8d: {  	s2 =	sadd.s32 s2, s17  }
0x8e: {  	[smem:$0x3FB5] =	sst s2  }
0x8f: {  	_ = 	snop  }
0x90: {  	s2 =	sld [smem:$0x3FD0];
	(tm) =	ssettm $0x1  }
0x91: {  	s18 =	sld [smem:$0x3FFB];
	_ =	sdelay $0x3  }
0x92: {  	_ =	strace s18  }
0x93: {  	s3 =	sld [smem:$0x3FFC];
	_ =	sdelay $0x3  }
0x94: {  	_ =	strace s3  }
0x95: {  	s3 =	sld [smem:$0x3FFD];
	_ =	sdelay $0x3  }
0x96: {  	_ =	strace s3  }
0x97: {  	_ =	strace $0x8FFFFFFF  }
0x98: {  	s19 =	sld [smem:$0x3FDB];
	_ =	sdelay $0x1  }
0x99: {  	s4 =	simm.s32 $_scs_section_size  }
0x9a: {  	s5 =	simm.s32 $_size__tile_overlayer_lowered;
	s6 =	simm.s32 $_tile_overlayer_lowered  }
0x9b: {  	s22 =	simm.s32 $0x1BFF;
	s21 =	sshll.u32 s6, $0x1;
	s3 =	sadd.s32 s4, s19  }
0x9c: {  	s7 =	simm.s32 $0x0;
	s20 =	sshll.u32 s5, $0x1;
	s5 =	sadd.s32 s21, s3  }
0x9d: {  	[timem:s7], [sflag:s22] =	dma.local [hbm:s5], s20  }
0x9e: {  	_ =	swait.ge [sflag:s22], s20  }
0x9f: {  	s4 =	ssub.s32 $0x0, s20;
	[sflag:s22] =	ssyncset.done $0x0  }
0xa0: {  	[sflag:s22] =	ssyncadd.s32 s4;
	_ =	sdelay $0x1  }
0xa1: {  	s23 =	simm.s32 $0x1B8B  }
0xa2: {  	_ =	swait.ge [sflag:s23], $0x1  }
0xa3: {  	[sflag:s23] =	ssyncset.done $0x0  }
0xa4: {  	s25 =	simm.s32 $0x1B8E;
	s24 =	sld [smem:$0x3FFE];
	[sflag:s23] =	ssyncadd.s32 $0xFFFFFFFF  }
0xa5: {  	s26 =	simm.s32 $execute0_lowered;
	[smem:$0x3FD2] =	sst s25  }
0xa6: {  	s5 =	sshll.u32 s26, $0x1;
	_ =	strace $0x80000052;
	[dreg:$0x1] =	wrdreg $0xFFFFFFFF  }
0xa7: {  	s28 =	simm.s32 $_size_execute0_lowered;
	s3 =	sadd.s32 s3, s5;
	[dreg:$0x0] =	wrdreg $0x0  }
0xa8: {  	s5 =	sshll.u32 s28, $0x1;
	[dreg:$0x2] =	wrdreg s3  }
0xa9: {  	[dreg:$0x3] =	wrdreg s5  }
0xaa: {  	[dreg:$0x4] =	wrdreg $0xC0  }
0xab: {  	_ =	task [dreg:s7], $0x5FFFF  }
0xac: {  	[dreg:$0x1] =	wrdreg $0xFFFFFFFF  }
0xad: {  	[dreg:$0x0] =	wrdreg $0x60  }
0xae: {  	[dreg:$0x2] =	wrdreg s24  }
0xaf: {  	[dreg:$0x3] =	wrdreg s2  }
0xb0: {  	[dreg:$0x4] =	wrdreg $0x0  }
0xb1: {  	[dreg:$0x5] =	wrdreg $0x9  }
0xb2: {  	_ =	task.clear_ibuf [dreg:s7], $0x6FFFF;
	_ =	strace $0x90000052  }
0xb3: {  	s29 =	simm.s32 $0x9;
	_ =	strace $0x80000054  }
0xb4: {  	_ =	swait.ge [sflag:s29], $0x1  }
0xb5: {  	[sflag:s29] =	ssyncadd.s32 $0xFFFFFFFF  }
0xb6: {  	_ =	strace $0x90000054  }
0xb7: {  	_ =	sfence  }
0xb8: {  	s30 =	sld [smem:$0x0];
	_ =	sdelay $0x2  }
0xb9: {  	s31 =	sshll.u32 s1, $0xD;
	s1 =	sshrl.u32 s1, $0x2  }
0xba: {  	s3 =	sand.u32 $0x4000, s31;
	s1 =	sadd.s32 s1, s30  }
0xbb: {  	s0 =	sor.u32 s3, s0;
	s1 =	sshll.u32 s1, $0x11  }
0xbc: {  	s0 =	sor.u32 s1, s0  }
0xbd: {  	s0 =	sadd.s32 $0x8F2B, s0  }
0xbe: {  	[sflag:s0] =	ssyncadd.remote.s32 $0x1  }
0xbf: {  	_ =	sfence.sel $0xFFFF  }
0xc0: {  	[dreg:$0x0] =	wrdreg $0xFFFFFFFF;
	(pc) =	sbr.abs _section_cstart, $3  }
0xc1: {  	[dreg:$0x1] =	wrdreg $0xFFFFFFFF  }
0xc2: {  	_ =	task.clear_ibuf [dreg:s7], $0x2FFFF;
	_ =	strace $0x9FFFFFFF  }
0xc3: {  	(tm) =	ssettm $0x7FFFFFFF  }
tec
execute0_lowered:
.L_overlay_start_1:
0x0: {  	(tag) =	ssettag $0x1  }
0x1: {  	s6 =	rddreg [dreg:$0x0]  }
0x2: {  	s8 =	rddreg [dreg:$0x1]  }
0x3: {  	s1 =	rddreg [dreg:$0x2]  }
0x4: {  	s0 =	rddreg [dreg:$0x3];
	s3 =	simm.s32 $0x0;
	s4 =	srdreg.scid  }
0x5: {  	s2 =	stileid.u32;
	s16 =	simm.s32 $0x16800;
	s17 =	simm.s32 $0x14080  }
0x6: {  	s18 =	simm.s32 $0x1A800;
	s21 =	simm.s32 $0x1;
	s22 =	simm.s32 $0x2  }
0x7: {  	s23 =	simm.s32 $0x16700;
	s24 =	simm.s32 $0x16780;
	s25 =	simm.s32 $0x0  }
0x8: {  	[smem:$0x7FF] =	sst s3;
	s7 =	sand.u32 $0x1, s4;
	s5 =	sshll.u32 s2, $0x1  }
0x9: {  	s4 =	sadd.s32 $0x61800, s6;
	s10 =	smul.u32 $0x14000, s2;
	s12 =	sadd.s32 $0x4800, s6  }
0xa: {  	s14 =	smul.u32 $0x50000, s2;
	s19 =	sshll.u32 s2, $0x6;
	_ =	strace $0x80000053  }
0xb: {  	s9 =	smul.u32 $0x140000, s7;
	s11 =	sor.u32 s7, s5;
	s5 =	sadd.s32 $0xE800, s6  }
0xc: {  	s7 =	ssub.s32 $0x2, s7;
	s19 =	sor.u32 $0x1C03, s19;
	s13 =	smul.u32 $0x500, s11  }
0xd: {  	s28 =	smul.u32 $0x2800, s11;
	s29 =	sshrl.u32 s7, $0x1;
	s31 =	sshrl.u32 s14, $0x2  }
0xe: {  	s14 =	simm.s32 $0x15400;
	s9 =	sadd.s32 s10, s9;
	s11 =	ssub.s32 s7, s29  }
0xf: {  	s20 =	sadd.s32 s31, s1;
	s9 =	sshrl.u32 s9, $0x3;
	s30 =	sshrl.u32 s28, $0x3  }
0x10: {  	s7 =	sadd.s32 s12, s13;
	s11 =	smax.u32 s11, $0x1;
	s20 =	sshrl.u32 s20, $0x3  }
0x11: {  	s15 =	sadd.s32 s9, s6;
	s6 =	sadd.s32 s8, s13;
	s10 =	sadd.s32 $0x280, s30  }
0x12: {  	s13 =	simm.s32 $0x3;
	s8 =	sadd.s32 s8, s10;
	s9 =	sadd.s32 s12, s10  }
0x13: {  	s10 =	sadd.s32 $0x89800, s15;
	s12 =	simm.s32 $0x14000;
	s15 =	simm.s32 $0x80  }
.LBB2_1:
0x14: {  	[tilespmem:s12], [sflag:$0x3] =	stream.linear.gather [hbm4b:s6+s3], $0x1400, $0x38;
	[tilespmem:$0x1E800] =	vst v63  }
0x15: {  	_ =	swait.ge [sflag:s13], $0x1400  }
0x16: {  	[sflag:s13] =	ssyncset.done $0x0  }
0x17: {  	[sflag:s13] =	ssyncadd.s32 $0xFFFFEC00  }
0x18: {  	[tilespmem:s14], [sflag:$0x3] =	stream.linear.gather [hbm4b:s7+s3], $0x1400, $0x38;
	[tilespmem:$0x1E800] =	vst v63  }
0x19: {  	_ =	swait.ge [sflag:s13], $0x1400  }
0x1a: {  	[sflag:s13] =	ssyncset.done $0x0  }
0x1b: {  	[sflag:s13] =	ssyncadd.s32 $0xFFFFEC00  }
0x1c: {  	[tilespmem:s16], [sflag:$0x1] =	stream.indirect.gather [hbm4b:s4+s15], $0x80, s12, s15, $0xb8;
	[tilespmem:$0x1E800] =	vst v63  }
0x1d: {  	_ = 	snop  }
0x1e: {  	[tilespmem:s18], [sflag:$0x2] =	stream.indirect.gather [hbm4b:s4+s15], $0x80, s17, s15, $0xb8;
	[tilespmem:$0x1E800] =	vst v63  }
0x1f: {  	[spmem:s20], [sflag:s19] =	dma.local [hbm:s5], $0x2800  }
0x20: {  	_ =	swait.ge [sflag:s13], $0x2800  }
0x21: {  	[sflag:s13] =	ssyncset.done $0x0  }
0x22: {  	[sflag:s13] =	ssyncadd.s32 $0xFFFFD800  }
0x23: {  	[bflag:$0x0] =	sbarrier.arrive $0xFFFF  }
0x24: {  	_ =	swait.ge [sflag:s21], $0x4000  }
0x25: {  	[sflag:s21] =	ssyncset.done $0x0  }
0x26: {  	s26 =	simm.s32 $0x15400;
	[sflag:s21] =	ssyncadd.s32 $0xFFFFC000  }
0x27: {  	[spmem:s1] =	stream.indirect.scatter.add.f32 [tilespmem:s16], [sflag:$0x3], $0x80, s26, s15, $0xb8;
	[tilespmem:$0x1E800] =	vst v63  }
0x28: {  	_ =	swait.ge [sflag:s13], $0x4000  }
0x29: {  	[sflag:s13] =	ssyncset.done $0x0  }
0x2a: {  	s30 =	simm.s32 $0x14100;
	[sflag:s13] =	ssyncadd.s32 $0xFFFFC000  }
0x2b: {  	[tilespmem:s16], [sflag:$0x1] =	stream.indirect.gather [hbm4b:s4+s15], $0x80, s30, s15, $0xb8;
	[tilespmem:$0x1E800] =	vst v63  }
0x2c: {  	_ =	swait.ge [sflag:s22], $0x4000  }
0x2d: {  	[sflag:s22] =	ssyncset.done $0x0  }
0x2e: {  	s31 =	simm.s32 $0x15480;
	[sflag:s22] =	ssyncadd.s32 $0xFFFFC000  }
0x2f: {  	[spmem:s1] =	stream.indirect.scatter.add.f32 [tilespmem:s18], [sflag:$0x3], $0x80, s31, s15, $0xb8;
	[tilespmem:$0x1E800] =	vst v63  }
0x30: {  	_ =	swait.ge [sflag:s13], $0x4000  }
0x31: {  	[sflag:s13] =	ssyncset.done $0x0  }
0x32: {  	s28 =	simm.s32 $0x14180;
	s26 =	simm.s32 $0x400;
	[sflag:s13] =	ssyncadd.s32 $0xFFFFC000  }
.LBB2_2:
0x33: {  	[tilespmem:s18], [sflag:$0x2] =	stream.indirect.gather [hbm4b:s4+s15], $0x80, s28, s15, $0xb8;
	[tilespmem:$0x1E800] =	vst v63  }
0x34: {  	s28 =	smov.u32 s26  }
0x35: {  	p0 =	sne.s32 s26, $0x4800;
	s26 =	sadd.s32 $0x400, s26;
	_ =	swait.ge [sflag:s21], $0x4000  }
0x36: {  	s28 =	sshra.s32 s28, $0x2;
	[sflag:s21] =	ssyncset.done $0x0  }
0x37: {  	s29 =	sadd.s32 $0x15400, s28;
	[sflag:s21] =	ssyncadd.s32 $0xFFFFC000  }
0x38: {  	[spmem:s1] =	stream.indirect.scatter.add.f32 [tilespmem:s16], [sflag:$0x3], $0x80, s29, s15, $0xb8;
	[tilespmem:$0x1E800] =	vst v63  }
0x39: {  	_ =	swait.ge [sflag:s13], $0x4000  }
0x3a: {  	[sflag:s13] =	ssyncset.done $0x0  }
0x3b: {  	s29 =	sadd.s32 $0x14100, s28;
	[sflag:s13] =	ssyncadd.s32 $0xFFFFC000  }
0x3c: {  	[tilespmem:s16], [sflag:$0x1] =	stream.indirect.gather [hbm4b:s4+s15], $0x80, s29, s15, $0xb8;
	[tilespmem:$0x1E800] =	vst v63  }
0x3d: {  	_ =	swait.ge [sflag:s22], $0x4000  }
0x3e: {  	[sflag:s22] =	ssyncset.done $0x0  }
.Ltmp0:
0x3f: {  	s29 =	sadd.s32 $0x15480, s28;
	[sflag:s22] =	ssyncadd.s32 $0xFFFFC000;
	(pc) =	sbr.rel @p0 .LBB2_2-.Ltmp0, $4  }
0x40: {  	[spmem:s1] =	stream.indirect.scatter.add.f32 [tilespmem:s18], [sflag:$0x3], $0x80, s29, s15, $0xb8;
	[tilespmem:$0x1E800] =	vst v63  }
0x41: {  	_ =	swait.ge [sflag:s13], $0x4000  }
0x42: {  	[sflag:s13] =	ssyncset.done $0x0  }
0x43: {  	s28 =	sadd.s32 $0x14180, s28;
	[sflag:s13] =	ssyncadd.s32 $0xFFFFC000  }
0x44: {  	[tilespmem:s18], [sflag:$0x2] =	stream.indirect.gather [hbm4b:s4+s15], $0x80, s28, s15, $0xb8;
	[tilespmem:$0x1E800] =	vst v63  }
0x45: {  	_ =	swait.ge [sflag:s21], $0x4000  }
0x46: {  	[sflag:s21] =	ssyncset.done $0x0  }
0x47: {  	[sflag:s21] =	ssyncadd.s32 $0xFFFFC000  }
0x48: {  	[spmem:s1] =	stream.indirect.scatter.add.f32 [tilespmem:s16], [sflag:$0x3], $0x80, s23, s15, $0xb8;
	[tilespmem:$0x1E800] =	vst v63  }
0x49: {  	_ =	swait.ge [sflag:s13], $0x4000  }
0x4a: {  	[sflag:s13] =	ssyncset.done $0x0  }
0x4b: {  	[sflag:s13] =	ssyncadd.s32 $0xFFFFC000  }
0x4c: {  	_ =	swait.ge [sflag:s22], $0x4000  }
0x4d: {  	[sflag:s22] =	ssyncset.done $0x0  }
0x4e: {  	[sflag:s22] =	ssyncadd.s32 $0xFFFFC000  }
0x4f: {  	[spmem:s1] =	stream.indirect.scatter.add.f32 [tilespmem:s18], [sflag:$0x3], $0x80, s24, s15, $0xb8;
	[tilespmem:$0x1E800] =	vst v63  }
0x50: {  	_ =	swait.ge [sflag:s13], $0x4000  }
0x51: {  	[sflag:s13] =	ssyncset.done $0x0  }
0x52: {  	s26 =	simm.s32 $0x0;
	[sflag:s13] =	ssyncadd.s32 $0xFFFFC000  }
0x53: {  	[tilespmem:s12], [sflag:$0x3] =	stream.linear.gather [hbm4b:s8+s26], $0x1400, $0x38;
	[tilespmem:$0x1E800] =	vst v63  }
0x54: {  	_ =	swait.ge [sflag:s13], $0x1400  }
0x55: {  	[sflag:s13] =	ssyncset.done $0x0  }
0x56: {  	[sflag:s13] =	ssyncadd.s32 $0xFFFFEC00  }
0x57: {  	[tilespmem:s14], [sflag:$0x3] =	stream.linear.gather [hbm4b:s9+s26], $0x1400, $0x38;
	[tilespmem:$0x1E800] =	vst v63  }
0x58: {  	_ =	swait.ge [sflag:s13], $0x1400  }
0x59: {  	[sflag:s13] =	ssyncset.done $0x0  }
0x5a: {  	[sflag:s13] =	ssyncadd.s32 $0xFFFFEC00  }
0x5b: {  	[tilespmem:s16], [sflag:$0x1] =	stream.indirect.gather [hbm4b:s4+s15], $0x80, s12, s15, $0xb8;
	[tilespmem:$0x1E800] =	vst v63  }
0x5c: {  	_ = 	snop  }
0x5d: {  	[tilespmem:s18], [sflag:$0x2] =	stream.indirect.gather [hbm4b:s4+s15], $0x80, s17, s15, $0xb8;
	[tilespmem:$0x1E800] =	vst v63  }
0x5e: {  	_ =	swait.ge [sflag:s21], $0x4000  }
0x5f: {  	[sflag:s21] =	ssyncset.done $0x0  }
0x60: {  	s29 =	simm.s32 $0x15400;
	[sflag:s21] =	ssyncadd.s32 $0xFFFFC000  }
0x61: {  	[spmem:s1] =	stream.indirect.scatter.add.f32 [tilespmem:s16], [sflag:$0x3], $0x80, s29, s15, $0xb8;
	[tilespmem:$0x1E800] =	vst v63  }
0x62: {  	_ =	swait.ge [sflag:s13], $0x4000  }
0x63: {  	[sflag:s13] =	ssyncset.done $0x0  }
0x64: {  	s30 =	simm.s32 $0x14100;
	[sflag:s13] =	ssyncadd.s32 $0xFFFFC000  }
0x65: {  	[tilespmem:s16], [sflag:$0x1] =	stream.indirect.gather [hbm4b:s4+s15], $0x80, s30, s15, $0xb8;
	[tilespmem:$0x1E800] =	vst v63  }
0x66: {  	_ =	swait.ge [sflag:s22], $0x4000  }
0x67: {  	[sflag:s22] =	ssyncset.done $0x0  }
0x68: {  	s31 =	simm.s32 $0x15480;
	[sflag:s22] =	ssyncadd.s32 $0xFFFFC000  }
0x69: {  	[spmem:s1] =	stream.indirect.scatter.add.f32 [tilespmem:s18], [sflag:$0x3], $0x80, s31, s15, $0xb8;
	[tilespmem:$0x1E800] =	vst v63  }
0x6a: {  	_ =	swait.ge [sflag:s13], $0x4000  }
0x6b: {  	[sflag:s13] =	ssyncset.done $0x0  }
0x6c: {  	s28 =	simm.s32 $0x14180;
	s26 =	simm.s32 $0x400;
	[sflag:s13] =	ssyncadd.s32 $0xFFFFC000  }
.LBB2_4:
0x6d: {  	[tilespmem:s18], [sflag:$0x2] =	stream.indirect.gather [hbm4b:s4+s15], $0x80, s28, s15, $0xb8;
	[tilespmem:$0x1E800] =	vst v63  }
0x6e: {  	s28 =	smov.u32 s26  }
0x6f: {  	p0 =	sne.s32 s26, $0x4800;
	s26 =	sadd.s32 $0x400, s26;
	_ =	swait.ge [sflag:s21], $0x4000  }
0x70: {  	s28 =	sshra.s32 s28, $0x2;
	[sflag:s21] =	ssyncset.done $0x0  }
0x71: {  	s29 =	sadd.s32 $0x15400, s28;
	[sflag:s21] =	ssyncadd.s32 $0xFFFFC000  }
0x72: {  	[spmem:s1] =	stream.indirect.scatter.add.f32 [tilespmem:s16], [sflag:$0x3], $0x80, s29, s15, $0xb8;
	[tilespmem:$0x1E800] =	vst v63  }
0x73: {  	_ =	swait.ge [sflag:s13], $0x4000  }
0x74: {  	[sflag:s13] =	ssyncset.done $0x0  }
0x75: {  	s29 =	sadd.s32 $0x14100, s28;
	[sflag:s13] =	ssyncadd.s32 $0xFFFFC000  }
0x76: {  	[tilespmem:s16], [sflag:$0x1] =	stream.indirect.gather [hbm4b:s4+s15], $0x80, s29, s15, $0xb8;
	[tilespmem:$0x1E800] =	vst v63  }
0x77: {  	_ =	swait.ge [sflag:s22], $0x4000  }
0x78: {  	[sflag:s22] =	ssyncset.done $0x0  }
.Ltmp1:
0x79: {  	s29 =	sadd.s32 $0x15480, s28;
	[sflag:s22] =	ssyncadd.s32 $0xFFFFC000;
	(pc) =	sbr.rel @p0 .LBB2_4-.Ltmp1, $4  }
0x7a: {  	[spmem:s1] =	stream.indirect.scatter.add.f32 [tilespmem:s18], [sflag:$0x3], $0x80, s29, s15, $0xb8;
	[tilespmem:$0x1E800] =	vst v63  }
0x7b: {  	_ =	swait.ge [sflag:s13], $0x4000  }
0x7c: {  	[sflag:s13] =	ssyncset.done $0x0  }
0x7d: {  	s28 =	sadd.s32 $0x14180, s28;
	[sflag:s13] =	ssyncadd.s32 $0xFFFFC000  }
0x7e: {  	[tilespmem:s18], [sflag:$0x2] =	stream.indirect.gather [hbm4b:s4+s15], $0x80, s28, s15, $0xb8;
	[tilespmem:$0x1E800] =	vst v63  }
0x7f: {  	_ =	swait.ge [sflag:s21], $0x4000  }
0x80: {  	[sflag:s21] =	ssyncset.done $0x0  }
0x81: {  	[sflag:s21] =	ssyncadd.s32 $0xFFFFC000  }
0x82: {  	[spmem:s1] =	stream.indirect.scatter.add.f32 [tilespmem:s16], [sflag:$0x3], $0x80, s23, s15, $0xb8;
	[tilespmem:$0x1E800] =	vst v63  }
0x83: {  	_ =	swait.ge [sflag:s13], $0x4000  }
0x84: {  	[sflag:s13] =	ssyncset.done $0x0  }
0x85: {  	[sflag:s13] =	ssyncadd.s32 $0xFFFFC000  }
0x86: {  	_ =	swait.ge [sflag:s22], $0x4000  }
0x87: {  	[sflag:s22] =	ssyncset.done $0x0  }
0x88: {  	[sflag:s22] =	ssyncadd.s32 $0xFFFFC000  }
0x89: {  	[spmem:s1] =	stream.indirect.scatter.add.f32 [tilespmem:s18], [sflag:$0x3], $0x80, s24, s15, $0xb8;
	[tilespmem:$0x1E800] =	vst v63  }
0x8a: {  	_ =	swait.ge [sflag:s13], $0x4000  }
0x8b: {  	s25 =	sadd.s32 $0x1, s25;
	[sflag:s13] =	ssyncset.done $0x0  }
0x8c: {  	p0 =	sne.s32 s25, s11;
	[sflag:s13] =	ssyncadd.s32 $0xFFFFC000  }
.Ltmp2:
0x8d: {  	[bflag:$0x0] =	sbarrier.arrive $0xFFFF;
	(pc) =	sbr.rel @p0 .LBB2_1-.Ltmp2, $4  }
0x8e: {  	[hbm:s10], [sflag:s19] =	dma.local [spmem:s20], $0x2800  }
0x8f: {  	_ =	swait.ge [sflag:s13], $0x2800  }
0x90: {  	[sflag:s13] =	ssyncset.done $0x0  }
0x91: {  	[sflag:s13] =	ssyncadd.s32 $0xFFFFD800  }
0x92: {  	_ =	sfence.sel $0x180000  }
0x93: {  	[bflag:$0x0] =	sbarrier.arrive $0xFFFF  }
0x94: {  	p0 =	sne.s32 s2, $0x0;
	_ =	strace $0x90000053  }
0x95: {  	s0 =	sadd.s32 @!p0 $0x100000, s0;
	[bflag:$0x2] =	sbarrier.arrive $0xFFFF  }
0x96: {  	[sflag:s0] =	ssyncadd.tile.s32 @!p0 $0x1;
	_ =	shalt  }
.Lfunc_end2:
_tile_overlayer_lowered:
.L_overlay_start_2:
0x97: {  	(tag) =	ssettag $0x2  }
0x98: {  	s0 =	rddreg [dreg:$0x0];
	s2 =	stileid.u32  }
0x99: {  	s1 =	rddreg [dreg:$0x1];
	p0 =	sne.s32 s2, $0x0  }
0x9a: {  	s3 =	rddreg [dreg:$0x2];
	[bflag:$0x3] =	sbarrier.arrive $0xFFFF;
	s2 =	simm.s32 @!p0 $0x1C03  }
0x9b: {  	[timem:s3], [sflag:s2] =	dma.local @!p0 [hbm:s0], s1  }
0x9c: {  	s0 =	simm.s32 @!p0 $0x3  }
0x9d: {  	_ =	swait.ge @!p0 [sflag:s0], s1  }
0x9e: {  	s1 =	ssub.s32 @!p0 $0x0, s1;
	[sflag:s0] =	ssyncset.done @!p0 $0x0  }
0x9f: {  	[sflag:s0] =	ssyncadd.s32 @!p0 s1  }
0xa0: {  	[bflag:$0x3] =	sbarrier.arrive $0xFFFF  }
0xa1: {  	_ =	shalt  }

</sc_bundles>
